<compile_context>
chip_gen: v7x
topology: tpu7x:2x2x1
jax: 0.10.2.dev20260603
libtpu: 0.0.44.dev20260713+nightly
codegen_flags: <defaults>
</compile_context>

<pallas_src>
import functools

import jax
import jax.numpy as jnp
import numpy as np
from jax import lax
from jax.experimental import pallas as pl
from jax.experimental.pallas import tpu as pltpu
from jax.experimental.pallas import tpu_sc as plsc

VOCAB = 100000
HIDDEN = 128
LABELS = 100
BATCH = 4096
SEQ = 200

NC = 2
NS = 16
NW = NC * NS
ROWS_PER_W = BATCH // NW
HALF = SEQ // 2
WORDS = HIDDEN // 2
NLOAD = WORDS // 16
_MASK = np.int32(np.uint32(0xFFFF0000).view(np.int32))

VB = 5000


def _pack_table_tc(table):

    def pack_kernel(xa_ref, xb_ref, o_ref):
        def words(x):
            u = lax.bitcast_convert_type(x, jnp.uint32)
            return (u[:, :WORDS] >> 16) | (u[:, WORDS:] & jnp.uint32(0xFFFF0000))

        o_ref[...] = lax.bitcast_convert_type(
            jnp.concatenate([words(xa_ref[...]), words(xb_ref[...])], axis=1),
            jnp.int32)

    nblk = VOCAB // (2 * VB)
    return pl.pallas_call(
        pack_kernel,
        grid=(nblk,),
        in_specs=[
            pl.BlockSpec((VB, HIDDEN), lambda i: (i, 0)),
            pl.BlockSpec((VB, HIDDEN), lambda i: (i + nblk, 0)),
        ],
        out_specs=pl.BlockSpec((VB, HIDDEN), lambda i: (i, 0)),
        out_shape=jax.ShapeDtypeStruct((VOCAB // 2, HIDDEN), jnp.int32),
    )(table, table)


def _pooled_sum_sc(tab_i32, idx4):
    mesh = plsc.VectorSubcoreMesh(
        core_axis_name="c", subcore_axis_name="s", num_cores=NC, num_subcores=NS
    )

    @functools.partial(
        pl.kernel,
        out_type=jax.ShapeDtypeStruct((BATCH, HIDDEN), jnp.float32),
        mesh=mesh,
        scratch_types=[
            pltpu.VMEM((ROWS_PER_W, 2, HALF), jnp.int32),
            pltpu.VMEM((ROWS_PER_W, 2, HALF), jnp.int32),
            pltpu.VMEM((2, 2, HALF, WORDS), jnp.int32),
            pltpu.VMEM((ROWS_PER_W, HIDDEN), jnp.float32),
            pltpu.SemaphoreType.DMA,
            pltpu.SemaphoreType.DMA,
        ],
        compiler_params=pltpu.CompilerParams(use_tc_tiling_on_sc=False),
    )
    def k(table_hbm, idx_hbm, out_hbm, raw_v, idx_v, rows_v, out_v, semA, semB):
        wid = lax.axis_index("s") * NC + lax.axis_index("c")
        base = wid * ROWS_PER_W

        pltpu.sync_copy(idx_hbm.at[wid], raw_v)

        def remap_row(i):
            for h in range(2):
                for o in (0, 16, 32, 48, 64, 80, 84):
                    v = raw_v[i, h, pl.ds(o, 16)]
                    two = v + v
                    idx_v[i, h, pl.ds(o, 16)] = jnp.where(
                        v < VOCAB // 2, two, two - (VOCAB - 1))

        def start(i, p, sem):
            for h in range(2):
                pltpu.async_copy(
                    table_hbm.at[idx_v.at[i, h]], rows_v.at[p, h], sem)

        def wait(i, p, sem):
            for h in range(2):
                pltpu.make_async_copy(
                    table_hbm.at[idx_v.at[i, h]], rows_v.at[p, h], sem).wait()

        def acc_row(i, p):
            def acc_body(j, acc):
                out = list(acc)
                for h in range(2):
                    for l in range(NLOAD):
                        x = rows_v[p, h, j, pl.ds(16 * l, 16)]
                        lo = lax.bitcast_convert_type(x << 16, jnp.float32)
                        hi = lax.bitcast_convert_type(x & _MASK, jnp.float32)
                        out[l] = out[l] + lo
                        out[NLOAD + l] = out[NLOAD + l] + hi
                return tuple(out)

            acc0 = tuple(jnp.zeros((16,), jnp.float32) for _ in range(8))
            acc = lax.fori_loop(0, HALF, acc_body, acc0)
            for c in range(8):
                out_v[i, pl.ds(16 * c, 16)] = acc[c]

        remap_row(0)
        remap_row(1)
        start(0, 0, semA)

        def pair_body(kk, carry):
            i0 = 2 * kk

            @pl.when(i0 + 2 < ROWS_PER_W)
            def _():
                remap_row(i0 + 2)
                remap_row(i0 + 3)

            start(i0 + 1, 1, semB)
            wait(i0, 0, semA)
            acc_row(i0, 0)

            @pl.when(i0 + 2 < ROWS_PER_W)
            def _():
                start(i0 + 2, 0, semA)

            wait(i0 + 1, 1, semB)
            acc_row(i0 + 1, 1)
            return carry

        lax.fori_loop(0, ROWS_PER_W // 2, pair_body, 0)
        pltpu.sync_copy(out_v, out_hbm.at[pl.ds(base, ROWS_PER_W)])

    return k(tab_i32, idx4)


def _mlp_tc(pooled, inp, t0p, W1t, b1, W2t, b2, W3t, b3):
    BB = 2048

    def mlp_kernel(p_ref, idx_ref, t0_ref, w1_ref, b1_ref, w2_ref, b2_ref,
                   w3_ref, b3_ref, o_ref):
        cnt = jnp.sum((idx_ref[...] == 0).astype(jnp.float32), axis=1,
                      keepdims=True)
        bow = (p_ref[...] - cnt * t0_ref[...]) * (1.0 / SEQ)
        h = jnp.maximum(
            jnp.dot(bow, w1_ref[...], preferred_element_type=jnp.float32)
            + b1_ref[...], 0.0)
        h = jnp.maximum(
            jnp.dot(h, w2_ref[...], preferred_element_type=jnp.float32)
            + b2_ref[...], 0.0)
        o_ref[...] = (
            jnp.dot(h, w3_ref[...], preferred_element_type=jnp.float32)
            + b3_ref[...])

    return pl.pallas_call(
        mlp_kernel,
        grid=(BATCH // BB,),
        in_specs=[
            pl.BlockSpec((BB, HIDDEN), lambda i: (i, 0)),
            pl.BlockSpec((BB, SEQ), lambda i: (i, 0)),
            pl.BlockSpec((1, HIDDEN), lambda i: (0, 0)),
            pl.BlockSpec((HIDDEN, HIDDEN), lambda i: (0, 0)),
            pl.BlockSpec((1, HIDDEN), lambda i: (0, 0)),
            pl.BlockSpec((HIDDEN, HIDDEN), lambda i: (0, 0)),
            pl.BlockSpec((1, HIDDEN), lambda i: (0, 0)),
            pl.BlockSpec((HIDDEN, LABELS), lambda i: (0, 0)),
            pl.BlockSpec((1, LABELS), lambda i: (0, 0)),
        ],
        out_specs=pl.BlockSpec((BB, LABELS), lambda i: (i, 0)),
        out_shape=jax.ShapeDtypeStruct((BATCH, LABELS), jnp.float32),
    )(pooled, inp, t0p, W1t, b1, W2t, b2, W3t, b3)


def kernel(input, table, W1, b1, W2, b2, W3, b3):
    inp = input.astype(jnp.int32)
    idx4 = inp.reshape(NW, ROWS_PER_W, 2, HALF)
    tab_i32 = _pack_table_tc(table).reshape(VOCAB, WORDS)
    pooled = _pooled_sum_sc(tab_i32, idx4)
    w0 = tab_i32[0:1]
    t0p = jnp.concatenate([
        lax.bitcast_convert_type(w0 << 16, jnp.float32),
        lax.bitcast_convert_type(w0 & _MASK, jnp.float32),
    ], axis=1)
    return _mlp_tc(
        pooled, inp, t0p,
        W1.T, b1.reshape(1, HIDDEN),
        W2.T, b2.reshape(1, HIDDEN),
        W3.T, b3.reshape(1, LABELS),
    )

# --- scband reference (transcript-rebuilt; emitter-appended) ---
"""Pipeline reference for scband-bag-of-words-classifier-40664750358921 (READ-ONLY COPY).

The authoritative reference and input builder live on the scoring server;
editing this copy changes nothing except your own understanding.
"""

import jax, jax.numpy as jnp
import numpy as np

VOCAB = 100000
HIDDEN = 128
LABELS = 100
BATCH = 4096
SEQ = 200

def setup_inputs(seed: int = 0) -> dict:
    key = jax.random.key(seed)
    k_idx, k_tab, k_w1, k_b1, k_w2, k_b2, k_w3, k_b3 = jax.random.split(key, 8)
    inp = jax.random.randint(k_idx, (BATCH, SEQ), 0, VOCAB, dtype=jnp.int64 if jax.config.read('jax_enable_x64') else jnp.int32)
    table = jax.random.normal(k_tab, (VOCAB, HIDDEN), dtype=jnp.float32)
    s = 1.0 / np.sqrt(HIDDEN)
    W1 = jax.random.uniform(k_w1, (HIDDEN, HIDDEN), jnp.float32, -s, s)
    b1 = jax.random.uniform(k_b1, (HIDDEN,), jnp.float32, -s, s)
    W2 = jax.random.uniform(k_w2, (HIDDEN, HIDDEN), jnp.float32, -s, s)
    b2 = jax.random.uniform(k_b2, (HIDDEN,), jnp.float32, -s, s)
    W3 = jax.random.uniform(k_w3, (LABELS, HIDDEN), jnp.float32, -s, s)
    b3 = jax.random.uniform(k_b3, (LABELS,), jnp.float32, -s, s)
    return {"input": inp, "table": table, "W1": W1, "b1": b1, "W2": W2, "b2": b2, "W3": W3, "b3": b3}

def reference(input, table, W1, b1, W2, b2, W3, b3):
    # nn.Embedding(padding_idx=0): row 0 is treated as zeros
    table_m = table.at[0].set(0.0)
    bow = jnp.take(table_m, input, axis=0)          # [B, S, H] gather
    bow = bow.mean(axis=1)                           # mean pooling -> [B, H]
    x = jax.nn.relu(bow @ W1.T + b1)
    x = jax.nn.relu(x @ W2.T + b2)
    x = x @ W3.T + b3                                # logits [B, LABELS]
    return x

if __name__ == "__main__":
    import jax
    _d = setup_inputs()
    print(jax.jit(kernel)(*tuple(_d.values())))

</pallas_src>

<mosaic_0001>
#map = affine_map<(d0, d1) -> (0, 0)>
#map1 = affine_map<(d0, d1) -> (0, 0, 0, 0)>
module attributes {stable_mosaic.version = 14 : i64} {
  func.func @k(%arg0: i32, %arg1: i32, %arg2: memref<100000x64xi32, #tpu.memory_space<hbm>>, %arg3: memref<32x128x2x100xi32, #tpu.memory_space<hbm>>, %arg4: memref<4096x128xf32, #tpu.memory_space<hbm>>, %arg5: memref<128x2x100xi32, #tpu.memory_space<vmem>>, %arg6: memref<128x2x100xi32, #tpu.memory_space<vmem>>, %arg7: memref<2x2x100x64xi32, #tpu.memory_space<vmem>>, %arg8: memref<128x128xf32, #tpu.memory_space<vmem>>, %arg9: memref<!tpu.dma_semaphore, #tpu.memory_space<semaphore_mem>>, %arg10: memref<!tpu.dma_semaphore, #tpu.memory_space<semaphore_mem>>) attributes {dimension_semantics = [#tpu.dimension_semantics<core_parallel>, #tpu.dimension_semantics<subcore_parallel>], iteration_bounds = array<i64: 2, 16>, scalar_prefetch = 0 : i64, scratch_operands = 6 : i64, tpu.core_type = #tpu.core_type<sc_vector_subcore>, window_params = [{transform_indices = #map}, {transform_indices = #map1}, {transform_indices = #map}]} {
    %mul3A = arith.constant 2 : i32
    %mul3A_0 = arith.muli %arg1, %mul3A : i32
    %add3A = arith.addi %mul3A_0, %arg0 : i32
    %mul3A_1 = arith.constant 128 : i32
    %mul3A_2 = arith.muli %add3A, %mul3A_1 : i32
    "tpu.region"() ({
      %run_scoped3A = tpu.sem_alloc : memref<!tpu.dma_semaphore, #tpu.memory_space<semaphore_mem>>
      %dma_start3A_674 = arith.constant 0 : i32
      %dma_start3A_675 = arith.constant 0 : i32
      %dma_start3A_676 = arith.constant 0 : i32
      %dma_start3A_677 = tpu.memref_slice %arg3[%add3A, %dma_start3A_674, %dma_start3A_675, %dma_start3A_676] : memref<32x128x2x100xi32, #tpu.memory_space<hbm>> -> memref<1x128x2x100xi32, #tpu.memory_space<hbm>>
      %dma_start3A_678 = tpu.memref_squeeze %dma_start3A_677 : memref<1x128x2x100xi32, #tpu.memory_space<hbm>> -> memref<128x2x100xi32, #tpu.memory_space<hbm>>
      %dma_start3A_679 = arith.constant 0 : i32
      %dma_start3A_680 = arith.constant 0 : i32
      %dma_start3A_681 = arith.constant 0 : i32
      %dma_start3A_682 = tpu.memref_slice %arg3[%add3A, %dma_start3A_679, %dma_start3A_680, %dma_start3A_681] : memref<32x128x2x100xi32, #tpu.memory_space<hbm>> -> memref<1x128x2x100xi32, #tpu.memory_space<hbm>>
      %dma_start3A_683 = tpu.memref_squeeze %dma_start3A_682 : memref<1x128x2x100xi32, #tpu.memory_space<hbm>> -> memref<128x2x100xi32, #tpu.memory_space<hbm>>
      tpu.enqueue_dma source(%dma_start3A_683 : memref<128x2x100xi32, #tpu.memory_space<hbm>>) target(%arg5 : memref<128x2x100xi32, #tpu.memory_space<vmem>>) target_semaphore(%run_scoped3A : memref<!tpu.dma_semaphore, #tpu.memory_space<semaphore_mem>>)
      %dma_wait3A = arith.constant 0 : i32
      %dma_wait3A_684 = arith.constant 0 : i32
      %dma_wait3A_685 = arith.constant 0 : i32
      %dma_wait3A_686 = tpu.memref_slice %arg3[%add3A, %dma_wait3A, %dma_wait3A_684, %dma_wait3A_685] : memref<32x128x2x100xi32, #tpu.memory_space<hbm>> -> memref<1x128x2x100xi32, #tpu.memory_space<hbm>>
      %dma_wait3A_687 = tpu.memref_squeeze %dma_wait3A_686 : memref<1x128x2x100xi32, #tpu.memory_space<hbm>> -> memref<128x2x100xi32, #tpu.memory_space<hbm>>
      %dma_wait3A_688 = arith.constant 0 : i32
      %dma_wait3A_689 = arith.constant 0 : i32
      %dma_wait3A_690 = arith.constant 0 : i32
      %dma_wait3A_691 = tpu.memref_slice %arg3[%add3A, %dma_wait3A_688, %dma_wait3A_689, %dma_wait3A_690] : memref<32x128x2x100xi32, #tpu.memory_space<hbm>> -> memref<1x128x2x100xi32, #tpu.memory_space<hbm>>
      %dma_wait3A_692 = tpu.memref_squeeze %dma_wait3A_691 : memref<1x128x2x100xi32, #tpu.memory_space<hbm>> -> memref<128x2x100xi32, #tpu.memory_space<hbm>>
      tpu.wait_dma2 semaphore(%run_scoped3A : memref<!tpu.dma_semaphore, #tpu.memory_space<semaphore_mem>>) src(%dma_wait3A_692 : memref<128x2x100xi32, #tpu.memory_space<hbm>>) dst(%arg5 : memref<128x2x100xi32, #tpu.memory_space<vmem>>)
      tpu.yield
    }) : () -> ()
    %get3A = arith.constant 0 : i32
    %get3A_3 = arith.constant 0 : i32
    %get3A_4 = arith.index_cast %get3A : i32 to index
    %get3A_5 = arith.index_cast %get3A_3 : i32 to index
    %get3A_6 = arith.constant 0 : index
    %get3A_7 = tpu.vector_load %arg5[%get3A_4, %get3A_5, %get3A_6] {strides = array<i32>} : memref<128x2x100xi32, #tpu.memory_space<vmem>>, vector<1x1x16xi32>,
    %get3A_8 = vector.shape_cast %get3A_7 : vector<1x1x16xi32> to vector<16xi32>
    %add3A_9 = arith.addi %get3A_8, %get3A_8 : vector<16xi32>
    %lt3A = arith.constant 50000 : i32
    %lt3A_10 = vector.broadcast %lt3A : i32 to vector<16xi32>
    %lt3A_11 = arith.cmpi slt, %get3A_8, %lt3A_10 : vector<16xi32>
    %sub3A = arith.constant 99999 : i32
    %sub3A_12 = vector.broadcast %sub3A : i32 to vector<16xi32>
    %sub3A_13 = arith.subi %add3A_9, %sub3A_12 : vector<16xi32>
    %select_n3A = arith.select %lt3A_11, %add3A_9, %sub3A_13 : vector<16xi1>, vector<16xi32>
    %swap3A = arith.constant 0 : i32
    %swap3A_14 = arith.constant 0 : i32
    %swap3A_15 = arith.index_cast %swap3A : i32 to index
    %swap3A_16 = arith.index_cast %swap3A_14 : i32 to index
    %swap3A_17 = arith.constant 0 : index
    %swap3A_18 = tpu.vector_load %arg6[%swap3A_15, %swap3A_16, %swap3A_17] {strides = array<i32>} : memref<128x2x100xi32, #tpu.memory_space<vmem>>, vector<1x1x16xi32>,
    %swap3A_19 = vector.shape_cast %swap3A_18 : vector<1x1x16xi32> to vector<16xi32>
    %swap3A_20 = vector.shape_cast %select_n3A : vector<16xi32> to vector<1x1x16xi32>
    tpu.vector_store %arg6[%swap3A_15, %swap3A_16, %swap3A_17], %swap3A_20 {strides = array<i32>} : memref<128x2x100xi32, #tpu.memory_space<vmem>>, vector<1x1x16xi32>,
    %get3A_21 = arith.constant 0 : i32
    %get3A_22 = arith.constant 0 : i32
    %get3A_23 = arith.index_cast %get3A_21 : i32 to index
    %get3A_24 = arith.index_cast %get3A_22 : i32 to index
    %get3A_25 = arith.constant 16 : index
    %get3A_26 = tpu.vector_load %arg5[%get3A_23, %get3A_24, %get3A_25] {strides = array<i32>} : memref<128x2x100xi32, #tpu.memory_space<vmem>>, vector<1x1x16xi32>,
    %get3A_27 = vector.shape_cast %get3A_26 : vector<1x1x16xi32> to vector<16xi32>
    %add3A_28 = arith.addi %get3A_27, %get3A_27 : vector<16xi32>
    %lt3A_29 = arith.constant 50000 : i32
    %lt3A_30 = vector.broadcast %lt3A_29 : i32 to vector<16xi32>
    %lt3A_31 = arith.cmpi slt, %get3A_27, %lt3A_30 : vector<16xi32>
    %sub3A_32 = arith.constant 99999 : i32
    %sub3A_33 = vector.broadcast %sub3A_32 : i32 to vector<16xi32>
    %sub3A_34 = arith.subi %add3A_28, %sub3A_33 : vector<16xi32>
    %select_n3A_35 = arith.select %lt3A_31, %add3A_28, %sub3A_34 : vector<16xi1>, vector<16xi32>
    %swap3A_36 = arith.constant 0 : i32
    %swap3A_37 = arith.constant 0 : i32
    %swap3A_38 = arith.index_cast %swap3A_36 : i32 to index
    %swap3A_39 = arith.index_cast %swap3A_37 : i32 to index
    %swap3A_40 = arith.constant 16 : index
    %swap3A_41 = tpu.vector_load %arg6[%swap3A_38, %swap3A_39, %swap3A_40] {strides = array<i32>} : memref<128x2x100xi32, #tpu.memory_space<vmem>>, vector<1x1x16xi32>,
    %swap3A_42 = vector.shape_cast %swap3A_41 : vector<1x1x16xi32> to vector<16xi32>
    %swap3A_43 = vector.shape_cast %select_n3A_35 : vector<16xi32> to vector<1x1x16xi32>
    tpu.vector_store %arg6[%swap3A_38, %swap3A_39, %swap3A_40], %swap3A_43 {strides = array<i32>} : memref<128x2x100xi32, #tpu.memory_space<vmem>>, vector<1x1x16xi32>,
    %get3A_44 = arith.constant 0 : i32
    %get3A_45 = arith.constant 0 : i32
    %get3A_46 = arith.index_cast %get3A_44 : i32 to index
    %get3A_47 = arith.index_cast %get3A_45 : i32 to index
    %get3A_48 = arith.constant 32 : index
    %get3A_49 = tpu.vector_load %arg5[%get3A_46, %get3A_47, %get3A_48] {strides = array<i32>} : memref<128x2x100xi32, #tpu.memory_space<vmem>>, vector<1x1x16xi32>,
    %get3A_50 = vector.shape_cast %get3A_49 : vector<1x1x16xi32> to vector<16xi32>
    %add3A_51 = arith.addi %get3A_50, %get3A_50 : vector<16xi32>
    %lt3A_52 = arith.constant 50000 : i32
    %lt3A_53 = vector.broadcast %lt3A_52 : i32 to vector<16xi32>
    %lt3A_54 = arith.cmpi slt, %get3A_50, %lt3A_53 : vector<16xi32>
    %sub3A_55 = arith.constant 99999 : i32
    %sub3A_56 = vector.broadcast %sub3A_55 : i32 to vector<16xi32>
    %sub3A_57 = arith.subi %add3A_51, %sub3A_56 : vector<16xi32>
    %select_n3A_58 = arith.select %lt3A_54, %add3A_51, %sub3A_57 : vector<16xi1>, vector<16xi32>
    %swap3A_59 = arith.constant 0 : i32
    %swap3A_60 = arith.constant 0 : i32
    %swap3A_61 = arith.index_cast %swap3A_59 : i32 to index
    %swap3A_62 = arith.index_cast %swap3A_60 : i32 to index
    %swap3A_63 = arith.constant 32 : index
    %swap3A_64 = tpu.vector_load %arg6[%swap3A_61, %swap3A_62, %swap3A_63] {strides = array<i32>} : memref<128x2x100xi32, #tpu.memory_space<vmem>>, vector<1x1x16xi32>,
    %swap3A_65 = vector.shape_cast %swap3A_64 : vector<1x1x16xi32> to vector<16xi32>
    %swap3A_66 = vector.shape_cast %select_n3A_58 : vector<16xi32> to vector<1x1x16xi32>
    tpu.vector_store %arg6[%swap3A_61, %swap3A_62, %swap3A_63], %swap3A_66 {strides = array<i32>} : memref<128x2x100xi32, #tpu.memory_space<vmem>>, vector<1x1x16xi32>,
    %get3A_67 = arith.constant 0 : i32
    %get3A_68 = arith.constant 0 : i32
    %get3A_69 = arith.index_cast %get3A_67 : i32 to index
    %get3A_70 = arith.index_cast %get3A_68 : i32 to index
    %get3A_71 = arith.constant 48 : index
    %get3A_72 = tpu.vector_load %arg5[%get3A_69, %get3A_70, %get3A_71] {strides = array<i32>} : memref<128x2x100xi32, #tpu.memory_space<vmem>>, vector<1x1x16xi32>,
    %get3A_73 = vector.shape_cast %get3A_72 : vector<1x1x16xi32> to vector<16xi32>
    %add3A_74 = arith.addi %get3A_73, %get3A_73 : vector<16xi32>
    %lt3A_75 = arith.constant 50000 : i32
    %lt3A_76 = vector.broadcast %lt3A_75 : i32 to vector<16xi32>
    %lt3A_77 = arith.cmpi slt, %get3A_73, %lt3A_76 : vector<16xi32>
    %sub3A_78 = arith.constant 99999 : i32
    %sub3A_79 = vector.broadcast %sub3A_78 : i32 to vector<16xi32>
    %sub3A_80 = arith.subi %add3A_74, %sub3A_79 : vector<16xi32>
    %select_n3A_81 = arith.select %lt3A_77, %add3A_74, %sub3A_80 : vector<16xi1>, vector<16xi32>
    %swap3A_82 = arith.constant 0 : i32
    %swap3A_83 = arith.constant 0 : i32
    %swap3A_84 = arith.index_cast %swap3A_82 : i32 to index
    %swap3A_85 = arith.index_cast %swap3A_83 : i32 to index
    %swap3A_86 = arith.constant 48 : index
    %swap3A_87 = tpu.vector_load %arg6[%swap3A_84, %swap3A_85, %swap3A_86] {strides = array<i32>} : memref<128x2x100xi32, #tpu.memory_space<vmem>>, vector<1x1x16xi32>,
    %swap3A_88 = vector.shape_cast %swap3A_87 : vector<1x1x16xi32> to vector<16xi32>
    %swap3A_89 = vector.shape_cast %select_n3A_81 : vector<16xi32> to vector<1x1x16xi32>
    tpu.vector_store %arg6[%swap3A_84, %swap3A_85, %swap3A_86], %swap3A_89 {strides = array<i32>} : memref<128x2x100xi32, #tpu.memory_space<vmem>>, vector<1x1x16xi32>,
    %get3A_90 = arith.constant 0 : i32
    %get3A_91 = arith.constant 0 : i32
    %get3A_92 = arith.index_cast %get3A_90 : i32 to index
    %get3A_93 = arith.index_cast %get3A_91 : i32 to index
    %get3A_94 = arith.constant 64 : index
    %get3A_95 = tpu.vector_load %arg5[%get3A_92, %get3A_93, %get3A_94] {strides = array<i32>} : memref<128x2x100xi32, #tpu.memory_space<vmem>>, vector<1x1x16xi32>,
    %get3A_96 = vector.shape_cast %get3A_95 : vector<1x1x16xi32> to vector<16xi32>
    %add3A_97 = arith.addi %get3A_96, %get3A_96 : vector<16xi32>
    %lt3A_98 = arith.constant 50000 : i32
    %lt3A_99 = vector.broadcast %lt3A_98 : i32 to vector<16xi32>
    %lt3A_100 = arith.cmpi slt, %get3A_96, %lt3A_99 : vector<16xi32>
    %sub3A_101 = arith.constant 99999 : i32
    %sub3A_102 = vector.broadcast %sub3A_101 : i32 to vector<16xi32>
    %sub3A_103 = arith.subi %add3A_97, %sub3A_102 : vector<16xi32>
    %select_n3A_104 = arith.select %lt3A_100, %add3A_97, %sub3A_103 : vector<16xi1>, vector<16xi32>
    %swap3A_105 = arith.constant 0 : i32
    %swap3A_106 = arith.constant 0 : i32
    %swap3A_107 = arith.index_cast %swap3A_105 : i32 to index
    %swap3A_108 = arith.index_cast %swap3A_106 : i32 to index
    %swap3A_109 = arith.constant 64 : index
    %swap3A_110 = tpu.vector_load %arg6[%swap3A_107, %swap3A_108, %swap3A_109] {strides = array<i32>} : memref<128x2x100xi32, #tpu.memory_space<vmem>>, vector<1x1x16xi32>,
    %swap3A_111 = vector.shape_cast %swap3A_110 : vector<1x1x16xi32> to vector<16xi32>
    %swap3A_112 = vector.shape_cast %select_n3A_104 : vector<16xi32> to vector<1x1x16xi32>
    tpu.vector_store %arg6[%swap3A_107, %swap3A_108, %swap3A_109], %swap3A_112 {strides = array<i32>} : memref<128x2x100xi32, #tpu.memory_space<vmem>>, vector<1x1x16xi32>,
    %get3A_113 = arith.constant 0 : i32
    %get3A_114 = arith.constant 0 : i32
    %get3A_115 = arith.index_cast %get3A_113 : i32 to index
    %get3A_116 = arith.index_cast %get3A_114 : i32 to index
    %get3A_117 = arith.constant 80 : index
    %get3A_118 = tpu.vector_load %arg5[%get3A_115, %get3A_116, %get3A_117] {strides = array<i32>} : memref<128x2x100xi32, #tpu.memory_space<vmem>>, vector<1x1x16xi32>,
    %get3A_119 = vector.shape_cast %get3A_118 : vector<1x1x16xi32> to vector<16xi32>
    %add3A_120 = arith.addi %get3A_119, %get3A_119 : vector<16xi32>
    %lt3A_121 = arith.constant 50000 : i32
    %lt3A_122 = vector.broadcast %lt3A_121 : i32 to vector<16xi32>
    %lt3A_123 = arith.cmpi slt, %get3A_119, %lt3A_122 : vector<16xi32>
    %sub3A_124 = arith.constant 99999 : i32
    %sub3A_125 = vector.broadcast %sub3A_124 : i32 to vector<16xi32>
    %sub3A_126 = arith.subi %add3A_120, %sub3A_125 : vector<16xi32>
    %select_n3A_127 = arith.select %lt3A_123, %add3A_120, %sub3A_126 : vector<16xi1>, vector<16xi32>
    %swap3A_128 = arith.constant 0 : i32
    %swap3A_129 = arith.constant 0 : i32
    %swap3A_130 = arith.index_cast %swap3A_128 : i32 to index
    %swap3A_131 = arith.index_cast %swap3A_129 : i32 to index
    %swap3A_132 = arith.constant 80 : index
    %swap3A_133 = tpu.vector_load %arg6[%swap3A_130, %swap3A_131, %swap3A_132] {strides = array<i32>} : memref<128x2x100xi32, #tpu.memory_space<vmem>>, vector<1x1x16xi32>,
    %swap3A_134 = vector.shape_cast %swap3A_133 : vector<1x1x16xi32> to vector<16xi32>
    %swap3A_135 = vector.shape_cast %select_n3A_127 : vector<16xi32> to vector<1x1x16xi32>
    tpu.vector_store %arg6[%swap3A_130, %swap3A_131, %swap3A_132], %swap3A_135 {strides = array<i32>} : memref<128x2x100xi32, #tpu.memory_space<vmem>>, vector<1x1x16xi32>,
    %get3A_136 = arith.constant 0 : i32
    %get3A_137 = arith.constant 0 : i32
    %get3A_138 = arith.index_cast %get3A_136 : i32 to index
    %get3A_139 = arith.index_cast %get3A_137 : i32 to index
    %get3A_140 = arith.constant 84 : index
    %get3A_141 = tpu.vector_load %arg5[%get3A_138, %get3A_139, %get3A_140] {strides = array<i32>} : memref<128x2x100xi32, #tpu.memory_space<vmem>>, vector<1x1x16xi32>,
    %get3A_142 = vector.shape_cast %get3A_141 : vector<1x1x16xi32> to vector<16xi32>
    %add3A_143 = arith.addi %get3A_142, %get3A_142 : vector<16xi32>
    %lt3A_144 = arith.constant 50000 : i32
    %lt3A_145 = vector.broadcast %lt3A_144 : i32 to vector<16xi32>
    %lt3A_146 = arith.cmpi slt, %get3A_142, %lt3A_145 : vector<16xi32>
    %sub3A_147 = arith.constant 99999 : i32
    %sub3A_148 = vector.broadcast %sub3A_147 : i32 to vector<16xi32>
    %sub3A_149 = arith.subi %add3A_143, %sub3A_148 : vector<16xi32>
    %select_n3A_150 = arith.select %lt3A_146, %add3A_143, %sub3A_149 : vector<16xi1>, vector<16xi32>
    %swap3A_151 = arith.constant 0 : i32
    %swap3A_152 = arith.constant 0 : i32
    %swap3A_153 = arith.index_cast %swap3A_151 : i32 to index
    %swap3A_154 = arith.index_cast %swap3A_152 : i32 to index
    %swap3A_155 = arith.constant 84 : index
    %swap3A_156 = tpu.vector_load %arg6[%swap3A_153, %swap3A_154, %swap3A_155] {strides = array<i32>} : memref<128x2x100xi32, #tpu.memory_space<vmem>>, vector<1x1x16xi32>,
    %swap3A_157 = vector.shape_cast %swap3A_156 : vector<1x1x16xi32> to vector<16xi32>
    %swap3A_158 = vector.shape_cast %select_n3A_150 : vector<16xi32> to vector<1x1x16xi32>
    tpu.vector_store %arg6[%swap3A_153, %swap3A_154, %swap3A_155], %swap3A_158 {strides = array<i32>} : memref<128x2x100xi32, #tpu.memory_space<vmem>>, vector<1x1x16xi32>,
    %get3A_159 = arith.constant 0 : i32
    %get3A_160 = arith.constant 1 : i32
    %get3A_161 = arith.index_cast %get3A_159 : i32 to index
    %get3A_162 = arith.index_cast %get3A_160 : i32 to index
    %get3A_163 = arith.constant 0 : index
    %get3A_164 = tpu.vector_load %arg5[%get3A_161, %get3A_162, %get3A_163] {strides = array<i32>} : memref<128x2x100xi32, #tpu.memory_space<vmem>>, vector<1x1x16xi32>,
    %get3A_165 = vector.shape_cast %get3A_164 : vector<1x1x16xi32> to vector<16xi32>
    %add3A_166 = arith.addi %get3A_165, %get3A_165 : vector<16xi32>
    %lt3A_167 = arith.constant 50000 : i32
    %lt3A_168 = vector.broadcast %lt3A_167 : i32 to vector<16xi32>
    %lt3A_169 = arith.cmpi slt, %get3A_165, %lt3A_168 : vector<16xi32>
    %sub3A_170 = arith.constant 99999 : i32
    %sub3A_171 = vector.broadcast %sub3A_170 : i32 to vector<16xi32>
    %sub3A_172 = arith.subi %add3A_166, %sub3A_171 : vector<16xi32>
    %select_n3A_173 = arith.select %lt3A_169, %add3A_166, %sub3A_172 : vector<16xi1>, vector<16xi32>
    %swap3A_174 = arith.constant 0 : i32
    %swap3A_175 = arith.constant 1 : i32
    %swap3A_176 = arith.index_cast %swap3A_174 : i32 to index
    %swap3A_177 = arith.index_cast %swap3A_175 : i32 to index
    %swap3A_178 = arith.constant 0 : index
    %swap3A_179 = tpu.vector_load %arg6[%swap3A_176, %swap3A_177, %swap3A_178] {strides = array<i32>} : memref<128x2x100xi32, #tpu.memory_space<vmem>>, vector<1x1x16xi32>,
    %swap3A_180 = vector.shape_cast %swap3A_179 : vector<1x1x16xi32> to vector<16xi32>
    %swap3A_181 = vector.shape_cast %select_n3A_173 : vector<16xi32> to vector<1x1x16xi32>
    tpu.vector_store %arg6[%swap3A_176, %swap3A_177, %swap3A_178], %swap3A_181 {strides = array<i32>} : memref<128x2x100xi32, #tpu.memory_space<vmem>>, vector<1x1x16xi32>,
    %get3A_182 = arith.constant 0 : i32
    %get3A_183 = arith.constant 1 : i32
    %get3A_184 = arith.index_cast %get3A_182 : i32 to index
    %get3A_185 = arith.index_cast %get3A_183 : i32 to index
    %get3A_186 = arith.constant 16 : index
    %get3A_187 = tpu.vector_load %arg5[%get3A_184, %get3A_185, %get3A_186] {strides = array<i32>} : memref<128x2x100xi32, #tpu.memory_space<vmem>>, vector<1x1x16xi32>,
    %get3A_188 = vector.shape_cast %get3A_187 : vector<1x1x16xi32> to vector<16xi32>
    %add3A_189 = arith.addi %get3A_188, %get3A_188 : vector<16xi32>
    %lt3A_190 = arith.constant 50000 : i32
    %lt3A_191 = vector.broadcast %lt3A_190 : i32 to vector<16xi32>
    %lt3A_192 = arith.cmpi slt, %get3A_188, %lt3A_191 : vector<16xi32>
    %sub3A_193 = arith.constant 99999 : i32
    %sub3A_194 = vector.broadcast %sub3A_193 : i32 to vector<16xi32>
    %sub3A_195 = arith.subi %add3A_189, %sub3A_194 : vector<16xi32>
    %select_n3A_196 = arith.select %lt3A_192, %add3A_189, %sub3A_195 : vector<16xi1>, vector<16xi32>
    %swap3A_197 = arith.constant 0 : i32
    %swap3A_198 = arith.constant 1 : i32
    %swap3A_199 = arith.index_cast %swap3A_197 : i32 to index
    %swap3A_200 = arith.index_cast %swap3A_198 : i32 to index
    %swap3A_201 = arith.constant 16 : index
    %swap3A_202 = tpu.vector_load %arg6[%swap3A_199, %swap3A_200, %swap3A_201] {strides = array<i32>} : memref<128x2x100xi32, #tpu.memory_space<vmem>>, vector<1x1x16xi32>,
    %swap3A_203 = vector.shape_cast %swap3A_202 : vector<1x1x16xi32> to vector<16xi32>
    %swap3A_204 = vector.shape_cast %select_n3A_196 : vector<16xi32> to vector<1x1x16xi32>
    tpu.vector_store %arg6[%swap3A_199, %swap3A_200, %swap3A_201], %swap3A_204 {strides = array<i32>} : memref<128x2x100xi32, #tpu.memory_space<vmem>>, vector<1x1x16xi32>,
    %get3A_205 = arith.constant 0 : i32
    %get3A_206 = arith.constant 1 : i32
    %get3A_207 = arith.index_cast %get3A_205 : i32 to index
    %get3A_208 = arith.index_cast %get3A_206 : i32 to index
    %get3A_209 = arith.constant 32 : index
    %get3A_210 = tpu.vector_load %arg5[%get3A_207, %get3A_208, %get3A_209] {strides = array<i32>} : memref<128x2x100xi32, #tpu.memory_space<vmem>>, vector<1x1x16xi32>,
    %get3A_211 = vector.shape_cast %get3A_210 : vector<1x1x16xi32> to vector<16xi32>
    %add3A_212 = arith.addi %get3A_211, %get3A_211 : vector<16xi32>
    %lt3A_213 = arith.constant 50000 : i32
    %lt3A_214 = vector.broadcast %lt3A_213 : i32 to vector<16xi32>
    %lt3A_215 = arith.cmpi slt, %get3A_211, %lt3A_214 : vector<16xi32>
    %sub3A_216 = arith.constant 99999 : i32
    %sub3A_217 = vector.broadcast %sub3A_216 : i32 to vector<16xi32>
    %sub3A_218 = arith.subi %add3A_212, %sub3A_217 : vector<16xi32>
    %select_n3A_219 = arith.select %lt3A_215, %add3A_212, %sub3A_218 : vector<16xi1>, vector<16xi32>
    %swap3A_220 = arith.constant 0 : i32
    %swap3A_221 = arith.constant 1 : i32
    %swap3A_222 = arith.index_cast %swap3A_220 : i32 to index
    %swap3A_223 = arith.index_cast %swap3A_221 : i32 to index
    %swap3A_224 = arith.constant 32 : index
    %swap3A_225 = tpu.vector_load %arg6[%swap3A_222, %swap3A_223, %swap3A_224] {strides = array<i32>} : memref<128x2x100xi32, #tpu.memory_space<vmem>>, vector<1x1x16xi32>,
    %swap3A_226 = vector.shape_cast %swap3A_225 : vector<1x1x16xi32> to vector<16xi32>
    %swap3A_227 = vector.shape_cast %select_n3A_219 : vector<16xi32> to vector<1x1x16xi32>
    tpu.vector_store %arg6[%swap3A_222, %swap3A_223, %swap3A_224], %swap3A_227 {strides = array<i32>} : memref<128x2x100xi32, #tpu.memory_space<vmem>>, vector<1x1x16xi32>,
    %get3A_228 = arith.constant 0 : i32
    %get3A_229 = arith.constant 1 : i32
    %get3A_230 = arith.index_cast %get3A_228 : i32 to index
    %get3A_231 = arith.index_cast %get3A_229 : i32 to index
    %get3A_232 = arith.constant 48 : index
    %get3A_233 = tpu.vector_load %arg5[%get3A_230, %get3A_231, %get3A_232] {strides = array<i32>} : memref<128x2x100xi32, #tpu.memory_space<vmem>>, vector<1x1x16xi32>,
    %get3A_234 = vector.shape_cast %get3A_233 : vector<1x1x16xi32> to vector<16xi32>
    %add3A_235 = arith.addi %get3A_234, %get3A_234 : vector<16xi32>
    %lt3A_236 = arith.constant 50000 : i32
    %lt3A_237 = vector.broadcast %lt3A_236 : i32 to vector<16xi32>
    %lt3A_238 = arith.cmpi slt, %get3A_234, %lt3A_237 : vector<16xi32>
    %sub3A_239 = arith.constant 99999 : i32
    %sub3A_240 = vector.broadcast %sub3A_239 : i32 to vector<16xi32>
    %sub3A_241 = arith.subi %add3A_235, %sub3A_240 : vector<16xi32>
    %select_n3A_242 = arith.select %lt3A_238, %add3A_235, %sub3A_241 : vector<16xi1>, vector<16xi32>
    %swap3A_243 = arith.constant 0 : i32
    %swap3A_244 = arith.constant 1 : i32
    %swap3A_245 = arith.index_cast %swap3A_243 : i32 to index
    %swap3A_246 = arith.index_cast %swap3A_244 : i32 to index
    %swap3A_247 = arith.constant 48 : index
    %swap3A_248 = tpu.vector_load %arg6[%swap3A_245, %swap3A_246, %swap3A_247] {strides = array<i32>} : memref<128x2x100xi32, #tpu.memory_space<vmem>>, vector<1x1x16xi32>,
    %swap3A_249 = vector.shape_cast %swap3A_248 : vector<1x1x16xi32> to vector<16xi32>
    %swap3A_250 = vector.shape_cast %select_n3A_242 : vector<16xi32> to vector<1x1x16xi32>
    tpu.vector_store %arg6[%swap3A_245, %swap3A_246, %swap3A_247], %swap3A_250 {strides = array<i32>} : memref<128x2x100xi32, #tpu.memory_space<vmem>>, vector<1x1x16xi32>,
    %get3A_251 = arith.constant 0 : i32
    %get3A_252 = arith.constant 1 : i32
    %get3A_253 = arith.index_cast %get3A_251 : i32 to index
    %get3A_254 = arith.index_cast %get3A_252 : i32 to index
    %get3A_255 = arith.constant 64 : index
    %get3A_256 = tpu.vector_load %arg5[%get3A_253, %get3A_254, %get3A_255] {strides = array<i32>} : memref<128x2x100xi32, #tpu.memory_space<vmem>>, vector<1x1x16xi32>,
    %get3A_257 = vector.shape_cast %get3A_256 : vector<1x1x16xi32> to vector<16xi32>
    %add3A_258 = arith.addi %get3A_257, %get3A_257 : vector<16xi32>
    %lt3A_259 = arith.constant 50000 : i32
    %lt3A_260 = vector.broadcast %lt3A_259 : i32 to vector<16xi32>
    %lt3A_261 = arith.cmpi slt, %get3A_257, %lt3A_260 : vector<16xi32>
    %sub3A_262 = arith.constant 99999 : i32
    %sub3A_263 = vector.broadcast %sub3A_262 : i32 to vector<16xi32>
    %sub3A_264 = arith.subi %add3A_258, %sub3A_263 : vector<16xi32>
    %select_n3A_265 = arith.select %lt3A_261, %add3A_258, %sub3A_264 : vector<16xi1>, vector<16xi32>
    %swap3A_266 = arith.constant 0 : i32
    %swap3A_267 = arith.constant 1 : i32
    %swap3A_268 = arith.index_cast %swap3A_266 : i32 to index
    %swap3A_269 = arith.index_cast %swap3A_267 : i32 to index
    %swap3A_270 = arith.constant 64 : index
    %swap3A_271 = tpu.vector_load %arg6[%swap3A_268, %swap3A_269, %swap3A_270] {strides = array<i32>} : memref<128x2x100xi32, #tpu.memory_space<vmem>>, vector<1x1x16xi32>,
    %swap3A_272 = vector.shape_cast %swap3A_271 : vector<1x1x16xi32> to vector<16xi32>
    %swap3A_273 = vector.shape_cast %select_n3A_265 : vector<16xi32> to vector<1x1x16xi32>
    tpu.vector_store %arg6[%swap3A_268, %swap3A_269, %swap3A_270], %swap3A_273 {strides = array<i32>} : memref<128x2x100xi32, #tpu.memory_space<vmem>>, vector<1x1x16xi32>,
    %get3A_274 = arith.constant 0 : i32
    %get3A_275 = arith.constant 1 : i32
    %get3A_276 = arith.index_cast %get3A_274 : i32 to index
    %get3A_277 = arith.index_cast %get3A_275 : i32 to index
    %get3A_278 = arith.constant 80 : index
    %get3A_279 = tpu.vector_load %arg5[%get3A_276, %get3A_277, %get3A_278] {strides = array<i32>} : memref<128x2x100xi32, #tpu.memory_space<vmem>>, vector<1x1x16xi32>,
    %get3A_280 = vector.shape_cast %get3A_279 : vector<1x1x16xi32> to vector<16xi32>
    %add3A_281 = arith.addi %get3A_280, %get3A_280 : vector<16xi32>
    %lt3A_282 = arith.constant 50000 : i32
    %lt3A_283 = vector.broadcast %lt3A_282 : i32 to vector<16xi32>
    %lt3A_284 = arith.cmpi slt, %get3A_280, %lt3A_283 : vector<16xi32>
    %sub3A_285 = arith.constant 99999 : i32
    %sub3A_286 = vector.broadcast %sub3A_285 : i32 to vector<16xi32>
    %sub3A_287 = arith.subi %add3A_281, %sub3A_286 : vector<16xi32>
    %select_n3A_288 = arith.select %lt3A_284, %add3A_281, %sub3A_287 : vector<16xi1>, vector<16xi32>
    %swap3A_289 = arith.constant 0 : i32
    %swap3A_290 = arith.constant 1 : i32
    %swap3A_291 = arith.index_cast %swap3A_289 : i32 to index
    %swap3A_292 = arith.index_cast %swap3A_290 : i32 to index
    %swap3A_293 = arith.constant 80 : index
    %swap3A_294 = tpu.vector_load %arg6[%swap3A_291, %swap3A_292, %swap3A_293] {strides = array<i32>} : memref<128x2x100xi32, #tpu.memory_space<vmem>>, vector<1x1x16xi32>,
    %swap3A_295 = vector.shape_cast %swap3A_294 : vector<1x1x16xi32> to vector<16xi32>
    %swap3A_296 = vector.shape_cast %select_n3A_288 : vector<16xi32> to vector<1x1x16xi32>
    tpu.vector_store %arg6[%swap3A_291, %swap3A_292, %swap3A_293], %swap3A_296 {strides = array<i32>} : memref<128x2x100xi32, #tpu.memory_space<vmem>>, vector<1x1x16xi32>,
    %get3A_297 = arith.constant 0 : i32
    %get3A_298 = arith.constant 1 : i32
    %get3A_299 = arith.index_cast %get3A_297 : i32 to index
    %get3A_300 = arith.index_cast %get3A_298 : i32 to index
    %get3A_301 = arith.constant 84 : index
    %get3A_302 = tpu.vector_load %arg5[%get3A_299, %get3A_300, %get3A_301] {strides = array<i32>} : memref<128x2x100xi32, #tpu.memory_space<vmem>>, vector<1x1x16xi32>,
    %get3A_303 = vector.shape_cast %get3A_302 : vector<1x1x16xi32> to vector<16xi32>
    %add3A_304 = arith.addi %get3A_303, %get3A_303 : vector<16xi32>
    %lt3A_305 = arith.constant 50000 : i32
    %lt3A_306 = vector.broadcast %lt3A_305 : i32 to vector<16xi32>
    %lt3A_307 = arith.cmpi slt, %get3A_303, %lt3A_306 : vector<16xi32>
    %sub3A_308 = arith.constant 99999 : i32
    %sub3A_309 = vector.broadcast %sub3A_308 : i32 to vector<16xi32>
    %sub3A_310 = arith.subi %add3A_304, %sub3A_309 : vector<16xi32>
    %select_n3A_311 = arith.select %lt3A_307, %add3A_304, %sub3A_310 : vector<16xi1>, vector<16xi32>
    %swap3A_312 = arith.constant 0 : i32
    %swap3A_313 = arith.constant 1 : i32
    %swap3A_314 = arith.index_cast %swap3A_312 : i32 to index
    %swap3A_315 = arith.index_cast %swap3A_313 : i32 to index
    %swap3A_316 = arith.constant 84 : index
    %swap3A_317 = tpu.vector_load %arg6[%swap3A_314, %swap3A_315, %swap3A_316] {strides = array<i32>} : memref<128x2x100xi32, #tpu.memory_space<vmem>>, vector<1x1x16xi32>,
    %swap3A_318 = vector.shape_cast %swap3A_317 : vector<1x1x16xi32> to vector<16xi32>
    %swap3A_319 = vector.shape_cast %select_n3A_311 : vector<16xi32> to vector<1x1x16xi32>
    tpu.vector_store %arg6[%swap3A_314, %swap3A_315, %swap3A_316], %swap3A_319 {strides = array<i32>} : memref<128x2x100xi32, #tpu.memory_space<vmem>>, vector<1x1x16xi32>,
    %get3A_320 = arith.constant 1 : i32
    %get3A_321 = arith.constant 0 : i32
    %get3A_322 = arith.index_cast %get3A_320 : i32 to index
    %get3A_323 = arith.index_cast %get3A_321 : i32 to index
    %get3A_324 = arith.constant 0 : index
    %get3A_325 = tpu.vector_load %arg5[%get3A_322, %get3A_323, %get3A_324] {strides = array<i32>} : memref<128x2x100xi32, #tpu.memory_space<vmem>>, vector<1x1x16xi32>,
    %get3A_326 = vector.shape_cast %get3A_325 : vector<1x1x16xi32> to vector<16xi32>
    %add3A_327 = arith.addi %get3A_326, %get3A_326 : vector<16xi32>
    %lt3A_328 = arith.constant 50000 : i32
    %lt3A_329 = vector.broadcast %lt3A_328 : i32 to vector<16xi32>
    %lt3A_330 = arith.cmpi slt, %get3A_326, %lt3A_329 : vector<16xi32>
    %sub3A_331 = arith.constant 99999 : i32
    %sub3A_332 = vector.broadcast %sub3A_331 : i32 to vector<16xi32>
    %sub3A_333 = arith.subi %add3A_327, %sub3A_332 : vector<16xi32>
    %select_n3A_334 = arith.select %lt3A_330, %add3A_327, %sub3A_333 : vector<16xi1>, vector<16xi32>
    %swap3A_335 = arith.constant 1 : i32
    %swap3A_336 = arith.constant 0 : i32
    %swap3A_337 = arith.index_cast %swap3A_335 : i32 to index
    %swap3A_338 = arith.index_cast %swap3A_336 : i32 to index
    %swap3A_339 = arith.constant 0 : index
    %swap3A_340 = tpu.vector_load %arg6[%swap3A_337, %swap3A_338, %swap3A_339] {strides = array<i32>} : memref<128x2x100xi32, #tpu.memory_space<vmem>>, vector<1x1x16xi32>,
    %swap3A_341 = vector.shape_cast %swap3A_340 : vector<1x1x16xi32> to vector<16xi32>
    %swap3A_342 = vector.shape_cast %select_n3A_334 : vector<16xi32> to vector<1x1x16xi32>
    tpu.vector_store %arg6[%swap3A_337, %swap3A_338, %swap3A_339], %swap3A_342 {strides = array<i32>} : memref<128x2x100xi32, #tpu.memory_space<vmem>>, vector<1x1x16xi32>,
    %get3A_343 = arith.constant 1 : i32
    %get3A_344 = arith.constant 0 : i32
    %get3A_345 = arith.index_cast %get3A_343 : i32 to index
    %get3A_346 = arith.index_cast %get3A_344 : i32 to index
    %get3A_347 = arith.constant 16 : index
    %get3A_348 = tpu.vector_load %arg5[%get3A_345, %get3A_346, %get3A_347] {strides = array<i32>} : memref<128x2x100xi32, #tpu.memory_space<vmem>>, vector<1x1x16xi32>,
    %get3A_349 = vector.shape_cast %get3A_348 : vector<1x1x16xi32> to vector<16xi32>
    %add3A_350 = arith.addi %get3A_349, %get3A_349 : vector<16xi32>
    %lt3A_351 = arith.constant 50000 : i32
    %lt3A_352 = vector.broadcast %lt3A_351 : i32 to vector<16xi32>
    %lt3A_353 = arith.cmpi slt, %get3A_349, %lt3A_352 : vector<16xi32>
    %sub3A_354 = arith.constant 99999 : i32
    %sub3A_355 = vector.broadcast %sub3A_354 : i32 to vector<16xi32>
    %sub3A_356 = arith.subi %add3A_350, %sub3A_355 : vector<16xi32>
    %select_n3A_357 = arith.select %lt3A_353, %add3A_350, %sub3A_356 : vector<16xi1>, vector<16xi32>
    %swap3A_358 = arith.constant 1 : i32
    %swap3A_359 = arith.constant 0 : i32
    %swap3A_360 = arith.index_cast %swap3A_358 : i32 to index
    %swap3A_361 = arith.index_cast %swap3A_359 : i32 to index
    %swap3A_362 = arith.constant 16 : index
    %swap3A_363 = tpu.vector_load %arg6[%swap3A_360, %swap3A_361, %swap3A_362] {strides = array<i32>} : memref<128x2x100xi32, #tpu.memory_space<vmem>>, vector<1x1x16xi32>,
    %swap3A_364 = vector.shape_cast %swap3A_363 : vector<1x1x16xi32> to vector<16xi32>
    %swap3A_365 = vector.shape_cast %select_n3A_357 : vector<16xi32> to vector<1x1x16xi32>
    tpu.vector_store %arg6[%swap3A_360, %swap3A_361, %swap3A_362], %swap3A_365 {strides = array<i32>} : memref<128x2x100xi32, #tpu.memory_space<vmem>>, vector<1x1x16xi32>,
    %get3A_366 = arith.constant 1 : i32
    %get3A_367 = arith.constant 0 : i32
    %get3A_368 = arith.index_cast %get3A_366 : i32 to index
    %get3A_369 = arith.index_cast %get3A_367 : i32 to index
    %get3A_370 = arith.constant 32 : index
    %get3A_371 = tpu.vector_load %arg5[%get3A_368, %get3A_369, %get3A_370] {strides = array<i32>} : memref<128x2x100xi32, #tpu.memory_space<vmem>>, vector<1x1x16xi32>,
    %get3A_372 = vector.shape_cast %get3A_371 : vector<1x1x16xi32> to vector<16xi32>
    %add3A_373 = arith.addi %get3A_372, %get3A_372 : vector<16xi32>
    %lt3A_374 = arith.constant 50000 : i32
    %lt3A_375 = vector.broadcast %lt3A_374 : i32 to vector<16xi32>
    %lt3A_376 = arith.cmpi slt, %get3A_372, %lt3A_375 : vector<16xi32>
    %sub3A_377 = arith.constant 99999 : i32
    %sub3A_378 = vector.broadcast %sub3A_377 : i32 to vector<16xi32>
    %sub3A_379 = arith.subi %add3A_373, %sub3A_378 : vector<16xi32>
    %select_n3A_380 = arith.select %lt3A_376, %add3A_373, %sub3A_379 : vector<16xi1>, vector<16xi32>
    %swap3A_381 = arith.constant 1 : i32
    %swap3A_382 = arith.constant 0 : i32
    %swap3A_383 = arith.index_cast %swap3A_381 : i32 to index
    %swap3A_384 = arith.index_cast %swap3A_382 : i32 to index
    %swap3A_385 = arith.constant 32 : index
    %swap3A_386 = tpu.vector_load %arg6[%swap3A_383, %swap3A_384, %swap3A_385] {strides = array<i32>} : memref<128x2x100xi32, #tpu.memory_space<vmem>>, vector<1x1x16xi32>,
    %swap3A_387 = vector.shape_cast %swap3A_386 : vector<1x1x16xi32> to vector<16xi32>
    %swap3A_388 = vector.shape_cast %select_n3A_380 : vector<16xi32> to vector<1x1x16xi32>
    tpu.vector_store %arg6[%swap3A_383, %swap3A_384, %swap3A_385], %swap3A_388 {strides = array<i32>} : memref<128x2x100xi32, #tpu.memory_space<vmem>>, vector<1x1x16xi32>,
    %get3A_389 = arith.constant 1 : i32
    %get3A_390 = arith.constant 0 : i32
    %get3A_391 = arith.index_cast %get3A_389 : i32 to index
    %get3A_392 = arith.index_cast %get3A_390 : i32 to index
    %get3A_393 = arith.constant 48 : index
    %get3A_394 = tpu.vector_load %arg5[%get3A_391, %get3A_392, %get3A_393] {strides = array<i32>} : memref<128x2x100xi32, #tpu.memory_space<vmem>>, vector<1x1x16xi32>,
    %get3A_395 = vector.shape_cast %get3A_394 : vector<1x1x16xi32> to vector<16xi32>
    %add3A_396 = arith.addi %get3A_395, %get3A_395 : vector<16xi32>
    %lt3A_397 = arith.constant 50000 : i32
    %lt3A_398 = vector.broadcast %lt3A_397 : i32 to vector<16xi32>
    %lt3A_399 = arith.cmpi slt, %get3A_395, %lt3A_398 : vector<16xi32>
    %sub3A_400 = arith.constant 99999 : i32
    %sub3A_401 = vector.broadcast %sub3A_400 : i32 to vector<16xi32>
    %sub3A_402 = arith.subi %add3A_396, %sub3A_401 : vector<16xi32>
    %select_n3A_403 = arith.select %lt3A_399, %add3A_396, %sub3A_402 : vector<16xi1>, vector<16xi32>
    %swap3A_404 = arith.constant 1 : i32
    %swap3A_405 = arith.constant 0 : i32
    %swap3A_406 = arith.index_cast %swap3A_404 : i32 to index
    %swap3A_407 = arith.index_cast %swap3A_405 : i32 to index
    %swap3A_408 = arith.constant 48 : index
    %swap3A_409 = tpu.vector_load %arg6[%swap3A_406, %swap3A_407, %swap3A_408] {strides = array<i32>} : memref<128x2x100xi32, #tpu.memory_space<vmem>>, vector<1x1x16xi32>,
    %swap3A_410 = vector.shape_cast %swap3A_409 : vector<1x1x16xi32> to vector<16xi32>
    %swap3A_411 = vector.shape_cast %select_n3A_403 : vector<16xi32> to vector<1x1x16xi32>
    tpu.vector_store %arg6[%swap3A_406, %swap3A_407, %swap3A_408], %swap3A_411 {strides = array<i32>} : memref<128x2x100xi32, #tpu.memory_space<vmem>>, vector<1x1x16xi32>,
    %get3A_412 = arith.constant 1 : i32
    %get3A_413 = arith.constant 0 : i32
    %get3A_414 = arith.index_cast %get3A_412 : i32 to index
    %get3A_415 = arith.index_cast %get3A_413 : i32 to index
    %get3A_416 = arith.constant 64 : index
    %get3A_417 = tpu.vector_load %arg5[%get3A_414, %get3A_415, %get3A_416] {strides = array<i32>} : memref<128x2x100xi32, #tpu.memory_space<vmem>>, vector<1x1x16xi32>,
    %get3A_418 = vector.shape_cast %get3A_417 : vector<1x1x16xi32> to vector<16xi32>
    %add3A_419 = arith.addi %get3A_418, %get3A_418 : vector<16xi32>
    %lt3A_420 = arith.constant 50000 : i32
    %lt3A_421 = vector.broadcast %lt3A_420 : i32 to vector<16xi32>
    %lt3A_422 = arith.cmpi slt, %get3A_418, %lt3A_421 : vector<16xi32>
    %sub3A_423 = arith.constant 99999 : i32
    %sub3A_424 = vector.broadcast %sub3A_423 : i32 to vector<16xi32>
    %sub3A_425 = arith.subi %add3A_419, %sub3A_424 : vector<16xi32>
    %select_n3A_426 = arith.select %lt3A_422, %add3A_419, %sub3A_425 : vector<16xi1>, vector<16xi32>
    %swap3A_427 = arith.constant 1 : i32
    %swap3A_428 = arith.constant 0 : i32
    %swap3A_429 = arith.index_cast %swap3A_427 : i32 to index
    %swap3A_430 = arith.index_cast %swap3A_428 : i32 to index
    %swap3A_431 = arith.constant 64 : index
    %swap3A_432 = tpu.vector_load %arg6[%swap3A_429, %swap3A_430, %swap3A_431] {strides = array<i32>} : memref<128x2x100xi32, #tpu.memory_space<vmem>>, vector<1x1x16xi32>,
    %swap3A_433 = vector.shape_cast %swap3A_432 : vector<1x1x16xi32> to vector<16xi32>
    %swap3A_434 = vector.shape_cast %select_n3A_426 : vector<16xi32> to vector<1x1x16xi32>
    tpu.vector_store %arg6[%swap3A_429, %swap3A_430, %swap3A_431], %swap3A_434 {strides = array<i32>} : memref<128x2x100xi32, #tpu.memory_space<vmem>>, vector<1x1x16xi32>,
    %get3A_435 = arith.constant 1 : i32
    %get3A_436 = arith.constant 0 : i32
    %get3A_437 = arith.index_cast %get3A_435 : i32 to index
    %get3A_438 = arith.index_cast %get3A_436 : i32 to index
    %get3A_439 = arith.constant 80 : index
    %get3A_440 = tpu.vector_load %arg5[%get3A_437, %get3A_438, %get3A_439] {strides = array<i32>} : memref<128x2x100xi32, #tpu.memory_space<vmem>>, vector<1x1x16xi32>,
    %get3A_441 = vector.shape_cast %get3A_440 : vector<1x1x16xi32> to vector<16xi32>
    %add3A_442 = arith.addi %get3A_441, %get3A_441 : vector<16xi32>
    %lt3A_443 = arith.constant 50000 : i32
    %lt3A_444 = vector.broadcast %lt3A_443 : i32 to vector<16xi32>
    %lt3A_445 = arith.cmpi slt, %get3A_441, %lt3A_444 : vector<16xi32>
    %sub3A_446 = arith.constant 99999 : i32
    %sub3A_447 = vector.broadcast %sub3A_446 : i32 to vector<16xi32>
    %sub3A_448 = arith.subi %add3A_442, %sub3A_447 : vector<16xi32>
    %select_n3A_449 = arith.select %lt3A_445, %add3A_442, %sub3A_448 : vector<16xi1>, vector<16xi32>
    %swap3A_450 = arith.constant 1 : i32
    %swap3A_451 = arith.constant 0 : i32
    %swap3A_452 = arith.index_cast %swap3A_450 : i32 to index
    %swap3A_453 = arith.index_cast %swap3A_451 : i32 to index
    %swap3A_454 = arith.constant 80 : index
    %swap3A_455 = tpu.vector_load %arg6[%swap3A_452, %swap3A_453, %swap3A_454] {strides = array<i32>} : memref<128x2x100xi32, #tpu.memory_space<vmem>>, vector<1x1x16xi32>,
    %swap3A_456 = vector.shape_cast %swap3A_455 : vector<1x1x16xi32> to vector<16xi32>
    %swap3A_457 = vector.shape_cast %select_n3A_449 : vector<16xi32> to vector<1x1x16xi32>
    tpu.vector_store %arg6[%swap3A_452, %swap3A_453, %swap3A_454], %swap3A_457 {strides = array<i32>} : memref<128x2x100xi32, #tpu.memory_space<vmem>>, vector<1x1x16xi32>,
    %get3A_458 = arith.constant 1 : i32
    %get3A_459 = arith.constant 0 : i32
    %get3A_460 = arith.index_cast %get3A_458 : i32 to index
    %get3A_461 = arith.index_cast %get3A_459 : i32 to index
    %get3A_462 = arith.constant 84 : index
    %get3A_463 = tpu.vector_load %arg5[%get3A_460, %get3A_461, %get3A_462] {strides = array<i32>} : memref<128x2x100xi32, #tpu.memory_space<vmem>>, vector<1x1x16xi32>,
    %get3A_464 = vector.shape_cast %get3A_463 : vector<1x1x16xi32> to vector<16xi32>
    %add3A_465 = arith.addi %get3A_464, %get3A_464 : vector<16xi32>
    %lt3A_466 = arith.constant 50000 : i32
    %lt3A_467 = vector.broadcast %lt3A_466 : i32 to vector<16xi32>
    %lt3A_468 = arith.cmpi slt, %get3A_464, %lt3A_467 : vector<16xi32>
    %sub3A_469 = arith.constant 99999 : i32
    %sub3A_470 = vector.broadcast %sub3A_469 : i32 to vector<16xi32>
    %sub3A_471 = arith.subi %add3A_465, %sub3A_470 : vector<16xi32>
    %select_n3A_472 = arith.select %lt3A_468, %add3A_465, %sub3A_471 : vector<16xi1>, vector<16xi32>
    %swap3A_473 = arith.constant 1 : i32
    %swap3A_474 = arith.constant 0 : i32
    %swap3A_475 = arith.index_cast %swap3A_473 : i32 to index
    %swap3A_476 = arith.index_cast %swap3A_474 : i32 to index
    %swap3A_477 = arith.constant 84 : index
    %swap3A_478 = tpu.vector_load %arg6[%swap3A_475, %swap3A_476, %swap3A_477] {strides = array<i32>} : memref<128x2x100xi32, #tpu.memory_space<vmem>>, vector<1x1x16xi32>,
    %swap3A_479 = vector.shape_cast %swap3A_478 : vector<1x1x16xi32> to vector<16xi32>
    %swap3A_480 = vector.shape_cast %select_n3A_472 : vector<16xi32> to vector<1x1x16xi32>
    tpu.vector_store %arg6[%swap3A_475, %swap3A_476, %swap3A_477], %swap3A_480 {strides = array<i32>} : memref<128x2x100xi32, #tpu.memory_space<vmem>>, vector<1x1x16xi32>,
    %get3A_481 = arith.constant 1 : i32
    %get3A_482 = arith.constant 1 : i32
    %get3A_483 = arith.index_cast %get3A_481 : i32 to index
    %get3A_484 = arith.index_cast %get3A_482 : i32 to index
    %get3A_485 = arith.constant 0 : index
    %get3A_486 = tpu.vector_load %arg5[%get3A_483, %get3A_484, %get3A_485] {strides = array<i32>} : memref<128x2x100xi32, #tpu.memory_space<vmem>>, vector<1x1x16xi32>,
    %get3A_487 = vector.shape_cast %get3A_486 : vector<1x1x16xi32> to vector<16xi32>
    %add3A_488 = arith.addi %get3A_487, %get3A_487 : vector<16xi32>
    %lt3A_489 = arith.constant 50000 : i32
    %lt3A_490 = vector.broadcast %lt3A_489 : i32 to vector<16xi32>
    %lt3A_491 = arith.cmpi slt, %get3A_487, %lt3A_490 : vector<16xi32>
    %sub3A_492 = arith.constant 99999 : i32
    %sub3A_493 = vector.broadcast %sub3A_492 : i32 to vector<16xi32>
    %sub3A_494 = arith.subi %add3A_488, %sub3A_493 : vector<16xi32>
    %select_n3A_495 = arith.select %lt3A_491, %add3A_488, %sub3A_494 : vector<16xi1>, vector<16xi32>
    %swap3A_496 = arith.constant 1 : i32
    %swap3A_497 = arith.constant 1 : i32
    %swap3A_498 = arith.index_cast %swap3A_496 : i32 to index
    %swap3A_499 = arith.index_cast %swap3A_497 : i32 to index
    %swap3A_500 = arith.constant 0 : index
    %swap3A_501 = tpu.vector_load %arg6[%swap3A_498, %swap3A_499, %swap3A_500] {strides = array<i32>} : memref<128x2x100xi32, #tpu.memory_space<vmem>>, vector<1x1x16xi32>,
    %swap3A_502 = vector.shape_cast %swap3A_501 : vector<1x1x16xi32> to vector<16xi32>
    %swap3A_503 = vector.shape_cast %select_n3A_495 : vector<16xi32> to vector<1x1x16xi32>
    tpu.vector_store %arg6[%swap3A_498, %swap3A_499, %swap3A_500], %swap3A_503 {strides = array<i32>} : memref<128x2x100xi32, #tpu.memory_space<vmem>>, vector<1x1x16xi32>,
    %get3A_504 = arith.constant 1 : i32
    %get3A_505 = arith.constant 1 : i32
    %get3A_506 = arith.index_cast %get3A_504 : i32 to index
    %get3A_507 = arith.index_cast %get3A_505 : i32 to index
    %get3A_508 = arith.constant 16 : index
    %get3A_509 = tpu.vector_load %arg5[%get3A_506, %get3A_507, %get3A_508] {strides = array<i32>} : memref<128x2x100xi32, #tpu.memory_space<vmem>>, vector<1x1x16xi32>,
    %get3A_510 = vector.shape_cast %get3A_509 : vector<1x1x16xi32> to vector<16xi32>
    %add3A_511 = arith.addi %get3A_510, %get3A_510 : vector<16xi32>
    %lt3A_512 = arith.constant 50000 : i32
    %lt3A_513 = vector.broadcast %lt3A_512 : i32 to vector<16xi32>
    %lt3A_514 = arith.cmpi slt, %get3A_510, %lt3A_513 : vector<16xi32>
    %sub3A_515 = arith.constant 99999 : i32
    %sub3A_516 = vector.broadcast %sub3A_515 : i32 to vector<16xi32>
    %sub3A_517 = arith.subi %add3A_511, %sub3A_516 : vector<16xi32>
    %select_n3A_518 = arith.select %lt3A_514, %add3A_511, %sub3A_517 : vector<16xi1>, vector<16xi32>
    %swap3A_519 = arith.constant 1 : i32
    %swap3A_520 = arith.constant 1 : i32
    %swap3A_521 = arith.index_cast %swap3A_519 : i32 to index
    %swap3A_522 = arith.index_cast %swap3A_520 : i32 to index
    %swap3A_523 = arith.constant 16 : index
    %swap3A_524 = tpu.vector_load %arg6[%swap3A_521, %swap3A_522, %swap3A_523] {strides = array<i32>} : memref<128x2x100xi32, #tpu.memory_space<vmem>>, vector<1x1x16xi32>,
    %swap3A_525 = vector.shape_cast %swap3A_524 : vector<1x1x16xi32> to vector<16xi32>
    %swap3A_526 = vector.shape_cast %select_n3A_518 : vector<16xi32> to vector<1x1x16xi32>
    tpu.vector_store %arg6[%swap3A_521, %swap3A_522, %swap3A_523], %swap3A_526 {strides = array<i32>} : memref<128x2x100xi32, #tpu.memory_space<vmem>>, vector<1x1x16xi32>,
    %get3A_527 = arith.constant 1 : i32
    %get3A_528 = arith.constant 1 : i32
    %get3A_529 = arith.index_cast %get3A_527 : i32 to index
    %get3A_530 = arith.index_cast %get3A_528 : i32 to index
    %get3A_531 = arith.constant 32 : index
    %get3A_532 = tpu.vector_load %arg5[%get3A_529, %get3A_530, %get3A_531] {strides = array<i32>} : memref<128x2x100xi32, #tpu.memory_space<vmem>>, vector<1x1x16xi32>,
    %get3A_533 = vector.shape_cast %get3A_532 : vector<1x1x16xi32> to vector<16xi32>
    %add3A_534 = arith.addi %get3A_533, %get3A_533 : vector<16xi32>
    %lt3A_535 = arith.constant 50000 : i32
    %lt3A_536 = vector.broadcast %lt3A_535 : i32 to vector<16xi32>
    %lt3A_537 = arith.cmpi slt, %get3A_533, %lt3A_536 : vector<16xi32>
    %sub3A_538 = arith.constant 99999 : i32
    %sub3A_539 = vector.broadcast %sub3A_538 : i32 to vector<16xi32>
    %sub3A_540 = arith.subi %add3A_534, %sub3A_539 : vector<16xi32>
    %select_n3A_541 = arith.select %lt3A_537, %add3A_534, %sub3A_540 : vector<16xi1>, vector<16xi32>
    %swap3A_542 = arith.constant 1 : i32
    %swap3A_543 = arith.constant 1 : i32
    %swap3A_544 = arith.index_cast %swap3A_542 : i32 to index
    %swap3A_545 = arith.index_cast %swap3A_543 : i32 to index
    %swap3A_546 = arith.constant 32 : index
    %swap3A_547 = tpu.vector_load %arg6[%swap3A_544, %swap3A_545, %swap3A_546] {strides = array<i32>} : memref<128x2x100xi32, #tpu.memory_space<vmem>>, vector<1x1x16xi32>,
    %swap3A_548 = vector.shape_cast %swap3A_547 : vector<1x1x16xi32> to vector<16xi32>
    %swap3A_549 = vector.shape_cast %select_n3A_541 : vector<16xi32> to vector<1x1x16xi32>
    tpu.vector_store %arg6[%swap3A_544, %swap3A_545, %swap3A_546], %swap3A_549 {strides = array<i32>} : memref<128x2x100xi32, #tpu.memory_space<vmem>>, vector<1x1x16xi32>,
    %get3A_550 = arith.constant 1 : i32
    %get3A_551 = arith.constant 1 : i32
    %get3A_552 = arith.index_cast %get3A_550 : i32 to index
    %get3A_553 = arith.index_cast %get3A_551 : i32 to index
    %get3A_554 = arith.constant 48 : index
    %get3A_555 = tpu.vector_load %arg5[%get3A_552, %get3A_553, %get3A_554] {strides = array<i32>} : memref<128x2x100xi32, #tpu.memory_space<vmem>>, vector<1x1x16xi32>,
    %get3A_556 = vector.shape_cast %get3A_555 : vector<1x1x16xi32> to vector<16xi32>
    %add3A_557 = arith.addi %get3A_556, %get3A_556 : vector<16xi32>
    %lt3A_558 = arith.constant 50000 : i32
    %lt3A_559 = vector.broadcast %lt3A_558 : i32 to vector<16xi32>
    %lt3A_560 = arith.cmpi slt, %get3A_556, %lt3A_559 : vector<16xi32>
    %sub3A_561 = arith.constant 99999 : i32
    %sub3A_562 = vector.broadcast %sub3A_561 : i32 to vector<16xi32>
    %sub3A_563 = arith.subi %add3A_557, %sub3A_562 : vector<16xi32>
    %select_n3A_564 = arith.select %lt3A_560, %add3A_557, %sub3A_563 : vector<16xi1>, vector<16xi32>
    %swap3A_565 = arith.constant 1 : i32
    %swap3A_566 = arith.constant 1 : i32
    %swap3A_567 = arith.index_cast %swap3A_565 : i32 to index
    %swap3A_568 = arith.index_cast %swap3A_566 : i32 to index
    %swap3A_569 = arith.constant 48 : index
    %swap3A_570 = tpu.vector_load %arg6[%swap3A_567, %swap3A_568, %swap3A_569] {strides = array<i32>} : memref<128x2x100xi32, #tpu.memory_space<vmem>>, vector<1x1x16xi32>,
    %swap3A_571 = vector.shape_cast %swap3A_570 : vector<1x1x16xi32> to vector<16xi32>
    %swap3A_572 = vector.shape_cast %select_n3A_564 : vector<16xi32> to vector<1x1x16xi32>
    tpu.vector_store %arg6[%swap3A_567, %swap3A_568, %swap3A_569], %swap3A_572 {strides = array<i32>} : memref<128x2x100xi32, #tpu.memory_space<vmem>>, vector<1x1x16xi32>,
    %get3A_573 = arith.constant 1 : i32
    %get3A_574 = arith.constant 1 : i32
    %get3A_575 = arith.index_cast %get3A_573 : i32 to index
    %get3A_576 = arith.index_cast %get3A_574 : i32 to index
    %get3A_577 = arith.constant 64 : index
    %get3A_578 = tpu.vector_load %arg5[%get3A_575, %get3A_576, %get3A_577] {strides = array<i32>} : memref<128x2x100xi32, #tpu.memory_space<vmem>>, vector<1x1x16xi32>,
    %get3A_579 = vector.shape_cast %get3A_578 : vector<1x1x16xi32> to vector<16xi32>
    %add3A_580 = arith.addi %get3A_579, %get3A_579 : vector<16xi32>
    %lt3A_581 = arith.constant 50000 : i32
    %lt3A_582 = vector.broadcast %lt3A_581 : i32 to vector<16xi32>
    %lt3A_583 = arith.cmpi slt, %get3A_579, %lt3A_582 : vector<16xi32>
    %sub3A_584 = arith.constant 99999 : i32
    %sub3A_585 = vector.broadcast %sub3A_584 : i32 to vector<16xi32>
    %sub3A_586 = arith.subi %add3A_580, %sub3A_585 : vector<16xi32>
    %select_n3A_587 = arith.select %lt3A_583, %add3A_580, %sub3A_586 : vector<16xi1>, vector<16xi32>
    %swap3A_588 = arith.constant 1 : i32
    %swap3A_589 = arith.constant 1 : i32
    %swap3A_590 = arith.index_cast %swap3A_588 : i32 to index
    %swap3A_591 = arith.index_cast %swap3A_589 : i32 to index
    %swap3A_592 = arith.constant 64 : index
    %swap3A_593 = tpu.vector_load %arg6[%swap3A_590, %swap3A_591, %swap3A_592] {strides = array<i32>} : memref<128x2x100xi32, #tpu.memory_space<vmem>>, vector<1x1x16xi32>,
    %swap3A_594 = vector.shape_cast %swap3A_593 : vector<1x1x16xi32> to vector<16xi32>
    %swap3A_595 = vector.shape_cast %select_n3A_587 : vector<16xi32> to vector<1x1x16xi32>
    tpu.vector_store %arg6[%swap3A_590, %swap3A_591, %swap3A_592], %swap3A_595 {strides = array<i32>} : memref<128x2x100xi32, #tpu.memory_space<vmem>>, vector<1x1x16xi32>,
    %get3A_596 = arith.constant 1 : i32
    %get3A_597 = arith.constant 1 : i32
    %get3A_598 = arith.index_cast %get3A_596 : i32 to index
    %get3A_599 = arith.index_cast %get3A_597 : i32 to index
    %get3A_600 = arith.constant 80 : index
    %get3A_601 = tpu.vector_load %arg5[%get3A_598, %get3A_599, %get3A_600] {strides = array<i32>} : memref<128x2x100xi32, #tpu.memory_space<vmem>>, vector<1x1x16xi32>,
    %get3A_602 = vector.shape_cast %get3A_601 : vector<1x1x16xi32> to vector<16xi32>
    %add3A_603 = arith.addi %get3A_602, %get3A_602 : vector<16xi32>
    %lt3A_604 = arith.constant 50000 : i32
    %lt3A_605 = vector.broadcast %lt3A_604 : i32 to vector<16xi32>
    %lt3A_606 = arith.cmpi slt, %get3A_602, %lt3A_605 : vector<16xi32>
    %sub3A_607 = arith.constant 99999 : i32
    %sub3A_608 = vector.broadcast %sub3A_607 : i32 to vector<16xi32>
    %sub3A_609 = arith.subi %add3A_603, %sub3A_608 : vector<16xi32>
    %select_n3A_610 = arith.select %lt3A_606, %add3A_603, %sub3A_609 : vector<16xi1>, vector<16xi32>
    %swap3A_611 = arith.constant 1 : i32
    %swap3A_612 = arith.constant 1 : i32
    %swap3A_613 = arith.index_cast %swap3A_611 : i32 to index
    %swap3A_614 = arith.index_cast %swap3A_612 : i32 to index
    %swap3A_615 = arith.constant 80 : index
    %swap3A_616 = tpu.vector_load %arg6[%swap3A_613, %swap3A_614, %swap3A_615] {strides = array<i32>} : memref<128x2x100xi32, #tpu.memory_space<vmem>>, vector<1x1x16xi32>,
    %swap3A_617 = vector.shape_cast %swap3A_616 : vector<1x1x16xi32> to vector<16xi32>
    %swap3A_618 = vector.shape_cast %select_n3A_610 : vector<16xi32> to vector<1x1x16xi32>
    tpu.vector_store %arg6[%swap3A_613, %swap3A_614, %swap3A_615], %swap3A_618 {strides = array<i32>} : memref<128x2x100xi32, #tpu.memory_space<vmem>>, vector<1x1x16xi32>,
    %get3A_619 = arith.constant 1 : i32
    %get3A_620 = arith.constant 1 : i32
    %get3A_621 = arith.index_cast %get3A_619 : i32 to index
    %get3A_622 = arith.index_cast %get3A_620 : i32 to index
    %get3A_623 = arith.constant 84 : index
    %get3A_624 = tpu.vector_load %arg5[%get3A_621, %get3A_622, %get3A_623] {strides = array<i32>} : memref<128x2x100xi32, #tpu.memory_space<vmem>>, vector<1x1x16xi32>,
    %get3A_625 = vector.shape_cast %get3A_624 : vector<1x1x16xi32> to vector<16xi32>
    %add3A_626 = arith.addi %get3A_625, %get3A_625 : vector<16xi32>
    %lt3A_627 = arith.constant 50000 : i32
    %lt3A_628 = vector.broadcast %lt3A_627 : i32 to vector<16xi32>
    %lt3A_629 = arith.cmpi slt, %get3A_625, %lt3A_628 : vector<16xi32>
    %sub3A_630 = arith.constant 99999 : i32
    %sub3A_631 = vector.broadcast %sub3A_630 : i32 to vector<16xi32>
    %sub3A_632 = arith.subi %add3A_626, %sub3A_631 : vector<16xi32>
    %select_n3A_633 = arith.select %lt3A_629, %add3A_626, %sub3A_632 : vector<16xi1>, vector<16xi32>
    %swap3A_634 = arith.constant 1 : i32
    %swap3A_635 = arith.constant 1 : i32
    %swap3A_636 = arith.index_cast %swap3A_634 : i32 to index
    %swap3A_637 = arith.index_cast %swap3A_635 : i32 to index
    %swap3A_638 = arith.constant 84 : index
    %swap3A_639 = tpu.vector_load %arg6[%swap3A_636, %swap3A_637, %swap3A_638] {strides = array<i32>} : memref<128x2x100xi32, #tpu.memory_space<vmem>>, vector<1x1x16xi32>,
    %swap3A_640 = vector.shape_cast %swap3A_639 : vector<1x1x16xi32> to vector<16xi32>
    %swap3A_641 = vector.shape_cast %select_n3A_633 : vector<16xi32> to vector<1x1x16xi32>
    tpu.vector_store %arg6[%swap3A_636, %swap3A_637, %swap3A_638], %swap3A_641 {strides = array<i32>} : memref<128x2x100xi32, #tpu.memory_space<vmem>>, vector<1x1x16xi32>,
    %dma_start3A = arith.constant 0 : i32
    %dma_start3A_642 = arith.constant 0 : i32
    %dma_start3A_643 = arith.constant 0 : i32
    %dma_start3A_644 = arith.constant 0 : i32
    %dma_start3A_645 = arith.constant 0 : i32
    %dma_start3A_646 = arith.constant 0 : i32
    %dma_start3A_647 = tpu.memref_slice %arg7[%dma_start3A_643, %dma_start3A_644, %dma_start3A_645, %dma_start3A_646] : memref<2x2x100x64xi32, #tpu.memory_space<vmem>> -> memref<1x1x100x64xi32, #tpu.memory_space<vmem>>
    %dma_start3A_648 = tpu.memref_squeeze %dma_start3A_647 : memref<1x1x100x64xi32, #tpu.memory_space<vmem>> -> memref<100x64xi32, #tpu.memory_space<vmem>>
    %dma_start3A_649 = arith.constant 0 : i32
    %dma_start3A_650 = tpu.memref_slice %arg6[%dma_start3A, %dma_start3A_642, %dma_start3A_649] : memref<128x2x100xi32, #tpu.memory_space<vmem>> -> memref<1x1x100xi32, #tpu.memory_space<vmem>>
    %dma_start3A_651 = tpu.memref_squeeze %dma_start3A_650 : memref<1x1x100xi32, #tpu.memory_space<vmem>> -> memref<100xi32, #tpu.memory_space<vmem>>
    %dma_start3A_652 = arith.constant 0 : i32
    %dma_start3A_653 = arith.constant 0 : i32
    %dma_start3A_654 = tpu.memref_slice %arg2[%dma_start3A_652, %dma_start3A_653] : memref<100000x64xi32, #tpu.memory_space<hbm>> -> memref<100000x64xi32, #tpu.memory_space<hbm>>
    tpu.enqueue_indirect_dma source(%dma_start3A_654 : memref<100000x64xi32, #tpu.memory_space<hbm>>) target(%dma_start3A_648 : memref<100x64xi32, #tpu.memory_space<vmem>>) offsets(%dma_start3A_651 : memref<100xi32, #tpu.memory_space<vmem>>) semaphore(%arg9 : memref<!tpu.dma_semaphore, #tpu.memory_space<semaphore_mem>>)
    %dma_start3A_655 = arith.constant 0 : i32
    %dma_start3A_656 = arith.constant 1 : i32
    %dma_start3A_657 = arith.constant 0 : i32
    %dma_start3A_658 = arith.constant 1 : i32
    %dma_start3A_659 = arith.constant 0 : i32
    %dma_start3A_660 = arith.constant 0 : i32
    %dma_start3A_661 = tpu.memref_slice %arg7[%dma_start3A_657, %dma_start3A_658, %dma_start3A_659, %dma_start3A_660] : memref<2x2x100x64xi32, #tpu.memory_space<vmem>> -> memref<1x1x100x64xi32, #tpu.memory_space<vmem>>
    %dma_start3A_662 = tpu.memref_squeeze %dma_start3A_661 : memref<1x1x100x64xi32, #tpu.memory_space<vmem>> -> memref<100x64xi32, #tpu.memory_space<vmem>>
    %dma_start3A_663 = arith.constant 0 : i32
    %dma_start3A_664 = tpu.memref_slice %arg6[%dma_start3A_655, %dma_start3A_656, %dma_start3A_663] : memref<128x2x100xi32, #tpu.memory_space<vmem>> -> memref<1x1x100xi32, #tpu.memory_space<vmem>>
    %dma_start3A_665 = tpu.memref_squeeze %dma_start3A_664 : memref<1x1x100xi32, #tpu.memory_space<vmem>> -> memref<100xi32, #tpu.memory_space<vmem>>
    %dma_start3A_666 = arith.constant 0 : i32
    %dma_start3A_667 = arith.constant 0 : i32
    %dma_start3A_668 = tpu.memref_slice %arg2[%dma_start3A_666, %dma_start3A_667] : memref<100000x64xi32, #tpu.memory_space<hbm>> -> memref<100000x64xi32, #tpu.memory_space<hbm>>
    tpu.enqueue_indirect_dma source(%dma_start3A_668 : memref<100000x64xi32, #tpu.memory_space<hbm>>) target(%dma_start3A_662 : memref<100x64xi32, #tpu.memory_space<vmem>>) offsets(%dma_start3A_665 : memref<100xi32, #tpu.memory_space<vmem>>) semaphore(%arg9 : memref<!tpu.dma_semaphore, #tpu.memory_space<semaphore_mem>>)
    %scan3A = arith.constant 0 : i32
    %scan3A_669 = arith.constant 0 : i32
    %scan3A_670 = arith.constant 64 : i32
    %scan3A_671 = arith.addi %scan3A_669, %scan3A_670 : i32
    %scan3A_672 = arith.constant 1 : i32
    scf.for %scan3A_674 = %scan3A_669 to %scan3A_671 step %scan3A_672  : i32 {
      %mul3A_675 = arith.constant 2 : i32
      %mul3A_676 = arith.muli %mul3A_675, %scan3A_674 : i32
      %add3A_677 = arith.constant 2 : i32
      %add3A_678 = arith.addi %mul3A_676, %add3A_677 : i32
      %lt3A_679 = arith.constant 128 : i32
      %lt3A_680 = arith.cmpi slt, %add3A_678, %lt3A_679 : i32
      %convert_element_type3A = arith.extui %lt3A_680 : i1 to i32
      %cond3A = arith.constant 0 : i32
      %cond3A_681 = arith.cmpi ne, %convert_element_type3A, %cond3A : i32
      scf.if %cond3A_681 {
        %add3A_895 = arith.constant 2 : i32
        %add3A_896 = arith.addi %mul3A_676, %add3A_895 : i32
        %get3A_897 = arith.constant 0 : i32
        %get3A_898 = arith.index_cast %add3A_896 : i32 to index
        %get3A_899 = arith.index_cast %get3A_897 : i32 to index
        %get3A_900 = arith.constant 0 : index
        %get3A_901 = tpu.vector_load %arg5[%get3A_898, %get3A_899, %get3A_900] {strides = array<i32>} : memref<128x2x100xi32, #tpu.memory_space<vmem>>, vector<1x1x16xi32>,
        %get3A_902 = vector.shape_cast %get3A_901 : vector<1x1x16xi32> to vector<16xi32>
        %add3A_903 = arith.addi %get3A_902, %get3A_902 : vector<16xi32>
        %lt3A_904 = arith.constant 50000 : i32
        %lt3A_905 = vector.broadcast %lt3A_904 : i32 to vector<16xi32>
        %lt3A_906 = arith.cmpi slt, %get3A_902, %lt3A_905 : vector<16xi32>
        %sub3A_907 = arith.constant 99999 : i32
        %sub3A_908 = vector.broadcast %sub3A_907 : i32 to vector<16xi32>
        %sub3A_909 = arith.subi %add3A_903, %sub3A_908 : vector<16xi32>
        %select_n3A_910 = arith.select %lt3A_906, %add3A_903, %sub3A_909 : vector<16xi1>, vector<16xi32>
        %swap3A_911 = arith.constant 0 : i32
        %swap3A_912 = arith.index_cast %add3A_896 : i32 to index
        %swap3A_913 = arith.index_cast %swap3A_911 : i32 to index
        %swap3A_914 = arith.constant 0 : index
        %swap3A_915 = tpu.vector_load %arg6[%swap3A_912, %swap3A_913, %swap3A_914] {strides = array<i32>} : memref<128x2x100xi32, #tpu.memory_space<vmem>>, vector<1x1x16xi32>,
        %swap3A_916 = vector.shape_cast %swap3A_915 : vector<1x1x16xi32> to vector<16xi32>
        %swap3A_917 = vector.shape_cast %select_n3A_910 : vector<16xi32> to vector<1x1x16xi32>
        tpu.vector_store %arg6[%swap3A_912, %swap3A_913, %swap3A_914], %swap3A_917 {strides = array<i32>} : memref<128x2x100xi32, #tpu.memory_space<vmem>>, vector<1x1x16xi32>,
        %get3A_918 = arith.constant 0 : i32
        %get3A_919 = arith.index_cast %add3A_896 : i32 to index
        %get3A_920 = arith.index_cast %get3A_918 : i32 to index
        %get3A_921 = arith.constant 16 : index
        %get3A_922 = tpu.vector_load %arg5[%get3A_919, %get3A_920, %get3A_921] {strides = array<i32>} : memref<128x2x100xi32, #tpu.memory_space<vmem>>, vector<1x1x16xi32>,
        %get3A_923 = vector.shape_cast %get3A_922 : vector<1x1x16xi32> to vector<16xi32>
        %add3A_924 = arith.addi %get3A_923, %get3A_923 : vector<16xi32>
        %lt3A_925 = arith.constant 50000 : i32
        %lt3A_926 = vector.broadcast %lt3A_925 : i32 to vector<16xi32>
        %lt3A_927 = arith.cmpi slt, %get3A_923, %lt3A_926 : vector<16xi32>
        %sub3A_928 = arith.constant 99999 : i32
        %sub3A_929 = vector.broadcast %sub3A_928 : i32 to vector<16xi32>
        %sub3A_930 = arith.subi %add3A_924, %sub3A_929 : vector<16xi32>
        %select_n3A_931 = arith.select %lt3A_927, %add3A_924, %sub3A_930 : vector<16xi1>, vector<16xi32>
        %swap3A_932 = arith.constant 0 : i32
        %swap3A_933 = arith.index_cast %add3A_896 : i32 to index
        %swap3A_934 = arith.index_cast %swap3A_932 : i32 to index
        %swap3A_935 = arith.constant 16 : index
        %swap3A_936 = tpu.vector_load %arg6[%swap3A_933, %swap3A_934, %swap3A_935] {strides = array<i32>} : memref<128x2x100xi32, #tpu.memory_space<vmem>>, vector<1x1x16xi32>,
        %swap3A_937 = vector.shape_cast %swap3A_936 : vector<1x1x16xi32> to vector<16xi32>
        %swap3A_938 = vector.shape_cast %select_n3A_931 : vector<16xi32> to vector<1x1x16xi32>
        tpu.vector_store %arg6[%swap3A_933, %swap3A_934, %swap3A_935], %swap3A_938 {strides = array<i32>} : memref<128x2x100xi32, #tpu.memory_space<vmem>>, vector<1x1x16xi32>,
        %get3A_939 = arith.constant 0 : i32
        %get3A_940 = arith.index_cast %add3A_896 : i32 to index
        %get3A_941 = arith.index_cast %get3A_939 : i32 to index
        %get3A_942 = arith.constant 32 : index
        %get3A_943 = tpu.vector_load %arg5[%get3A_940, %get3A_941, %get3A_942] {strides = array<i32>} : memref<128x2x100xi32, #tpu.memory_space<vmem>>, vector<1x1x16xi32>,
        %get3A_944 = vector.shape_cast %get3A_943 : vector<1x1x16xi32> to vector<16xi32>
        %add3A_945 = arith.addi %get3A_944, %get3A_944 : vector<16xi32>
        %lt3A_946 = arith.constant 50000 : i32
        %lt3A_947 = vector.broadcast %lt3A_946 : i32 to vector<16xi32>
        %lt3A_948 = arith.cmpi slt, %get3A_944, %lt3A_947 : vector<16xi32>
        %sub3A_949 = arith.constant 99999 : i32
        %sub3A_950 = vector.broadcast %sub3A_949 : i32 to vector<16xi32>
        %sub3A_951 = arith.subi %add3A_945, %sub3A_950 : vector<16xi32>
        %select_n3A_952 = arith.select %lt3A_948, %add3A_945, %sub3A_951 : vector<16xi1>, vector<16xi32>
        %swap3A_953 = arith.constant 0 : i32
        %swap3A_954 = arith.index_cast %add3A_896 : i32 to index
        %swap3A_955 = arith.index_cast %swap3A_953 : i32 to index
        %swap3A_956 = arith.constant 32 : index
        %swap3A_957 = tpu.vector_load %arg6[%swap3A_954, %swap3A_955, %swap3A_956] {strides = array<i32>} : memref<128x2x100xi32, #tpu.memory_space<vmem>>, vector<1x1x16xi32>,
        %swap3A_958 = vector.shape_cast %swap3A_957 : vector<1x1x16xi32> to vector<16xi32>
        %swap3A_959 = vector.shape_cast %select_n3A_952 : vector<16xi32> to vector<1x1x16xi32>
        tpu.vector_store %arg6[%swap3A_954, %swap3A_955, %swap3A_956], %swap3A_959 {strides = array<i32>} : memref<128x2x100xi32, #tpu.memory_space<vmem>>, vector<1x1x16xi32>,
        %get3A_960 = arith.constant 0 : i32
        %get3A_961 = arith.index_cast %add3A_896 : i32 to index
        %get3A_962 = arith.index_cast %get3A_960 : i32 to index
        %get3A_963 = arith.constant 48 : index
        %get3A_964 = tpu.vector_load %arg5[%get3A_961, %get3A_962, %get3A_963] {strides = array<i32>} : memref<128x2x100xi32, #tpu.memory_space<vmem>>, vector<1x1x16xi32>,
        %get3A_965 = vector.shape_cast %get3A_964 : vector<1x1x16xi32> to vector<16xi32>
        %add3A_966 = arith.addi %get3A_965, %get3A_965 : vector<16xi32>
        %lt3A_967 = arith.constant 50000 : i32
        %lt3A_968 = vector.broadcast %lt3A_967 : i32 to vector<16xi32>
        %lt3A_969 = arith.cmpi slt, %get3A_965, %lt3A_968 : vector<16xi32>
        %sub3A_970 = arith.constant 99999 : i32
        %sub3A_971 = vector.broadcast %sub3A_970 : i32 to vector<16xi32>
        %sub3A_972 = arith.subi %add3A_966, %sub3A_971 : vector<16xi32>
        %select_n3A_973 = arith.select %lt3A_969, %add3A_966, %sub3A_972 : vector<16xi1>, vector<16xi32>
        %swap3A_974 = arith.constant 0 : i32
        %swap3A_975 = arith.index_cast %add3A_896 : i32 to index
        %swap3A_976 = arith.index_cast %swap3A_974 : i32 to index
        %swap3A_977 = arith.constant 48 : index
        %swap3A_978 = tpu.vector_load %arg6[%swap3A_975, %swap3A_976, %swap3A_977] {strides = array<i32>} : memref<128x2x100xi32, #tpu.memory_space<vmem>>, vector<1x1x16xi32>,
        %swap3A_979 = vector.shape_cast %swap3A_978 : vector<1x1x16xi32> to vector<16xi32>
        %swap3A_980 = vector.shape_cast %select_n3A_973 : vector<16xi32> to vector<1x1x16xi32>
        tpu.vector_store %arg6[%swap3A_975, %swap3A_976, %swap3A_977], %swap3A_980 {strides = array<i32>} : memref<128x2x100xi32, #tpu.memory_space<vmem>>, vector<1x1x16xi32>,
        %get3A_981 = arith.constant 0 : i32
        %get3A_982 = arith.index_cast %add3A_896 : i32 to index
        %get3A_983 = arith.index_cast %get3A_981 : i32 to index
        %get3A_984 = arith.constant 64 : index
        %get3A_985 = tpu.vector_load %arg5[%get3A_982, %get3A_983, %get3A_984] {strides = array<i32>} : memref<128x2x100xi32, #tpu.memory_space<vmem>>, vector<1x1x16xi32>,
        %get3A_986 = vector.shape_cast %get3A_985 : vector<1x1x16xi32> to vector<16xi32>
        %add3A_987 = arith.addi %get3A_986, %get3A_986 : vector<16xi32>
        %lt3A_988 = arith.constant 50000 : i32
        %lt3A_989 = vector.broadcast %lt3A_988 : i32 to vector<16xi32>
        %lt3A_990 = arith.cmpi slt, %get3A_986, %lt3A_989 : vector<16xi32>
        %sub3A_991 = arith.constant 99999 : i32
        %sub3A_992 = vector.broadcast %sub3A_991 : i32 to vector<16xi32>
        %sub3A_993 = arith.subi %add3A_987, %sub3A_992 : vector<16xi32>
        %select_n3A_994 = arith.select %lt3A_990, %add3A_987, %sub3A_993 : vector<16xi1>, vector<16xi32>
        %swap3A_995 = arith.constant 0 : i32
        %swap3A_996 = arith.index_cast %add3A_896 : i32 to index
        %swap3A_997 = arith.index_cast %swap3A_995 : i32 to index
        %swap3A_998 = arith.constant 64 : index
        %swap3A_999 = tpu.vector_load %arg6[%swap3A_996, %swap3A_997, %swap3A_998] {strides = array<i32>} : memref<128x2x100xi32, #tpu.memory_space<vmem>>, vector<1x1x16xi32>,
        %swap3A_1000 = vector.shape_cast %swap3A_999 : vector<1x1x16xi32> to vector<16xi32>
        %swap3A_1001 = vector.shape_cast %select_n3A_994 : vector<16xi32> to vector<1x1x16xi32>
        tpu.vector_store %arg6[%swap3A_996, %swap3A_997, %swap3A_998], %swap3A_1001 {strides = array<i32>} : memref<128x2x100xi32, #tpu.memory_space<vmem>>, vector<1x1x16xi32>,
        %get3A_1002 = arith.constant 0 : i32
        %get3A_1003 = arith.index_cast %add3A_896 : i32 to index
        %get3A_1004 = arith.index_cast %get3A_1002 : i32 to index
        %get3A_1005 = arith.constant 80 : index
        %get3A_1006 = tpu.vector_load %arg5[%get3A_1003, %get3A_1004, %get3A_1005] {strides = array<i32>} : memref<128x2x100xi32, #tpu.memory_space<vmem>>, vector<1x1x16xi32>,
        %get3A_1007 = vector.shape_cast %get3A_1006 : vector<1x1x16xi32> to vector<16xi32>
        %add3A_1008 = arith.addi %get3A_1007, %get3A_1007 : vector<16xi32>
        %lt3A_1009 = arith.constant 50000 : i32
        %lt3A_1010 = vector.broadcast %lt3A_1009 : i32 to vector<16xi32>
        %lt3A_1011 = arith.cmpi slt, %get3A_1007, %lt3A_1010 : vector<16xi32>
        %sub3A_1012 = arith.constant 99999 : i32
        %sub3A_1013 = vector.broadcast %sub3A_1012 : i32 to vector<16xi32>
        %sub3A_1014 = arith.subi %add3A_1008, %sub3A_1013 : vector<16xi32>
        %select_n3A_1015 = arith.select %lt3A_1011, %add3A_1008, %sub3A_1014 : vector<16xi1>, vector<16xi32>
        %swap3A_1016 = arith.constant 0 : i32
        %swap3A_1017 = arith.index_cast %add3A_896 : i32 to index
        %swap3A_1018 = arith.index_cast %swap3A_1016 : i32 to index
        %swap3A_1019 = arith.constant 80 : index
        %swap3A_1020 = tpu.vector_load %arg6[%swap3A_1017, %swap3A_1018, %swap3A_1019] {strides = array<i32>} : memref<128x2x100xi32, #tpu.memory_space<vmem>>, vector<1x1x16xi32>,
        %swap3A_1021 = vector.shape_cast %swap3A_1020 : vector<1x1x16xi32> to vector<16xi32>
        %swap3A_1022 = vector.shape_cast %select_n3A_1015 : vector<16xi32> to vector<1x1x16xi32>
        tpu.vector_store %arg6[%swap3A_1017, %swap3A_1018, %swap3A_1019], %swap3A_1022 {strides = array<i32>} : memref<128x2x100xi32, #tpu.memory_space<vmem>>, vector<1x1x16xi32>,
        %get3A_1023 = arith.constant 0 : i32
        %get3A_1024 = arith.index_cast %add3A_896 : i32 to index
        %get3A_1025 = arith.index_cast %get3A_1023 : i32 to index
        %get3A_1026 = arith.constant 84 : index
        %get3A_1027 = tpu.vector_load %arg5[%get3A_1024, %get3A_1025, %get3A_1026] {strides = array<i32>} : memref<128x2x100xi32, #tpu.memory_space<vmem>>, vector<1x1x16xi32>,
        %get3A_1028 = vector.shape_cast %get3A_1027 : vector<1x1x16xi32> to vector<16xi32>
        %add3A_1029 = arith.addi %get3A_1028, %get3A_1028 : vector<16xi32>
        %lt3A_1030 = arith.constant 50000 : i32
        %lt3A_1031 = vector.broadcast %lt3A_1030 : i32 to vector<16xi32>
        %lt3A_1032 = arith.cmpi slt, %get3A_1028, %lt3A_1031 : vector<16xi32>
        %sub3A_1033 = arith.constant 99999 : i32
        %sub3A_1034 = vector.broadcast %sub3A_1033 : i32 to vector<16xi32>
        %sub3A_1035 = arith.subi %add3A_1029, %sub3A_1034 : vector<16xi32>
        %select_n3A_1036 = arith.select %lt3A_1032, %add3A_1029, %sub3A_1035 : vector<16xi1>, vector<16xi32>
        %swap3A_1037 = arith.constant 0 : i32
        %swap3A_1038 = arith.index_cast %add3A_896 : i32 to index
        %swap3A_1039 = arith.index_cast %swap3A_1037 : i32 to index
        %swap3A_1040 = arith.constant 84 : index
        %swap3A_1041 = tpu.vector_load %arg6[%swap3A_1038, %swap3A_1039, %swap3A_1040] {strides = array<i32>} : memref<128x2x100xi32, #tpu.memory_space<vmem>>, vector<1x1x16xi32>,
        %swap3A_1042 = vector.shape_cast %swap3A_1041 : vector<1x1x16xi32> to vector<16xi32>
        %swap3A_1043 = vector.shape_cast %select_n3A_1036 : vector<16xi32> to vector<1x1x16xi32>
        tpu.vector_store %arg6[%swap3A_1038, %swap3A_1039, %swap3A_1040], %swap3A_1043 {strides = array<i32>} : memref<128x2x100xi32, #tpu.memory_space<vmem>>, vector<1x1x16xi32>,
        %get3A_1044 = arith.constant 1 : i32
        %get3A_1045 = arith.index_cast %add3A_896 : i32 to index
        %get3A_1046 = arith.index_cast %get3A_1044 : i32 to index
        %get3A_1047 = arith.constant 0 : index
        %get3A_1048 = tpu.vector_load %arg5[%get3A_1045, %get3A_1046, %get3A_1047] {strides = array<i32>} : memref<128x2x100xi32, #tpu.memory_space<vmem>>, vector<1x1x16xi32>,
        %get3A_1049 = vector.shape_cast %get3A_1048 : vector<1x1x16xi32> to vector<16xi32>
        %add3A_1050 = arith.addi %get3A_1049, %get3A_1049 : vector<16xi32>
        %lt3A_1051 = arith.constant 50000 : i32
        %lt3A_1052 = vector.broadcast %lt3A_1051 : i32 to vector<16xi32>
        %lt3A_1053 = arith.cmpi slt, %get3A_1049, %lt3A_1052 : vector<16xi32>
        %sub3A_1054 = arith.constant 99999 : i32
        %sub3A_1055 = vector.broadcast %sub3A_1054 : i32 to vector<16xi32>
        %sub3A_1056 = arith.subi %add3A_1050, %sub3A_1055 : vector<16xi32>
        %select_n3A_1057 = arith.select %lt3A_1053, %add3A_1050, %sub3A_1056 : vector<16xi1>, vector<16xi32>
        %swap3A_1058 = arith.constant 1 : i32
        %swap3A_1059 = arith.index_cast %add3A_896 : i32 to index
        %swap3A_1060 = arith.index_cast %swap3A_1058 : i32 to index
        %swap3A_1061 = arith.constant 0 : index
        %swap3A_1062 = tpu.vector_load %arg6[%swap3A_1059, %swap3A_1060, %swap3A_1061] {strides = array<i32>} : memref<128x2x100xi32, #tpu.memory_space<vmem>>, vector<1x1x16xi32>,
        %swap3A_1063 = vector.shape_cast %swap3A_1062 : vector<1x1x16xi32> to vector<16xi32>
        %swap3A_1064 = vector.shape_cast %select_n3A_1057 : vector<16xi32> to vector<1x1x16xi32>
        tpu.vector_store %arg6[%swap3A_1059, %swap3A_1060, %swap3A_1061], %swap3A_1064 {strides = array<i32>} : memref<128x2x100xi32, #tpu.memory_space<vmem>>, vector<1x1x16xi32>,
        %get3A_1065 = arith.constant 1 : i32
        %get3A_1066 = arith.index_cast %add3A_896 : i32 to index
        %get3A_1067 = arith.index_cast %get3A_1065 : i32 to index
        %get3A_1068 = arith.constant 16 : index
        %get3A_1069 = tpu.vector_load %arg5[%get3A_1066, %get3A_1067, %get3A_1068] {strides = array<i32>} : memref<128x2x100xi32, #tpu.memory_space<vmem>>, vector<1x1x16xi32>,
        %get3A_1070 = vector.shape_cast %get3A_1069 : vector<1x1x16xi32> to vector<16xi32>
        %add3A_1071 = arith.addi %get3A_1070, %get3A_1070 : vector<16xi32>
        %lt3A_1072 = arith.constant 50000 : i32
        %lt3A_1073 = vector.broadcast %lt3A_1072 : i32 to vector<16xi32>
        %lt3A_1074 = arith.cmpi slt, %get3A_1070, %lt3A_1073 : vector<16xi32>
        %sub3A_1075 = arith.constant 99999 : i32
        %sub3A_1076 = vector.broadcast %sub3A_1075 : i32 to vector<16xi32>
        %sub3A_1077 = arith.subi %add3A_1071, %sub3A_1076 : vector<16xi32>
        %select_n3A_1078 = arith.select %lt3A_1074, %add3A_1071, %sub3A_1077 : vector<16xi1>, vector<16xi32>
        %swap3A_1079 = arith.constant 1 : i32
        %swap3A_1080 = arith.index_cast %add3A_896 : i32 to index
        %swap3A_1081 = arith.index_cast %swap3A_1079 : i32 to index
        %swap3A_1082 = arith.constant 16 : index
        %swap3A_1083 = tpu.vector_load %arg6[%swap3A_1080, %swap3A_1081, %swap3A_1082] {strides = array<i32>} : memref<128x2x100xi32, #tpu.memory_space<vmem>>, vector<1x1x16xi32>,
        %swap3A_1084 = vector.shape_cast %swap3A_1083 : vector<1x1x16xi32> to vector<16xi32>
        %swap3A_1085 = vector.shape_cast %select_n3A_1078 : vector<16xi32> to vector<1x1x16xi32>
        tpu.vector_store %arg6[%swap3A_1080, %swap3A_1081, %swap3A_1082], %swap3A_1085 {strides = array<i32>} : memref<128x2x100xi32, #tpu.memory_space<vmem>>, vector<1x1x16xi32>,
        %get3A_1086 = arith.constant 1 : i32
        %get3A_1087 = arith.index_cast %add3A_896 : i32 to index
        %get3A_1088 = arith.index_cast %get3A_1086 : i32 to index
        %get3A_1089 = arith.constant 32 : index
        %get3A_1090 = tpu.vector_load %arg5[%get3A_1087, %get3A_1088, %get3A_1089] {strides = array<i32>} : memref<128x2x100xi32, #tpu.memory_space<vmem>>, vector<1x1x16xi32>,
        %get3A_1091 = vector.shape_cast %get3A_1090 : vector<1x1x16xi32> to vector<16xi32>
        %add3A_1092 = arith.addi %get3A_1091, %get3A_1091 : vector<16xi32>
        %lt3A_1093 = arith.constant 50000 : i32
        %lt3A_1094 = vector.broadcast %lt3A_1093 : i32 to vector<16xi32>
        %lt3A_1095 = arith.cmpi slt, %get3A_1091, %lt3A_1094 : vector<16xi32>
        %sub3A_1096 = arith.constant 99999 : i32
        %sub3A_1097 = vector.broadcast %sub3A_1096 : i32 to vector<16xi32>
        %sub3A_1098 = arith.subi %add3A_1092, %sub3A_1097 : vector<16xi32>
        %select_n3A_1099 = arith.select %lt3A_1095, %add3A_1092, %sub3A_1098 : vector<16xi1>, vector<16xi32>
        %swap3A_1100 = arith.constant 1 : i32
        %swap3A_1101 = arith.index_cast %add3A_896 : i32 to index
        %swap3A_1102 = arith.index_cast %swap3A_1100 : i32 to index
        %swap3A_1103 = arith.constant 32 : index
        %swap3A_1104 = tpu.vector_load %arg6[%swap3A_1101, %swap3A_1102, %swap3A_1103] {strides = array<i32>} : memref<128x2x100xi32, #tpu.memory_space<vmem>>, vector<1x1x16xi32>,
        %swap3A_1105 = vector.shape_cast %swap3A_1104 : vector<1x1x16xi32> to vector<16xi32>
        %swap3A_1106 = vector.shape_cast %select_n3A_1099 : vector<16xi32> to vector<1x1x16xi32>
        tpu.vector_store %arg6[%swap3A_1101, %swap3A_1102, %swap3A_1103], %swap3A_1106 {strides = array<i32>} : memref<128x2x100xi32, #tpu.memory_space<vmem>>, vector<1x1x16xi32>,
        %get3A_1107 = arith.constant 1 : i32
        %get3A_1108 = arith.index_cast %add3A_896 : i32 to index
        %get3A_1109 = arith.index_cast %get3A_1107 : i32 to index
        %get3A_1110 = arith.constant 48 : index
        %get3A_1111 = tpu.vector_load %arg5[%get3A_1108, %get3A_1109, %get3A_1110] {strides = array<i32>} : memref<128x2x100xi32, #tpu.memory_space<vmem>>, vector<1x1x16xi32>,
        %get3A_1112 = vector.shape_cast %get3A_1111 : vector<1x1x16xi32> to vector<16xi32>
        %add3A_1113 = arith.addi %get3A_1112, %get3A_1112 : vector<16xi32>
        %lt3A_1114 = arith.constant 50000 : i32
        %lt3A_1115 = vector.broadcast %lt3A_1114 : i32 to vector<16xi32>
        %lt3A_1116 = arith.cmpi slt, %get3A_1112, %lt3A_1115 : vector<16xi32>
        %sub3A_1117 = arith.constant 99999 : i32
        %sub3A_1118 = vector.broadcast %sub3A_1117 : i32 to vector<16xi32>
        %sub3A_1119 = arith.subi %add3A_1113, %sub3A_1118 : vector<16xi32>
        %select_n3A_1120 = arith.select %lt3A_1116, %add3A_1113, %sub3A_1119 : vector<16xi1>, vector<16xi32>
        %swap3A_1121 = arith.constant 1 : i32
        %swap3A_1122 = arith.index_cast %add3A_896 : i32 to index
        %swap3A_1123 = arith.index_cast %swap3A_1121 : i32 to index
        %swap3A_1124 = arith.constant 48 : index
        %swap3A_1125 = tpu.vector_load %arg6[%swap3A_1122, %swap3A_1123, %swap3A_1124] {strides = array<i32>} : memref<128x2x100xi32, #tpu.memory_space<vmem>>, vector<1x1x16xi32>,
        %swap3A_1126 = vector.shape_cast %swap3A_1125 : vector<1x1x16xi32> to vector<16xi32>
        %swap3A_1127 = vector.shape_cast %select_n3A_1120 : vector<16xi32> to vector<1x1x16xi32>
        tpu.vector_store %arg6[%swap3A_1122, %swap3A_1123, %swap3A_1124], %swap3A_1127 {strides = array<i32>} : memref<128x2x100xi32, #tpu.memory_space<vmem>>, vector<1x1x16xi32>,
        %get3A_1128 = arith.constant 1 : i32
        %get3A_1129 = arith.index_cast %add3A_896 : i32 to index
        %get3A_1130 = arith.index_cast %get3A_1128 : i32 to index
        %get3A_1131 = arith.constant 64 : index
        %get3A_1132 = tpu.vector_load %arg5[%get3A_1129, %get3A_1130, %get3A_1131] {strides = array<i32>} : memref<128x2x100xi32, #tpu.memory_space<vmem>>, vector<1x1x16xi32>,
        %get3A_1133 = vector.shape_cast %get3A_1132 : vector<1x1x16xi32> to vector<16xi32>
        %add3A_1134 = arith.addi %get3A_1133, %get3A_1133 : vector<16xi32>
        %lt3A_1135 = arith.constant 50000 : i32
        %lt3A_1136 = vector.broadcast %lt3A_1135 : i32 to vector<16xi32>
        %lt3A_1137 = arith.cmpi slt, %get3A_1133, %lt3A_1136 : vector<16xi32>
        %sub3A_1138 = arith.constant 99999 : i32
        %sub3A_1139 = vector.broadcast %sub3A_1138 : i32 to vector<16xi32>
        %sub3A_1140 = arith.subi %add3A_1134, %sub3A_1139 : vector<16xi32>
        %select_n3A_1141 = arith.select %lt3A_1137, %add3A_1134, %sub3A_1140 : vector<16xi1>, vector<16xi32>
        %swap3A_1142 = arith.constant 1 : i32
        %swap3A_1143 = arith.index_cast %add3A_896 : i32 to index
        %swap3A_1144 = arith.index_cast %swap3A_1142 : i32 to index
        %swap3A_1145 = arith.constant 64 : index
        %swap3A_1146 = tpu.vector_load %arg6[%swap3A_1143, %swap3A_1144, %swap3A_1145] {strides = array<i32>} : memref<128x2x100xi32, #tpu.memory_space<vmem>>, vector<1x1x16xi32>,
        %swap3A_1147 = vector.shape_cast %swap3A_1146 : vector<1x1x16xi32> to vector<16xi32>
        %swap3A_1148 = vector.shape_cast %select_n3A_1141 : vector<16xi32> to vector<1x1x16xi32>
        tpu.vector_store %arg6[%swap3A_1143, %swap3A_1144, %swap3A_1145], %swap3A_1148 {strides = array<i32>} : memref<128x2x100xi32, #tpu.memory_space<vmem>>, vector<1x1x16xi32>,
        %get3A_1149 = arith.constant 1 : i32
        %get3A_1150 = arith.index_cast %add3A_896 : i32 to index
        %get3A_1151 = arith.index_cast %get3A_1149 : i32 to index
        %get3A_1152 = arith.constant 80 : index
        %get3A_1153 = tpu.vector_load %arg5[%get3A_1150, %get3A_1151, %get3A_1152] {strides = array<i32>} : memref<128x2x100xi32, #tpu.memory_space<vmem>>, vector<1x1x16xi32>,
        %get3A_1154 = vector.shape_cast %get3A_1153 : vector<1x1x16xi32> to vector<16xi32>
        %add3A_1155 = arith.addi %get3A_1154, %get3A_1154 : vector<16xi32>
        %lt3A_1156 = arith.constant 50000 : i32
        %lt3A_1157 = vector.broadcast %lt3A_1156 : i32 to vector<16xi32>
        %lt3A_1158 = arith.cmpi slt, %get3A_1154, %lt3A_1157 : vector<16xi32>
        %sub3A_1159 = arith.constant 99999 : i32
        %sub3A_1160 = vector.broadcast %sub3A_1159 : i32 to vector<16xi32>
        %sub3A_1161 = arith.subi %add3A_1155, %sub3A_1160 : vector<16xi32>
        %select_n3A_1162 = arith.select %lt3A_1158, %add3A_1155, %sub3A_1161 : vector<16xi1>, vector<16xi32>
        %swap3A_1163 = arith.constant 1 : i32
        %swap3A_1164 = arith.index_cast %add3A_896 : i32 to index
        %swap3A_1165 = arith.index_cast %swap3A_1163 : i32 to index
        %swap3A_1166 = arith.constant 80 : index
        %swap3A_1167 = tpu.vector_load %arg6[%swap3A_1164, %swap3A_1165, %swap3A_1166] {strides = array<i32>} : memref<128x2x100xi32, #tpu.memory_space<vmem>>, vector<1x1x16xi32>,
        %swap3A_1168 = vector.shape_cast %swap3A_1167 : vector<1x1x16xi32> to vector<16xi32>
        %swap3A_1169 = vector.shape_cast %select_n3A_1162 : vector<16xi32> to vector<1x1x16xi32>
        tpu.vector_store %arg6[%swap3A_1164, %swap3A_1165, %swap3A_1166], %swap3A_1169 {strides = array<i32>} : memref<128x2x100xi32, #tpu.memory_space<vmem>>, vector<1x1x16xi32>,
        %get3A_1170 = arith.constant 1 : i32
        %get3A_1171 = arith.index_cast %add3A_896 : i32 to index
        %get3A_1172 = arith.index_cast %get3A_1170 : i32 to index
        %get3A_1173 = arith.constant 84 : index
        %get3A_1174 = tpu.vector_load %arg5[%get3A_1171, %get3A_1172, %get3A_1173] {strides = array<i32>} : memref<128x2x100xi32, #tpu.memory_space<vmem>>, vector<1x1x16xi32>,
        %get3A_1175 = vector.shape_cast %get3A_1174 : vector<1x1x16xi32> to vector<16xi32>
        %add3A_1176 = arith.addi %get3A_1175, %get3A_1175 : vector<16xi32>
        %lt3A_1177 = arith.constant 50000 : i32
        %lt3A_1178 = vector.broadcast %lt3A_1177 : i32 to vector<16xi32>
        %lt3A_1179 = arith.cmpi slt, %get3A_1175, %lt3A_1178 : vector<16xi32>
        %sub3A_1180 = arith.constant 99999 : i32
        %sub3A_1181 = vector.broadcast %sub3A_1180 : i32 to vector<16xi32>
        %sub3A_1182 = arith.subi %add3A_1176, %sub3A_1181 : vector<16xi32>
        %select_n3A_1183 = arith.select %lt3A_1179, %add3A_1176, %sub3A_1182 : vector<16xi1>, vector<16xi32>
        %swap3A_1184 = arith.constant 1 : i32
        %swap3A_1185 = arith.index_cast %add3A_896 : i32 to index
        %swap3A_1186 = arith.index_cast %swap3A_1184 : i32 to index
        %swap3A_1187 = arith.constant 84 : index
        %swap3A_1188 = tpu.vector_load %arg6[%swap3A_1185, %swap3A_1186, %swap3A_1187] {strides = array<i32>} : memref<128x2x100xi32, #tpu.memory_space<vmem>>, vector<1x1x16xi32>,
        %swap3A_1189 = vector.shape_cast %swap3A_1188 : vector<1x1x16xi32> to vector<16xi32>
        %swap3A_1190 = vector.shape_cast %select_n3A_1183 : vector<16xi32> to vector<1x1x16xi32>
        tpu.vector_store %arg6[%swap3A_1185, %swap3A_1186, %swap3A_1187], %swap3A_1190 {strides = array<i32>} : memref<128x2x100xi32, #tpu.memory_space<vmem>>, vector<1x1x16xi32>,
        %add3A_1191 = arith.constant 3 : i32
        %add3A_1192 = arith.addi %mul3A_676, %add3A_1191 : i32
        %get3A_1193 = arith.constant 0 : i32
        %get3A_1194 = arith.index_cast %add3A_1192 : i32 to index
        %get3A_1195 = arith.index_cast %get3A_1193 : i32 to index
        %get3A_1196 = arith.constant 0 : index
        %get3A_1197 = tpu.vector_load %arg5[%get3A_1194, %get3A_1195, %get3A_1196] {strides = array<i32>} : memref<128x2x100xi32, #tpu.memory_space<vmem>>, vector<1x1x16xi32>,
        %get3A_1198 = vector.shape_cast %get3A_1197 : vector<1x1x16xi32> to vector<16xi32>
        %add3A_1199 = arith.addi %get3A_1198, %get3A_1198 : vector<16xi32>
        %lt3A_1200 = arith.constant 50000 : i32
        %lt3A_1201 = vector.broadcast %lt3A_1200 : i32 to vector<16xi32>
        %lt3A_1202 = arith.cmpi slt, %get3A_1198, %lt3A_1201 : vector<16xi32>
        %sub3A_1203 = arith.constant 99999 : i32
        %sub3A_1204 = vector.broadcast %sub3A_1203 : i32 to vector<16xi32>
        %sub3A_1205 = arith.subi %add3A_1199, %sub3A_1204 : vector<16xi32>
        %select_n3A_1206 = arith.select %lt3A_1202, %add3A_1199, %sub3A_1205 : vector<16xi1>, vector<16xi32>
        %swap3A_1207 = arith.constant 0 : i32
        %swap3A_1208 = arith.index_cast %add3A_1192 : i32 to index
        %swap3A_1209 = arith.index_cast %swap3A_1207 : i32 to index
        %swap3A_1210 = arith.constant 0 : index
        %swap3A_1211 = tpu.vector_load %arg6[%swap3A_1208, %swap3A_1209, %swap3A_1210] {strides = array<i32>} : memref<128x2x100xi32, #tpu.memory_space<vmem>>, vector<1x1x16xi32>,
        %swap3A_1212 = vector.shape_cast %swap3A_1211 : vector<1x1x16xi32> to vector<16xi32>
        %swap3A_1213 = vector.shape_cast %select_n3A_1206 : vector<16xi32> to vector<1x1x16xi32>
        tpu.vector_store %arg6[%swap3A_1208, %swap3A_1209, %swap3A_1210], %swap3A_1213 {strides = array<i32>} : memref<128x2x100xi32, #tpu.memory_space<vmem>>, vector<1x1x16xi32>,
        %get3A_1214 = arith.constant 0 : i32
        %get3A_1215 = arith.index_cast %add3A_1192 : i32 to index
        %get3A_1216 = arith.index_cast %get3A_1214 : i32 to index
        %get3A_1217 = arith.constant 16 : index
        %get3A_1218 = tpu.vector_load %arg5[%get3A_1215, %get3A_1216, %get3A_1217] {strides = array<i32>} : memref<128x2x100xi32, #tpu.memory_space<vmem>>, vector<1x1x16xi32>,
        %get3A_1219 = vector.shape_cast %get3A_1218 : vector<1x1x16xi32> to vector<16xi32>
        %add3A_1220 = arith.addi %get3A_1219, %get3A_1219 : vector<16xi32>
        %lt3A_1221 = arith.constant 50000 : i32
        %lt3A_1222 = vector.broadcast %lt3A_1221 : i32 to vector<16xi32>
        %lt3A_1223 = arith.cmpi slt, %get3A_1219, %lt3A_1222 : vector<16xi32>
        %sub3A_1224 = arith.constant 99999 : i32
        %sub3A_1225 = vector.broadcast %sub3A_1224 : i32 to vector<16xi32>
        %sub3A_1226 = arith.subi %add3A_1220, %sub3A_1225 : vector<16xi32>
        %select_n3A_1227 = arith.select %lt3A_1223, %add3A_1220, %sub3A_1226 : vector<16xi1>, vector<16xi32>
        %swap3A_1228 = arith.constant 0 : i32
        %swap3A_1229 = arith.index_cast %add3A_1192 : i32 to index
        %swap3A_1230 = arith.index_cast %swap3A_1228 : i32 to index
        %swap3A_1231 = arith.constant 16 : index
        %swap3A_1232 = tpu.vector_load %arg6[%swap3A_1229, %swap3A_1230, %swap3A_1231] {strides = array<i32>} : memref<128x2x100xi32, #tpu.memory_space<vmem>>, vector<1x1x16xi32>,
        %swap3A_1233 = vector.shape_cast %swap3A_1232 : vector<1x1x16xi32> to vector<16xi32>
        %swap3A_1234 = vector.shape_cast %select_n3A_1227 : vector<16xi32> to vector<1x1x16xi32>
        tpu.vector_store %arg6[%swap3A_1229, %swap3A_1230, %swap3A_1231], %swap3A_1234 {strides = array<i32>} : memref<128x2x100xi32, #tpu.memory_space<vmem>>, vector<1x1x16xi32>,
        %get3A_1235 = arith.constant 0 : i32
        %get3A_1236 = arith.index_cast %add3A_1192 : i32 to index
        %get3A_1237 = arith.index_cast %get3A_1235 : i32 to index
        %get3A_1238 = arith.constant 32 : index
        %get3A_1239 = tpu.vector_load %arg5[%get3A_1236, %get3A_1237, %get3A_1238] {strides = array<i32>} : memref<128x2x100xi32, #tpu.memory_space<vmem>>, vector<1x1x16xi32>,
        %get3A_1240 = vector.shape_cast %get3A_1239 : vector<1x1x16xi32> to vector<16xi32>
        %add3A_1241 = arith.addi %get3A_1240, %get3A_1240 : vector<16xi32>
        %lt3A_1242 = arith.constant 50000 : i32
        %lt3A_1243 = vector.broadcast %lt3A_1242 : i32 to vector<16xi32>
        %lt3A_1244 = arith.cmpi slt, %get3A_1240, %lt3A_1243 : vector<16xi32>
        %sub3A_1245 = arith.constant 99999 : i32
        %sub3A_1246 = vector.broadcast %sub3A_1245 : i32 to vector<16xi32>
        %sub3A_1247 = arith.subi %add3A_1241, %sub3A_1246 : vector<16xi32>
        %select_n3A_1248 = arith.select %lt3A_1244, %add3A_1241, %sub3A_1247 : vector<16xi1>, vector<16xi32>
        %swap3A_1249 = arith.constant 0 : i32
        %swap3A_1250 = arith.index_cast %add3A_1192 : i32 to index
        %swap3A_1251 = arith.index_cast %swap3A_1249 : i32 to index
        %swap3A_1252 = arith.constant 32 : index
        %swap3A_1253 = tpu.vector_load %arg6[%swap3A_1250, %swap3A_1251, %swap3A_1252] {strides = array<i32>} : memref<128x2x100xi32, #tpu.memory_space<vmem>>, vector<1x1x16xi32>,
        %swap3A_1254 = vector.shape_cast %swap3A_1253 : vector<1x1x16xi32> to vector<16xi32>
        %swap3A_1255 = vector.shape_cast %select_n3A_1248 : vector<16xi32> to vector<1x1x16xi32>
        tpu.vector_store %arg6[%swap3A_1250, %swap3A_1251, %swap3A_1252], %swap3A_1255 {strides = array<i32>} : memref<128x2x100xi32, #tpu.memory_space<vmem>>, vector<1x1x16xi32>,
        %get3A_1256 = arith.constant 0 : i32
        %get3A_1257 = arith.index_cast %add3A_1192 : i32 to index
        %get3A_1258 = arith.index_cast %get3A_1256 : i32 to index
        %get3A_1259 = arith.constant 48 : index
        %get3A_1260 = tpu.vector_load %arg5[%get3A_1257, %get3A_1258, %get3A_1259] {strides = array<i32>} : memref<128x2x100xi32, #tpu.memory_space<vmem>>, vector<1x1x16xi32>,
        %get3A_1261 = vector.shape_cast %get3A_1260 : vector<1x1x16xi32> to vector<16xi32>
        %add3A_1262 = arith.addi %get3A_1261, %get3A_1261 : vector<16xi32>
        %lt3A_1263 = arith.constant 50000 : i32
        %lt3A_1264 = vector.broadcast %lt3A_1263 : i32 to vector<16xi32>
        %lt3A_1265 = arith.cmpi slt, %get3A_1261, %lt3A_1264 : vector<16xi32>
        %sub3A_1266 = arith.constant 99999 : i32
        %sub3A_1267 = vector.broadcast %sub3A_1266 : i32 to vector<16xi32>
        %sub3A_1268 = arith.subi %add3A_1262, %sub3A_1267 : vector<16xi32>
        %select_n3A_1269 = arith.select %lt3A_1265, %add3A_1262, %sub3A_1268 : vector<16xi1>, vector<16xi32>
        %swap3A_1270 = arith.constant 0 : i32
        %swap3A_1271 = arith.index_cast %add3A_1192 : i32 to index
        %swap3A_1272 = arith.index_cast %swap3A_1270 : i32 to index
        %swap3A_1273 = arith.constant 48 : index
        %swap3A_1274 = tpu.vector_load %arg6[%swap3A_1271, %swap3A_1272, %swap3A_1273] {strides = array<i32>} : memref<128x2x100xi32, #tpu.memory_space<vmem>>, vector<1x1x16xi32>,
        %swap3A_1275 = vector.shape_cast %swap3A_1274 : vector<1x1x16xi32> to vector<16xi32>
        %swap3A_1276 = vector.shape_cast %select_n3A_1269 : vector<16xi32> to vector<1x1x16xi32>
        tpu.vector_store %arg6[%swap3A_1271, %swap3A_1272, %swap3A_1273], %swap3A_1276 {strides = array<i32>} : memref<128x2x100xi32, #tpu.memory_space<vmem>>, vector<1x1x16xi32>,
        %get3A_1277 = arith.constant 0 : i32
        %get3A_1278 = arith.index_cast %add3A_1192 : i32 to index
        %get3A_1279 = arith.index_cast %get3A_1277 : i32 to index
        %get3A_1280 = arith.constant 64 : index
        %get3A_1281 = tpu.vector_load %arg5[%get3A_1278, %get3A_1279, %get3A_1280] {strides = array<i32>} : memref<128x2x100xi32, #tpu.memory_space<vmem>>, vector<1x1x16xi32>,
        %get3A_1282 = vector.shape_cast %get3A_1281 : vector<1x1x16xi32> to vector<16xi32>
        %add3A_1283 = arith.addi %get3A_1282, %get3A_1282 : vector<16xi32>
        %lt3A_1284 = arith.constant 50000 : i32
        %lt3A_1285 = vector.broadcast %lt3A_1284 : i32 to vector<16xi32>
        %lt3A_1286 = arith.cmpi slt, %get3A_1282, %lt3A_1285 : vector<16xi32>
        %sub3A_1287 = arith.constant 99999 : i32
        %sub3A_1288 = vector.broadcast %sub3A_1287 : i32 to vector<16xi32>
        %sub3A_1289 = arith.subi %add3A_1283, %sub3A_1288 : vector<16xi32>
        %select_n3A_1290 = arith.select %lt3A_1286, %add3A_1283, %sub3A_1289 : vector<16xi1>, vector<16xi32>
        %swap3A_1291 = arith.constant 0 : i32
        %swap3A_1292 = arith.index_cast %add3A_1192 : i32 to index
        %swap3A_1293 = arith.index_cast %swap3A_1291 : i32 to index
        %swap3A_1294 = arith.constant 64 : index
        %swap3A_1295 = tpu.vector_load %arg6[%swap3A_1292, %swap3A_1293, %swap3A_1294] {strides = array<i32>} : memref<128x2x100xi32, #tpu.memory_space<vmem>>, vector<1x1x16xi32>,
        %swap3A_1296 = vector.shape_cast %swap3A_1295 : vector<1x1x16xi32> to vector<16xi32>
        %swap3A_1297 = vector.shape_cast %select_n3A_1290 : vector<16xi32> to vector<1x1x16xi32>
        tpu.vector_store %arg6[%swap3A_1292, %swap3A_1293, %swap3A_1294], %swap3A_1297 {strides = array<i32>} : memref<128x2x100xi32, #tpu.memory_space<vmem>>, vector<1x1x16xi32>,
        %get3A_1298 = arith.constant 0 : i32
        %get3A_1299 = arith.index_cast %add3A_1192 : i32 to index
        %get3A_1300 = arith.index_cast %get3A_1298 : i32 to index
        %get3A_1301 = arith.constant 80 : index
        %get3A_1302 = tpu.vector_load %arg5[%get3A_1299, %get3A_1300, %get3A_1301] {strides = array<i32>} : memref<128x2x100xi32, #tpu.memory_space<vmem>>, vector<1x1x16xi32>,
        %get3A_1303 = vector.shape_cast %get3A_1302 : vector<1x1x16xi32> to vector<16xi32>
        %add3A_1304 = arith.addi %get3A_1303, %get3A_1303 : vector<16xi32>
        %lt3A_1305 = arith.constant 50000 : i32
        %lt3A_1306 = vector.broadcast %lt3A_1305 : i32 to vector<16xi32>
        %lt3A_1307 = arith.cmpi slt, %get3A_1303, %lt3A_1306 : vector<16xi32>
        %sub3A_1308 = arith.constant 99999 : i32
        %sub3A_1309 = vector.broadcast %sub3A_1308 : i32 to vector<16xi32>
        %sub3A_1310 = arith.subi %add3A_1304, %sub3A_1309 : vector<16xi32>
        %select_n3A_1311 = arith.select %lt3A_1307, %add3A_1304, %sub3A_1310 : vector<16xi1>, vector<16xi32>
        %swap3A_1312 = arith.constant 0 : i32
        %swap3A_1313 = arith.index_cast %add3A_1192 : i32 to index
        %swap3A_1314 = arith.index_cast %swap3A_1312 : i32 to index
        %swap3A_1315 = arith.constant 80 : index
        %swap3A_1316 = tpu.vector_load %arg6[%swap3A_1313, %swap3A_1314, %swap3A_1315] {strides = array<i32>} : memref<128x2x100xi32, #tpu.memory_space<vmem>>, vector<1x1x16xi32>,
        %swap3A_1317 = vector.shape_cast %swap3A_1316 : vector<1x1x16xi32> to vector<16xi32>
        %swap3A_1318 = vector.shape_cast %select_n3A_1311 : vector<16xi32> to vector<1x1x16xi32>
        tpu.vector_store %arg6[%swap3A_1313, %swap3A_1314, %swap3A_1315], %swap3A_1318 {strides = array<i32>} : memref<128x2x100xi32, #tpu.memory_space<vmem>>, vector<1x1x16xi32>,
        %get3A_1319 = arith.constant 0 : i32
        %get3A_1320 = arith.index_cast %add3A_1192 : i32 to index
        %get3A_1321 = arith.index_cast %get3A_1319 : i32 to index
        %get3A_1322 = arith.constant 84 : index
        %get3A_1323 = tpu.vector_load %arg5[%get3A_1320, %get3A_1321, %get3A_1322] {strides = array<i32>} : memref<128x2x100xi32, #tpu.memory_space<vmem>>, vector<1x1x16xi32>,
        %get3A_1324 = vector.shape_cast %get3A_1323 : vector<1x1x16xi32> to vector<16xi32>
        %add3A_1325 = arith.addi %get3A_1324, %get3A_1324 : vector<16xi32>
        %lt3A_1326 = arith.constant 50000 : i32
        %lt3A_1327 = vector.broadcast %lt3A_1326 : i32 to vector<16xi32>
        %lt3A_1328 = arith.cmpi slt, %get3A_1324, %lt3A_1327 : vector<16xi32>
        %sub3A_1329 = arith.constant 99999 : i32
        %sub3A_1330 = vector.broadcast %sub3A_1329 : i32 to vector<16xi32>
        %sub3A_1331 = arith.subi %add3A_1325, %sub3A_1330 : vector<16xi32>
        %select_n3A_1332 = arith.select %lt3A_1328, %add3A_1325, %sub3A_1331 : vector<16xi1>, vector<16xi32>
        %swap3A_1333 = arith.constant 0 : i32
        %swap3A_1334 = arith.index_cast %add3A_1192 : i32 to index
        %swap3A_1335 = arith.index_cast %swap3A_1333 : i32 to index
        %swap3A_1336 = arith.constant 84 : index
        %swap3A_1337 = tpu.vector_load %arg6[%swap3A_1334, %swap3A_1335, %swap3A_1336] {strides = array<i32>} : memref<128x2x100xi32, #tpu.memory_space<vmem>>, vector<1x1x16xi32>,
        %swap3A_1338 = vector.shape_cast %swap3A_1337 : vector<1x1x16xi32> to vector<16xi32>
        %swap3A_1339 = vector.shape_cast %select_n3A_1332 : vector<16xi32> to vector<1x1x16xi32>
        tpu.vector_store %arg6[%swap3A_1334, %swap3A_1335, %swap3A_1336], %swap3A_1339 {strides = array<i32>} : memref<128x2x100xi32, #tpu.memory_space<vmem>>, vector<1x1x16xi32>,
        %get3A_1340 = arith.constant 1 : i32
        %get3A_1341 = arith.index_cast %add3A_1192 : i32 to index
        %get3A_1342 = arith.index_cast %get3A_1340 : i32 to index
        %get3A_1343 = arith.constant 0 : index
        %get3A_1344 = tpu.vector_load %arg5[%get3A_1341, %get3A_1342, %get3A_1343] {strides = array<i32>} : memref<128x2x100xi32, #tpu.memory_space<vmem>>, vector<1x1x16xi32>,
        %get3A_1345 = vector.shape_cast %get3A_1344 : vector<1x1x16xi32> to vector<16xi32>
        %add3A_1346 = arith.addi %get3A_1345, %get3A_1345 : vector<16xi32>
        %lt3A_1347 = arith.constant 50000 : i32
        %lt3A_1348 = vector.broadcast %lt3A_1347 : i32 to vector<16xi32>
        %lt3A_1349 = arith.cmpi slt, %get3A_1345, %lt3A_1348 : vector<16xi32>
        %sub3A_1350 = arith.constant 99999 : i32
        %sub3A_1351 = vector.broadcast %sub3A_1350 : i32 to vector<16xi32>
        %sub3A_1352 = arith.subi %add3A_1346, %sub3A_1351 : vector<16xi32>
        %select_n3A_1353 = arith.select %lt3A_1349, %add3A_1346, %sub3A_1352 : vector<16xi1>, vector<16xi32>
        %swap3A_1354 = arith.constant 1 : i32
        %swap3A_1355 = arith.index_cast %add3A_1192 : i32 to index
        %swap3A_1356 = arith.index_cast %swap3A_1354 : i32 to index
        %swap3A_1357 = arith.constant 0 : index
        %swap3A_1358 = tpu.vector_load %arg6[%swap3A_1355, %swap3A_1356, %swap3A_1357] {strides = array<i32>} : memref<128x2x100xi32, #tpu.memory_space<vmem>>, vector<1x1x16xi32>,
        %swap3A_1359 = vector.shape_cast %swap3A_1358 : vector<1x1x16xi32> to vector<16xi32>
        %swap3A_1360 = vector.shape_cast %select_n3A_1353 : vector<16xi32> to vector<1x1x16xi32>
        tpu.vector_store %arg6[%swap3A_1355, %swap3A_1356, %swap3A_1357], %swap3A_1360 {strides = array<i32>} : memref<128x2x100xi32, #tpu.memory_space<vmem>>, vector<1x1x16xi32>,
        %get3A_1361 = arith.constant 1 : i32
        %get3A_1362 = arith.index_cast %add3A_1192 : i32 to index
        %get3A_1363 = arith.index_cast %get3A_1361 : i32 to index
        %get3A_1364 = arith.constant 16 : index
        %get3A_1365 = tpu.vector_load %arg5[%get3A_1362, %get3A_1363, %get3A_1364] {strides = array<i32>} : memref<128x2x100xi32, #tpu.memory_space<vmem>>, vector<1x1x16xi32>,
        %get3A_1366 = vector.shape_cast %get3A_1365 : vector<1x1x16xi32> to vector<16xi32>
        %add3A_1367 = arith.addi %get3A_1366, %get3A_1366 : vector<16xi32>
        %lt3A_1368 = arith.constant 50000 : i32
        %lt3A_1369 = vector.broadcast %lt3A_1368 : i32 to vector<16xi32>
        %lt3A_1370 = arith.cmpi slt, %get3A_1366, %lt3A_1369 : vector<16xi32>
        %sub3A_1371 = arith.constant 99999 : i32
        %sub3A_1372 = vector.broadcast %sub3A_1371 : i32 to vector<16xi32>
        %sub3A_1373 = arith.subi %add3A_1367, %sub3A_1372 : vector<16xi32>
        %select_n3A_1374 = arith.select %lt3A_1370, %add3A_1367, %sub3A_1373 : vector<16xi1>, vector<16xi32>
        %swap3A_1375 = arith.constant 1 : i32
        %swap3A_1376 = arith.index_cast %add3A_1192 : i32 to index
        %swap3A_1377 = arith.index_cast %swap3A_1375 : i32 to index
        %swap3A_1378 = arith.constant 16 : index
        %swap3A_1379 = tpu.vector_load %arg6[%swap3A_1376, %swap3A_1377, %swap3A_1378] {strides = array<i32>} : memref<128x2x100xi32, #tpu.memory_space<vmem>>, vector<1x1x16xi32>,
        %swap3A_1380 = vector.shape_cast %swap3A_1379 : vector<1x1x16xi32> to vector<16xi32>
        %swap3A_1381 = vector.shape_cast %select_n3A_1374 : vector<16xi32> to vector<1x1x16xi32>
        tpu.vector_store %arg6[%swap3A_1376, %swap3A_1377, %swap3A_1378], %swap3A_1381 {strides = array<i32>} : memref<128x2x100xi32, #tpu.memory_space<vmem>>, vector<1x1x16xi32>,
        %get3A_1382 = arith.constant 1 : i32
        %get3A_1383 = arith.index_cast %add3A_1192 : i32 to index
        %get3A_1384 = arith.index_cast %get3A_1382 : i32 to index
        %get3A_1385 = arith.constant 32 : index
        %get3A_1386 = tpu.vector_load %arg5[%get3A_1383, %get3A_1384, %get3A_1385] {strides = array<i32>} : memref<128x2x100xi32, #tpu.memory_space<vmem>>, vector<1x1x16xi32>,
        %get3A_1387 = vector.shape_cast %get3A_1386 : vector<1x1x16xi32> to vector<16xi32>
        %add3A_1388 = arith.addi %get3A_1387, %get3A_1387 : vector<16xi32>
        %lt3A_1389 = arith.constant 50000 : i32
        %lt3A_1390 = vector.broadcast %lt3A_1389 : i32 to vector<16xi32>
        %lt3A_1391 = arith.cmpi slt, %get3A_1387, %lt3A_1390 : vector<16xi32>
        %sub3A_1392 = arith.constant 99999 : i32
        %sub3A_1393 = vector.broadcast %sub3A_1392 : i32 to vector<16xi32>
        %sub3A_1394 = arith.subi %add3A_1388, %sub3A_1393 : vector<16xi32>
        %select_n3A_1395 = arith.select %lt3A_1391, %add3A_1388, %sub3A_1394 : vector<16xi1>, vector<16xi32>
        %swap3A_1396 = arith.constant 1 : i32
        %swap3A_1397 = arith.index_cast %add3A_1192 : i32 to index
        %swap3A_1398 = arith.index_cast %swap3A_1396 : i32 to index
        %swap3A_1399 = arith.constant 32 : index
        %swap3A_1400 = tpu.vector_load %arg6[%swap3A_1397, %swap3A_1398, %swap3A_1399] {strides = array<i32>} : memref<128x2x100xi32, #tpu.memory_space<vmem>>, vector<1x1x16xi32>,
        %swap3A_1401 = vector.shape_cast %swap3A_1400 : vector<1x1x16xi32> to vector<16xi32>
        %swap3A_1402 = vector.shape_cast %select_n3A_1395 : vector<16xi32> to vector<1x1x16xi32>
        tpu.vector_store %arg6[%swap3A_1397, %swap3A_1398, %swap3A_1399], %swap3A_1402 {strides = array<i32>} : memref<128x2x100xi32, #tpu.memory_space<vmem>>, vector<1x1x16xi32>,
        %get3A_1403 = arith.constant 1 : i32
        %get3A_1404 = arith.index_cast %add3A_1192 : i32 to index
        %get3A_1405 = arith.index_cast %get3A_1403 : i32 to index
        %get3A_1406 = arith.constant 48 : index
        %get3A_1407 = tpu.vector_load %arg5[%get3A_1404, %get3A_1405, %get3A_1406] {strides = array<i32>} : memref<128x2x100xi32, #tpu.memory_space<vmem>>, vector<1x1x16xi32>,
        %get3A_1408 = vector.shape_cast %get3A_1407 : vector<1x1x16xi32> to vector<16xi32>
        %add3A_1409 = arith.addi %get3A_1408, %get3A_1408 : vector<16xi32>
        %lt3A_1410 = arith.constant 50000 : i32
        %lt3A_1411 = vector.broadcast %lt3A_1410 : i32 to vector<16xi32>
        %lt3A_1412 = arith.cmpi slt, %get3A_1408, %lt3A_1411 : vector<16xi32>
        %sub3A_1413 = arith.constant 99999 : i32
        %sub3A_1414 = vector.broadcast %sub3A_1413 : i32 to vector<16xi32>
        %sub3A_1415 = arith.subi %add3A_1409, %sub3A_1414 : vector<16xi32>
        %select_n3A_1416 = arith.select %lt3A_1412, %add3A_1409, %sub3A_1415 : vector<16xi1>, vector<16xi32>
        %swap3A_1417 = arith.constant 1 : i32
        %swap3A_1418 = arith.index_cast %add3A_1192 : i32 to index
        %swap3A_1419 = arith.index_cast %swap3A_1417 : i32 to index
        %swap3A_1420 = arith.constant 48 : index
        %swap3A_1421 = tpu.vector_load %arg6[%swap3A_1418, %swap3A_1419, %swap3A_1420] {strides = array<i32>} : memref<128x2x100xi32, #tpu.memory_space<vmem>>, vector<1x1x16xi32>,
        %swap3A_1422 = vector.shape_cast %swap3A_1421 : vector<1x1x16xi32> to vector<16xi32>
        %swap3A_1423 = vector.shape_cast %select_n3A_1416 : vector<16xi32> to vector<1x1x16xi32>
        tpu.vector_store %arg6[%swap3A_1418, %swap3A_1419, %swap3A_1420], %swap3A_1423 {strides = array<i32>} : memref<128x2x100xi32, #tpu.memory_space<vmem>>, vector<1x1x16xi32>,
        %get3A_1424 = arith.constant 1 : i32
        %get3A_1425 = arith.index_cast %add3A_1192 : i32 to index
        %get3A_1426 = arith.index_cast %get3A_1424 : i32 to index
        %get3A_1427 = arith.constant 64 : index
        %get3A_1428 = tpu.vector_load %arg5[%get3A_1425, %get3A_1426, %get3A_1427] {strides = array<i32>} : memref<128x2x100xi32, #tpu.memory_space<vmem>>, vector<1x1x16xi32>,
        %get3A_1429 = vector.shape_cast %get3A_1428 : vector<1x1x16xi32> to vector<16xi32>
        %add3A_1430 = arith.addi %get3A_1429, %get3A_1429 : vector<16xi32>
        %lt3A_1431 = arith.constant 50000 : i32
        %lt3A_1432 = vector.broadcast %lt3A_1431 : i32 to vector<16xi32>
        %lt3A_1433 = arith.cmpi slt, %get3A_1429, %lt3A_1432 : vector<16xi32>
        %sub3A_1434 = arith.constant 99999 : i32
        %sub3A_1435 = vector.broadcast %sub3A_1434 : i32 to vector<16xi32>
        %sub3A_1436 = arith.subi %add3A_1430, %sub3A_1435 : vector<16xi32>
        %select_n3A_1437 = arith.select %lt3A_1433, %add3A_1430, %sub3A_1436 : vector<16xi1>, vector<16xi32>
        %swap3A_1438 = arith.constant 1 : i32
        %swap3A_1439 = arith.index_cast %add3A_1192 : i32 to index
        %swap3A_1440 = arith.index_cast %swap3A_1438 : i32 to index
        %swap3A_1441 = arith.constant 64 : index
        %swap3A_1442 = tpu.vector_load %arg6[%swap3A_1439, %swap3A_1440, %swap3A_1441] {strides = array<i32>} : memref<128x2x100xi32, #tpu.memory_space<vmem>>, vector<1x1x16xi32>,
        %swap3A_1443 = vector.shape_cast %swap3A_1442 : vector<1x1x16xi32> to vector<16xi32>
        %swap3A_1444 = vector.shape_cast %select_n3A_1437 : vector<16xi32> to vector<1x1x16xi32>
        tpu.vector_store %arg6[%swap3A_1439, %swap3A_1440, %swap3A_1441], %swap3A_1444 {strides = array<i32>} : memref<128x2x100xi32, #tpu.memory_space<vmem>>, vector<1x1x16xi32>,
        %get3A_1445 = arith.constant 1 : i32
        %get3A_1446 = arith.index_cast %add3A_1192 : i32 to index
        %get3A_1447 = arith.index_cast %get3A_1445 : i32 to index
        %get3A_1448 = arith.constant 80 : index
        %get3A_1449 = tpu.vector_load %arg5[%get3A_1446, %get3A_1447, %get3A_1448] {strides = array<i32>} : memref<128x2x100xi32, #tpu.memory_space<vmem>>, vector<1x1x16xi32>,
        %get3A_1450 = vector.shape_cast %get3A_1449 : vector<1x1x16xi32> to vector<16xi32>
        %add3A_1451 = arith.addi %get3A_1450, %get3A_1450 : vector<16xi32>
        %lt3A_1452 = arith.constant 50000 : i32
        %lt3A_1453 = vector.broadcast %lt3A_1452 : i32 to vector<16xi32>
        %lt3A_1454 = arith.cmpi slt, %get3A_1450, %lt3A_1453 : vector<16xi32>
        %sub3A_1455 = arith.constant 99999 : i32
        %sub3A_1456 = vector.broadcast %sub3A_1455 : i32 to vector<16xi32>
        %sub3A_1457 = arith.subi %add3A_1451, %sub3A_1456 : vector<16xi32>
        %select_n3A_1458 = arith.select %lt3A_1454, %add3A_1451, %sub3A_1457 : vector<16xi1>, vector<16xi32>
        %swap3A_1459 = arith.constant 1 : i32
        %swap3A_1460 = arith.index_cast %add3A_1192 : i32 to index
        %swap3A_1461 = arith.index_cast %swap3A_1459 : i32 to index
        %swap3A_1462 = arith.constant 80 : index
        %swap3A_1463 = tpu.vector_load %arg6[%swap3A_1460, %swap3A_1461, %swap3A_1462] {strides = array<i32>} : memref<128x2x100xi32, #tpu.memory_space<vmem>>, vector<1x1x16xi32>,
        %swap3A_1464 = vector.shape_cast %swap3A_1463 : vector<1x1x16xi32> to vector<16xi32>
        %swap3A_1465 = vector.shape_cast %select_n3A_1458 : vector<16xi32> to vector<1x1x16xi32>
        tpu.vector_store %arg6[%swap3A_1460, %swap3A_1461, %swap3A_1462], %swap3A_1465 {strides = array<i32>} : memref<128x2x100xi32, #tpu.memory_space<vmem>>, vector<1x1x16xi32>,
        %get3A_1466 = arith.constant 1 : i32
        %get3A_1467 = arith.index_cast %add3A_1192 : i32 to index
        %get3A_1468 = arith.index_cast %get3A_1466 : i32 to index
        %get3A_1469 = arith.constant 84 : index
        %get3A_1470 = tpu.vector_load %arg5[%get3A_1467, %get3A_1468, %get3A_1469] {strides = array<i32>} : memref<128x2x100xi32, #tpu.memory_space<vmem>>, vector<1x1x16xi32>,
        %get3A_1471 = vector.shape_cast %get3A_1470 : vector<1x1x16xi32> to vector<16xi32>
        %add3A_1472 = arith.addi %get3A_1471, %get3A_1471 : vector<16xi32>
        %lt3A_1473 = arith.constant 50000 : i32
        %lt3A_1474 = vector.broadcast %lt3A_1473 : i32 to vector<16xi32>
        %lt3A_1475 = arith.cmpi slt, %get3A_1471, %lt3A_1474 : vector<16xi32>
        %sub3A_1476 = arith.constant 99999 : i32
        %sub3A_1477 = vector.broadcast %sub3A_1476 : i32 to vector<16xi32>
        %sub3A_1478 = arith.subi %add3A_1472, %sub3A_1477 : vector<16xi32>
        %select_n3A_1479 = arith.select %lt3A_1475, %add3A_1472, %sub3A_1478 : vector<16xi1>, vector<16xi32>
        %swap3A_1480 = arith.constant 1 : i32
        %swap3A_1481 = arith.index_cast %add3A_1192 : i32 to index
        %swap3A_1482 = arith.index_cast %swap3A_1480 : i32 to index
        %swap3A_1483 = arith.constant 84 : index
        %swap3A_1484 = tpu.vector_load %arg6[%swap3A_1481, %swap3A_1482, %swap3A_1483] {strides = array<i32>} : memref<128x2x100xi32, #tpu.memory_space<vmem>>, vector<1x1x16xi32>,
        %swap3A_1485 = vector.shape_cast %swap3A_1484 : vector<1x1x16xi32> to vector<16xi32>
        %swap3A_1486 = vector.shape_cast %select_n3A_1479 : vector<16xi32> to vector<1x1x16xi32>
        tpu.vector_store %arg6[%swap3A_1481, %swap3A_1482, %swap3A_1483], %swap3A_1486 {strides = array<i32>} : memref<128x2x100xi32, #tpu.memory_space<vmem>>, vector<1x1x16xi32>,
      } else {
      }
      %add3A_682 = arith.constant 1 : i32
      %add3A_683 = arith.addi %mul3A_676, %add3A_682 : i32
      %dma_start3A_684 = arith.constant 0 : i32
      %dma_start3A_685 = arith.constant 1 : i32
      %dma_start3A_686 = arith.constant 0 : i32
      %dma_start3A_687 = arith.constant 0 : i32
      %dma_start3A_688 = arith.constant 0 : i32
      %dma_start3A_689 = tpu.memref_slice %arg7[%dma_start3A_685, %dma_start3A_686, %dma_start3A_687, %dma_start3A_688] : memref<2x2x100x64xi32, #tpu.memory_space<vmem>> -> memref<1x1x100x64xi32, #tpu.memory_space<vmem>>
      %dma_start3A_690 = tpu.memref_squeeze %dma_start3A_689 : memref<1x1x100x64xi32, #tpu.memory_space<vmem>> -> memref<100x64xi32, #tpu.memory_space<vmem>>
      %dma_start3A_691 = arith.constant 0 : i32
      %dma_start3A_692 = tpu.memref_slice %arg6[%add3A_683, %dma_start3A_684, %dma_start3A_691] : memref<128x2x100xi32, #tpu.memory_space<vmem>> -> memref<1x1x100xi32, #tpu.memory_space<vmem>>
      %dma_start3A_693 = tpu.memref_squeeze %dma_start3A_692 : memref<1x1x100xi32, #tpu.memory_space<vmem>> -> memref<100xi32, #tpu.memory_space<vmem>>
      %dma_start3A_694 = arith.constant 0 : i32
      %dma_start3A_695 = arith.constant 0 : i32
      %dma_start3A_696 = tpu.memref_slice %arg2[%dma_start3A_694, %dma_start3A_695] : memref<100000x64xi32, #tpu.memory_space<hbm>> -> memref<100000x64xi32, #tpu.memory_space<hbm>>
      tpu.enqueue_indirect_dma source(%dma_start3A_696 : memref<100000x64xi32, #tpu.memory_space<hbm>>) target(%dma_start3A_690 : memref<100x64xi32, #tpu.memory_space<vmem>>) offsets(%dma_start3A_693 : memref<100xi32, #tpu.memory_space<vmem>>) semaphore(%arg10 : memref<!tpu.dma_semaphore, #tpu.memory_space<semaphore_mem>>)
      %dma_start3A_697 = arith.constant 1 : i32
      %dma_start3A_698 = arith.constant 1 : i32
      %dma_start3A_699 = arith.constant 1 : i32
      %dma_start3A_700 = arith.constant 0 : i32
      %dma_start3A_701 = arith.constant 0 : i32
      %dma_start3A_702 = tpu.memref_slice %arg7[%dma_start3A_698, %dma_start3A_699, %dma_start3A_700, %dma_start3A_701] : memref<2x2x100x64xi32, #tpu.memory_space<vmem>> -> memref<1x1x100x64xi32, #tpu.memory_space<vmem>>
      %dma_start3A_703 = tpu.memref_squeeze %dma_start3A_702 : memref<1x1x100x64xi32, #tpu.memory_space<vmem>> -> memref<100x64xi32, #tpu.memory_space<vmem>>
      %dma_start3A_704 = arith.constant 0 : i32
      %dma_start3A_705 = tpu.memref_slice %arg6[%add3A_683, %dma_start3A_697, %dma_start3A_704] : memref<128x2x100xi32, #tpu.memory_space<vmem>> -> memref<1x1x100xi32, #tpu.memory_space<vmem>>
      %dma_start3A_706 = tpu.memref_squeeze %dma_start3A_705 : memref<1x1x100xi32, #tpu.memory_space<vmem>> -> memref<100xi32, #tpu.memory_space<vmem>>
      %dma_start3A_707 = arith.constant 0 : i32
      %dma_start3A_708 = arith.constant 0 : i32
      %dma_start3A_709 = tpu.memref_slice %arg2[%dma_start3A_707, %dma_start3A_708] : memref<100000x64xi32, #tpu.memory_space<hbm>> -> memref<100000x64xi32, #tpu.memory_space<hbm>>
      tpu.enqueue_indirect_dma source(%dma_start3A_709 : memref<100000x64xi32, #tpu.memory_space<hbm>>) target(%dma_start3A_703 : memref<100x64xi32, #tpu.memory_space<vmem>>) offsets(%dma_start3A_706 : memref<100xi32, #tpu.memory_space<vmem>>) semaphore(%arg10 : memref<!tpu.dma_semaphore, #tpu.memory_space<semaphore_mem>>)
      %dma_wait3A = arith.constant 0 : i32
      %dma_wait3A_710 = arith.constant 0 : i32
      %dma_wait3A_711 = arith.constant 0 : i32
      %dma_wait3A_712 = arith.constant 0 : i32
      %dma_wait3A_713 = arith.constant 0 : i32
      %dma_wait3A_714 = tpu.memref_slice %arg7[%dma_wait3A_710, %dma_wait3A_711, %dma_wait3A_712, %dma_wait3A_713] : memref<2x2x100x64xi32, #tpu.memory_space<vmem>> -> memref<1x1x100x64xi32, #tpu.memory_space<vmem>>
      %dma_wait3A_715 = tpu.memref_squeeze %dma_wait3A_714 : memref<1x1x100x64xi32, #tpu.memory_space<vmem>> -> memref<100x64xi32, #tpu.memory_space<vmem>>
      %dma_wait3A_716 = arith.constant 0 : i32
      %dma_wait3A_717 = tpu.memref_slice %arg6[%mul3A_676, %dma_wait3A, %dma_wait3A_716] : memref<128x2x100xi32, #tpu.memory_space<vmem>> -> memref<1x1x100xi32, #tpu.memory_space<vmem>>
      %dma_wait3A_718 = tpu.memref_squeeze %dma_wait3A_717 : memref<1x1x100xi32, #tpu.memory_space<vmem>> -> memref<100xi32, #tpu.memory_space<vmem>>
      %dma_wait3A_719 = arith.constant 0 : i32
      %dma_wait3A_720 = arith.constant 0 : i32
      %dma_wait3A_721 = tpu.memref_slice %arg2[%dma_wait3A_719, %dma_wait3A_720] : memref<100000x64xi32, #tpu.memory_space<hbm>> -> memref<100000x64xi32, #tpu.memory_space<hbm>>
      tpu.wait_indirect_dma semaphore(%arg9 : memref<!tpu.dma_semaphore, #tpu.memory_space<semaphore_mem>>) src(%dma_wait3A_721 : memref<100000x64xi32, #tpu.memory_space<hbm>>) dst(%dma_wait3A_715 : memref<100x64xi32, #tpu.memory_space<vmem>>)
      %dma_wait3A_722 = arith.constant 1 : i32
      %dma_wait3A_723 = arith.constant 0 : i32
      %dma_wait3A_724 = arith.constant 1 : i32
      %dma_wait3A_725 = arith.constant 0 : i32
      %dma_wait3A_726 = arith.constant 0 : i32
      %dma_wait3A_727 = tpu.memref_slice %arg7[%dma_wait3A_723, %dma_wait3A_724, %dma_wait3A_725, %dma_wait3A_726] : memref<2x2x100x64xi32, #tpu.memory_space<vmem>> -> memref<1x1x100x64xi32, #tpu.memory_space<vmem>>
      %dma_wait3A_728 = tpu.memref_squeeze %dma_wait3A_727 : memref<1x1x100x64xi32, #tpu.memory_space<vmem>> -> memref<100x64xi32, #tpu.memory_space<vmem>>
      %dma_wait3A_729 = arith.constant 0 : i32
      %dma_wait3A_730 = tpu.memref_slice %arg6[%mul3A_676, %dma_wait3A_722, %dma_wait3A_729] : memref<128x2x100xi32, #tpu.memory_space<vmem>> -> memref<1x1x100xi32, #tpu.memory_space<vmem>>
      %dma_wait3A_731 = tpu.memref_squeeze %dma_wait3A_730 : memref<1x1x100xi32, #tpu.memory_space<vmem>> -> memref<100xi32, #tpu.memory_space<vmem>>
      %dma_wait3A_732 = arith.constant 0 : i32
      %dma_wait3A_733 = arith.constant 0 : i32
      %dma_wait3A_734 = tpu.memref_slice %arg2[%dma_wait3A_732, %dma_wait3A_733] : memref<100000x64xi32, #tpu.memory_space<hbm>> -> memref<100000x64xi32, #tpu.memory_space<hbm>>
      tpu.wait_indirect_dma semaphore(%arg9 : memref<!tpu.dma_semaphore, #tpu.memory_space<semaphore_mem>>) src(%dma_wait3A_734 : memref<100000x64xi32, #tpu.memory_space<hbm>>) dst(%dma_wait3A_728 : memref<100x64xi32, #tpu.memory_space<vmem>>)
      %broadcast_in_dim3A = arith.constant 0.000000e+00 : f32
      %broadcast_in_dim3A_735 = vector.broadcast %broadcast_in_dim3A : f32 to vector<16xf32>
      %broadcast_in_dim3A_736 = arith.constant 0.000000e+00 : f32
      %broadcast_in_dim3A_737 = vector.broadcast %broadcast_in_dim3A_736 : f32 to vector<16xf32>
      %broadcast_in_dim3A_738 = arith.constant 0.000000e+00 : f32
      %broadcast_in_dim3A_739 = vector.broadcast %broadcast_in_dim3A_738 : f32 to vector<16xf32>
      %broadcast_in_dim3A_740 = arith.constant 0.000000e+00 : f32
      %broadcast_in_dim3A_741 = vector.broadcast %broadcast_in_dim3A_740 : f32 to vector<16xf32>
      %broadcast_in_dim3A_742 = arith.constant 0.000000e+00 : f32
      %broadcast_in_dim3A_743 = vector.broadcast %broadcast_in_dim3A_742 : f32 to vector<16xf32>
      %broadcast_in_dim3A_744 = arith.constant 0.000000e+00 : f32
      %broadcast_in_dim3A_745 = vector.broadcast %broadcast_in_dim3A_744 : f32 to vector<16xf32>
      %broadcast_in_dim3A_746 = arith.constant 0.000000e+00 : f32
      %broadcast_in_dim3A_747 = vector.broadcast %broadcast_in_dim3A_746 : f32 to vector<16xf32>
      %broadcast_in_dim3A_748 = arith.constant 0.000000e+00 : f32
      %broadcast_in_dim3A_749 = vector.broadcast %broadcast_in_dim3A_748 : f32 to vector<16xf32>
      %scan3A_750 = arith.constant 0 : i32
      %scan3A_751 = arith.constant 100 : i32
      %scan3A_752 = arith.addi %scan3A_750, %scan3A_751 : i32
      %scan3A_753 = arith.constant 1 : i32
      %scan3A_754:8 = scf.for %scan3A_895 = %scan3A_750 to %scan3A_752 step %scan3A_753 iter_args(%scan3A_896 = %broadcast_in_dim3A_735, %scan3A_897 = %broadcast_in_dim3A_737, %scan3A_898 = %broadcast_in_dim3A_739, %scan3A_899 = %broadcast_in_dim3A_741, %scan3A_900 = %broadcast_in_dim3A_743, %scan3A_901 = %broadcast_in_dim3A_745, %scan3A_902 = %broadcast_in_dim3A_747, %scan3A_903 = %broadcast_in_dim3A_749) -> (vector<16xf32>, vector<16xf32>, vector<16xf32>, vector<16xf32>, vector<16xf32>, vector<16xf32>, vector<16xf32>, vector<16xf32>)  : i32 {
        %get3A_904 = arith.constant 0 : i32
        %get3A_905 = arith.constant 0 : i32
        %get3A_906 = arith.index_cast %get3A_904 : i32 to index
        %get3A_907 = arith.index_cast %get3A_905 : i32 to index
        %get3A_908 = arith.index_cast %scan3A_895 : i32 to index
        %get3A_909 = arith.constant 0 : index
        %get3A_910 = tpu.vector_load %arg7[%get3A_906, %get3A_907, %get3A_908, %get3A_909] {strides = array<i32>} : memref<2x2x100x64xi32, #tpu.memory_space<vmem>>, vector<1x1x1x16xi32>,
        %get3A_911 = vector.shape_cast %get3A_910 : vector<1x1x1x16xi32> to vector<16xi32>
        %shift_left3A = arith.constant 16 : i32
        %shift_left3A_912 = vector.broadcast %shift_left3A : i32 to vector<16xi32>
        %shift_left3A_913 = arith.shli %get3A_911, %shift_left3A_912 : vector<16xi32>
        %bitcast_convert_type3A = tpu.bitcast %shift_left3A_913 : vector<16xi32> -> vector<16xf32>
        %and3A = arith.constant -65536 : i32
        %and3A_914 = vector.broadcast %and3A : i32 to vector<16xi32>
        %and3A_915 = arith.andi %get3A_911, %and3A_914 : vector<16xi32>
        %bitcast_convert_type3A_916 = tpu.bitcast %and3A_915 : vector<16xi32> -> vector<16xf32>
        %add3A_917 = arith.addf %scan3A_896, %bitcast_convert_type3A : vector<16xf32>
        %add3A_918 = arith.addf %scan3A_900, %bitcast_convert_type3A_916 : vector<16xf32>
        %get3A_919 = arith.constant 0 : i32
        %get3A_920 = arith.constant 0 : i32
        %get3A_921 = arith.index_cast %get3A_919 : i32 to index
        %get3A_922 = arith.index_cast %get3A_920 : i32 to index
        %get3A_923 = arith.index_cast %scan3A_895 : i32 to index
        %get3A_924 = arith.constant 16 : index
        %get3A_925 = tpu.vector_load %arg7[%get3A_921, %get3A_922, %get3A_923, %get3A_924] {strides = array<i32>} : memref<2x2x100x64xi32, #tpu.memory_space<vmem>>, vector<1x1x1x16xi32>,
        %get3A_926 = vector.shape_cast %get3A_925 : vector<1x1x1x16xi32> to vector<16xi32>
        %shift_left3A_927 = arith.constant 16 : i32
        %shift_left3A_928 = vector.broadcast %shift_left3A_927 : i32 to vector<16xi32>
        %shift_left3A_929 = arith.shli %get3A_926, %shift_left3A_928 : vector<16xi32>
        %bitcast_convert_type3A_930 = tpu.bitcast %shift_left3A_929 : vector<16xi32> -> vector<16xf32>
        %and3A_931 = arith.constant -65536 : i32
        %and3A_932 = vector.broadcast %and3A_931 : i32 to vector<16xi32>
        %and3A_933 = arith.andi %get3A_926, %and3A_932 : vector<16xi32>
        %bitcast_convert_type3A_934 = tpu.bitcast %and3A_933 : vector<16xi32> -> vector<16xf32>
        %add3A_935 = arith.addf %scan3A_897, %bitcast_convert_type3A_930 : vector<16xf32>
        %add3A_936 = arith.addf %scan3A_901, %bitcast_convert_type3A_934 : vector<16xf32>
        %get3A_937 = arith.constant 0 : i32
        %get3A_938 = arith.constant 0 : i32
        %get3A_939 = arith.index_cast %get3A_937 : i32 to index
        %get3A_940 = arith.index_cast %get3A_938 : i32 to index
        %get3A_941 = arith.index_cast %scan3A_895 : i32 to index
        %get3A_942 = arith.constant 32 : index
        %get3A_943 = tpu.vector_load %arg7[%get3A_939, %get3A_940, %get3A_941, %get3A_942] {strides = array<i32>} : memref<2x2x100x64xi32, #tpu.memory_space<vmem>>, vector<1x1x1x16xi32>,
        %get3A_944 = vector.shape_cast %get3A_943 : vector<1x1x1x16xi32> to vector<16xi32>
        %shift_left3A_945 = arith.constant 16 : i32
        %shift_left3A_946 = vector.broadcast %shift_left3A_945 : i32 to vector<16xi32>
        %shift_left3A_947 = arith.shli %get3A_944, %shift_left3A_946 : vector<16xi32>
        %bitcast_convert_type3A_948 = tpu.bitcast %shift_left3A_947 : vector<16xi32> -> vector<16xf32>
        %and3A_949 = arith.constant -65536 : i32
        %and3A_950 = vector.broadcast %and3A_949 : i32 to vector<16xi32>
        %and3A_951 = arith.andi %get3A_944, %and3A_950 : vector<16xi32>
        %bitcast_convert_type3A_952 = tpu.bitcast %and3A_951 : vector<16xi32> -> vector<16xf32>
        %add3A_953 = arith.addf %scan3A_898, %bitcast_convert_type3A_948 : vector<16xf32>
        %add3A_954 = arith.addf %scan3A_902, %bitcast_convert_type3A_952 : vector<16xf32>
        %get3A_955 = arith.constant 0 : i32
        %get3A_956 = arith.constant 0 : i32
        %get3A_957 = arith.index_cast %get3A_955 : i32 to index
        %get3A_958 = arith.index_cast %get3A_956 : i32 to index
        %get3A_959 = arith.index_cast %scan3A_895 : i32 to index
        %get3A_960 = arith.constant 48 : index
        %get3A_961 = tpu.vector_load %arg7[%get3A_957, %get3A_958, %get3A_959, %get3A_960] {strides = array<i32>} : memref<2x2x100x64xi32, #tpu.memory_space<vmem>>, vector<1x1x1x16xi32>,
        %get3A_962 = vector.shape_cast %get3A_961 : vector<1x1x1x16xi32> to vector<16xi32>
        %shift_left3A_963 = arith.constant 16 : i32
        %shift_left3A_964 = vector.broadcast %shift_left3A_963 : i32 to vector<16xi32>
        %shift_left3A_965 = arith.shli %get3A_962, %shift_left3A_964 : vector<16xi32>
        %bitcast_convert_type3A_966 = tpu.bitcast %shift_left3A_965 : vector<16xi32> -> vector<16xf32>
        %and3A_967 = arith.constant -65536 : i32
        %and3A_968 = vector.broadcast %and3A_967 : i32 to vector<16xi32>
        %and3A_969 = arith.andi %get3A_962, %and3A_968 : vector<16xi32>
        %bitcast_convert_type3A_970 = tpu.bitcast %and3A_969 : vector<16xi32> -> vector<16xf32>
        %add3A_971 = arith.addf %scan3A_899, %bitcast_convert_type3A_966 : vector<16xf32>
        %add3A_972 = arith.addf %scan3A_903, %bitcast_convert_type3A_970 : vector<16xf32>
        %get3A_973 = arith.constant 0 : i32
        %get3A_974 = arith.constant 1 : i32
        %get3A_975 = arith.index_cast %get3A_973 : i32 to index
        %get3A_976 = arith.index_cast %get3A_974 : i32 to index
        %get3A_977 = arith.index_cast %scan3A_895 : i32 to index
        %get3A_978 = arith.constant 0 : index
        %get3A_979 = tpu.vector_load %arg7[%get3A_975, %get3A_976, %get3A_977, %get3A_978] {strides = array<i32>} : memref<2x2x100x64xi32, #tpu.memory_space<vmem>>, vector<1x1x1x16xi32>,
        %get3A_980 = vector.shape_cast %get3A_979 : vector<1x1x1x16xi32> to vector<16xi32>
        %shift_left3A_981 = arith.constant 16 : i32
        %shift_left3A_982 = vector.broadcast %shift_left3A_981 : i32 to vector<16xi32>
        %shift_left3A_983 = arith.shli %get3A_980, %shift_left3A_982 : vector<16xi32>
        %bitcast_convert_type3A_984 = tpu.bitcast %shift_left3A_983 : vector<16xi32> -> vector<16xf32>
        %and3A_985 = arith.constant -65536 : i32
        %and3A_986 = vector.broadcast %and3A_985 : i32 to vector<16xi32>
        %and3A_987 = arith.andi %get3A_980, %and3A_986 : vector<16xi32>
        %bitcast_convert_type3A_988 = tpu.bitcast %and3A_987 : vector<16xi32> -> vector<16xf32>
        %add3A_989 = arith.addf %add3A_917, %bitcast_convert_type3A_984 : vector<16xf32>
        %add3A_990 = arith.addf %add3A_918, %bitcast_convert_type3A_988 : vector<16xf32>
        %get3A_991 = arith.constant 0 : i32
        %get3A_992 = arith.constant 1 : i32
        %get3A_993 = arith.index_cast %get3A_991 : i32 to index
        %get3A_994 = arith.index_cast %get3A_992 : i32 to index
        %get3A_995 = arith.index_cast %scan3A_895 : i32 to index
        %get3A_996 = arith.constant 16 : index
        %get3A_997 = tpu.vector_load %arg7[%get3A_993, %get3A_994, %get3A_995, %get3A_996] {strides = array<i32>} : memref<2x2x100x64xi32, #tpu.memory_space<vmem>>, vector<1x1x1x16xi32>,
        %get3A_998 = vector.shape_cast %get3A_997 : vector<1x1x1x16xi32> to vector<16xi32>
        %shift_left3A_999 = arith.constant 16 : i32
        %shift_left3A_1000 = vector.broadcast %shift_left3A_999 : i32 to vector<16xi32>
        %shift_left3A_1001 = arith.shli %get3A_998, %shift_left3A_1000 : vector<16xi32>
        %bitcast_convert_type3A_1002 = tpu.bitcast %shift_left3A_1001 : vector<16xi32> -> vector<16xf32>
        %and3A_1003 = arith.constant -65536 : i32
        %and3A_1004 = vector.broadcast %and3A_1003 : i32 to vector<16xi32>
        %and3A_1005 = arith.andi %get3A_998, %and3A_1004 : vector<16xi32>
        %bitcast_convert_type3A_1006 = tpu.bitcast %and3A_1005 : vector<16xi32> -> vector<16xf32>
        %add3A_1007 = arith.addf %add3A_935, %bitcast_convert_type3A_1002 : vector<16xf32>
        %add3A_1008 = arith.addf %add3A_936, %bitcast_convert_type3A_1006 : vector<16xf32>
        %get3A_1009 = arith.constant 0 : i32
        %get3A_1010 = arith.constant 1 : i32
        %get3A_1011 = arith.index_cast %get3A_1009 : i32 to index
        %get3A_1012 = arith.index_cast %get3A_1010 : i32 to index
        %get3A_1013 = arith.index_cast %scan3A_895 : i32 to index
        %get3A_1014 = arith.constant 32 : index
        %get3A_1015 = tpu.vector_load %arg7[%get3A_1011, %get3A_1012, %get3A_1013, %get3A_1014] {strides = array<i32>} : memref<2x2x100x64xi32, #tpu.memory_space<vmem>>, vector<1x1x1x16xi32>,
        %get3A_1016 = vector.shape_cast %get3A_1015 : vector<1x1x1x16xi32> to vector<16xi32>
        %shift_left3A_1017 = arith.constant 16 : i32
        %shift_left3A_1018 = vector.broadcast %shift_left3A_1017 : i32 to vector<16xi32>
        %shift_left3A_1019 = arith.shli %get3A_1016, %shift_left3A_1018 : vector<16xi32>
        %bitcast_convert_type3A_1020 = tpu.bitcast %shift_left3A_1019 : vector<16xi32> -> vector<16xf32>
        %and3A_1021 = arith.constant -65536 : i32
        %and3A_1022 = vector.broadcast %and3A_1021 : i32 to vector<16xi32>
        %and3A_1023 = arith.andi %get3A_1016, %and3A_1022 : vector<16xi32>
        %bitcast_convert_type3A_1024 = tpu.bitcast %and3A_1023 : vector<16xi32> -> vector<16xf32>
        %add3A_1025 = arith.addf %add3A_953, %bitcast_convert_type3A_1020 : vector<16xf32>
        %add3A_1026 = arith.addf %add3A_954, %bitcast_convert_type3A_1024 : vector<16xf32>
        %get3A_1027 = arith.constant 0 : i32
        %get3A_1028 = arith.constant 1 : i32
        %get3A_1029 = arith.index_cast %get3A_1027 : i32 to index
        %get3A_1030 = arith.index_cast %get3A_1028 : i32 to index
        %get3A_1031 = arith.index_cast %scan3A_895 : i32 to index
        %get3A_1032 = arith.constant 48 : index
        %get3A_1033 = tpu.vector_load %arg7[%get3A_1029, %get3A_1030, %get3A_1031, %get3A_1032] {strides = array<i32>} : memref<2x2x100x64xi32, #tpu.memory_space<vmem>>, vector<1x1x1x16xi32>,
        %get3A_1034 = vector.shape_cast %get3A_1033 : vector<1x1x1x16xi32> to vector<16xi32>
        %shift_left3A_1035 = arith.constant 16 : i32
        %shift_left3A_1036 = vector.broadcast %shift_left3A_1035 : i32 to vector<16xi32>
        %shift_left3A_1037 = arith.shli %get3A_1034, %shift_left3A_1036 : vector<16xi32>
        %bitcast_convert_type3A_1038 = tpu.bitcast %shift_left3A_1037 : vector<16xi32> -> vector<16xf32>
        %and3A_1039 = arith.constant -65536 : i32
        %and3A_1040 = vector.broadcast %and3A_1039 : i32 to vector<16xi32>
        %and3A_1041 = arith.andi %get3A_1034, %and3A_1040 : vector<16xi32>
        %bitcast_convert_type3A_1042 = tpu.bitcast %and3A_1041 : vector<16xi32> -> vector<16xf32>
        %add3A_1043 = arith.addf %add3A_971, %bitcast_convert_type3A_1038 : vector<16xf32>
        %add3A_1044 = arith.addf %add3A_972, %bitcast_convert_type3A_1042 : vector<16xf32>
        scf.yield %add3A_989, %add3A_1007, %add3A_1025, %add3A_1043, %add3A_990, %add3A_1008, %add3A_1026, %add3A_1044 : vector<16xf32>, vector<16xf32>, vector<16xf32>, vector<16xf32>, vector<16xf32>, vector<16xf32>, vector<16xf32>, vector<16xf32>
      }
      %scan3A_755 = arith.constant 100 : i32
      %swap3A_756 = arith.index_cast %mul3A_676 : i32 to index
      %swap3A_757 = arith.constant 0 : index
      %swap3A_758 = tpu.vector_load %arg8[%swap3A_756, %swap3A_757] {strides = array<i32>} : memref<128x128xf32, #tpu.memory_space<vmem>>, vector<1x16xf32>,
      %swap3A_759 = vector.shape_cast %swap3A_758 : vector<1x16xf32> to vector<16xf32>
      %swap3A_760 = vector.shape_cast %scan3A_754#0 : vector<16xf32> to vector<1x16xf32>
      tpu.vector_store %arg8[%swap3A_756, %swap3A_757], %swap3A_760 {strides = array<i32>} : memref<128x128xf32, #tpu.memory_space<vmem>>, vector<1x16xf32>,
      %swap3A_761 = arith.index_cast %mul3A_676 : i32 to index
      %swap3A_762 = arith.constant 16 : index
      %swap3A_763 = tpu.vector_load %arg8[%swap3A_761, %swap3A_762] {strides = array<i32>} : memref<128x128xf32, #tpu.memory_space<vmem>>, vector<1x16xf32>,
      %swap3A_764 = vector.shape_cast %swap3A_763 : vector<1x16xf32> to vector<16xf32>
      %swap3A_765 = vector.shape_cast %scan3A_754#1 : vector<16xf32> to vector<1x16xf32>
      tpu.vector_store %arg8[%swap3A_761, %swap3A_762], %swap3A_765 {strides = array<i32>} : memref<128x128xf32, #tpu.memory_space<vmem>>, vector<1x16xf32>,
      %swap3A_766 = arith.index_cast %mul3A_676 : i32 to index
      %swap3A_767 = arith.constant 32 : index
      %swap3A_768 = tpu.vector_load %arg8[%swap3A_766, %swap3A_767] {strides = array<i32>} : memref<128x128xf32, #tpu.memory_space<vmem>>, vector<1x16xf32>,
      %swap3A_769 = vector.shape_cast %swap3A_768 : vector<1x16xf32> to vector<16xf32>
      %swap3A_770 = vector.shape_cast %scan3A_754#2 : vector<16xf32> to vector<1x16xf32>
      tpu.vector_store %arg8[%swap3A_766, %swap3A_767], %swap3A_770 {strides = array<i32>} : memref<128x128xf32, #tpu.memory_space<vmem>>, vector<1x16xf32>,
      %swap3A_771 = arith.index_cast %mul3A_676 : i32 to index
      %swap3A_772 = arith.constant 48 : index
      %swap3A_773 = tpu.vector_load %arg8[%swap3A_771, %swap3A_772] {strides = array<i32>} : memref<128x128xf32, #tpu.memory_space<vmem>>, vector<1x16xf32>,
      %swap3A_774 = vector.shape_cast %swap3A_773 : vector<1x16xf32> to vector<16xf32>
      %swap3A_775 = vector.shape_cast %scan3A_754#3 : vector<16xf32> to vector<1x16xf32>
      tpu.vector_store %arg8[%swap3A_771, %swap3A_772], %swap3A_775 {strides = array<i32>} : memref<128x128xf32, #tpu.memory_space<vmem>>, vector<1x16xf32>,
      %swap3A_776 = arith.index_cast %mul3A_676 : i32 to index
      %swap3A_777 = arith.constant 64 : index
      %swap3A_778 = tpu.vector_load %arg8[%swap3A_776, %swap3A_777] {strides = array<i32>} : memref<128x128xf32, #tpu.memory_space<vmem>>, vector<1x16xf32>,
      %swap3A_779 = vector.shape_cast %swap3A_778 : vector<1x16xf32> to vector<16xf32>
      %swap3A_780 = vector.shape_cast %scan3A_754#4 : vector<16xf32> to vector<1x16xf32>
      tpu.vector_store %arg8[%swap3A_776, %swap3A_777], %swap3A_780 {strides = array<i32>} : memref<128x128xf32, #tpu.memory_space<vmem>>, vector<1x16xf32>,
      %swap3A_781 = arith.index_cast %mul3A_676 : i32 to index
      %swap3A_782 = arith.constant 80 : index
      %swap3A_783 = tpu.vector_load %arg8[%swap3A_781, %swap3A_782] {strides = array<i32>} : memref<128x128xf32, #tpu.memory_space<vmem>>, vector<1x16xf32>,
      %swap3A_784 = vector.shape_cast %swap3A_783 : vector<1x16xf32> to vector<16xf32>
      %swap3A_785 = vector.shape_cast %scan3A_754#5 : vector<16xf32> to vector<1x16xf32>
      tpu.vector_store %arg8[%swap3A_781, %swap3A_782], %swap3A_785 {strides = array<i32>} : memref<128x128xf32, #tpu.memory_space<vmem>>, vector<1x16xf32>,
      %swap3A_786 = arith.index_cast %mul3A_676 : i32 to index
      %swap3A_787 = arith.constant 96 : index
      %swap3A_788 = tpu.vector_load %arg8[%swap3A_786, %swap3A_787] {strides = array<i32>} : memref<128x128xf32, #tpu.memory_space<vmem>>, vector<1x16xf32>,
      %swap3A_789 = vector.shape_cast %swap3A_788 : vector<1x16xf32> to vector<16xf32>
      %swap3A_790 = vector.shape_cast %scan3A_754#6 : vector<16xf32> to vector<1x16xf32>
      tpu.vector_store %arg8[%swap3A_786, %swap3A_787], %swap3A_790 {strides = array<i32>} : memref<128x128xf32, #tpu.memory_space<vmem>>, vector<1x16xf32>,
      %swap3A_791 = arith.index_cast %mul3A_676 : i32 to index
      %swap3A_792 = arith.constant 112 : index
      %swap3A_793 = tpu.vector_load %arg8[%swap3A_791, %swap3A_792] {strides = array<i32>} : memref<128x128xf32, #tpu.memory_space<vmem>>, vector<1x16xf32>,
      %swap3A_794 = vector.shape_cast %swap3A_793 : vector<1x16xf32> to vector<16xf32>
      %swap3A_795 = vector.shape_cast %scan3A_754#7 : vector<16xf32> to vector<1x16xf32>
      tpu.vector_store %arg8[%swap3A_791, %swap3A_792], %swap3A_795 {strides = array<i32>} : memref<128x128xf32, #tpu.memory_space<vmem>>, vector<1x16xf32>,
      %add3A_796 = arith.constant 2 : i32
      %add3A_797 = arith.addi %mul3A_676, %add3A_796 : i32
      %lt3A_798 = arith.constant 128 : i32
      %lt3A_799 = arith.cmpi slt, %add3A_797, %lt3A_798 : i32
      %convert_element_type3A_800 = arith.extui %lt3A_799 : i1 to i32
      %cond3A_801 = arith.constant 0 : i32
      %cond3A_802 = arith.cmpi ne, %convert_element_type3A_800, %cond3A_801 : i32
      scf.if %cond3A_802 {
        %add3A_895 = arith.constant 2 : i32
        %add3A_896 = arith.addi %mul3A_676, %add3A_895 : i32
        %dma_start3A_897 = arith.constant 0 : i32
        %dma_start3A_898 = arith.constant 0 : i32
        %dma_start3A_899 = arith.constant 0 : i32
        %dma_start3A_900 = arith.constant 0 : i32
        %dma_start3A_901 = arith.constant 0 : i32
        %dma_start3A_902 = tpu.memref_slice %arg7[%dma_start3A_898, %dma_start3A_899, %dma_start3A_900, %dma_start3A_901] : memref<2x2x100x64xi32, #tpu.memory_space<vmem>> -> memref<1x1x100x64xi32, #tpu.memory_space<vmem>>
        %dma_start3A_903 = tpu.memref_squeeze %dma_start3A_902 : memref<1x1x100x64xi32, #tpu.memory_space<vmem>> -> memref<100x64xi32, #tpu.memory_space<vmem>>
        %dma_start3A_904 = arith.constant 0 : i32
        %dma_start3A_905 = tpu.memref_slice %arg6[%add3A_896, %dma_start3A_897, %dma_start3A_904] : memref<128x2x100xi32, #tpu.memory_space<vmem>> -> memref<1x1x100xi32, #tpu.memory_space<vmem>>
        %dma_start3A_906 = tpu.memref_squeeze %dma_start3A_905 : memref<1x1x100xi32, #tpu.memory_space<vmem>> -> memref<100xi32, #tpu.memory_space<vmem>>
        %dma_start3A_907 = arith.constant 0 : i32
        %dma_start3A_908 = arith.constant 0 : i32
        %dma_start3A_909 = tpu.memref_slice %arg2[%dma_start3A_907, %dma_start3A_908] : memref<100000x64xi32, #tpu.memory_space<hbm>> -> memref<100000x64xi32, #tpu.memory_space<hbm>>
        tpu.enqueue_indirect_dma source(%dma_start3A_909 : memref<100000x64xi32, #tpu.memory_space<hbm>>) target(%dma_start3A_903 : memref<100x64xi32, #tpu.memory_space<vmem>>) offsets(%dma_start3A_906 : memref<100xi32, #tpu.memory_space<vmem>>) semaphore(%arg9 : memref<!tpu.dma_semaphore, #tpu.memory_space<semaphore_mem>>)
        %dma_start3A_910 = arith.constant 1 : i32
        %dma_start3A_911 = arith.constant 0 : i32
        %dma_start3A_912 = arith.constant 1 : i32
        %dma_start3A_913 = arith.constant 0 : i32
        %dma_start3A_914 = arith.constant 0 : i32
        %dma_start3A_915 = tpu.memref_slice %arg7[%dma_start3A_911, %dma_start3A_912, %dma_start3A_913, %dma_start3A_914] : memref<2x2x100x64xi32, #tpu.memory_space<vmem>> -> memref<1x1x100x64xi32, #tpu.memory_space<vmem>>
        %dma_start3A_916 = tpu.memref_squeeze %dma_start3A_915 : memref<1x1x100x64xi32, #tpu.memory_space<vmem>> -> memref<100x64xi32, #tpu.memory_space<vmem>>
        %dma_start3A_917 = arith.constant 0 : i32
        %dma_start3A_918 = tpu.memref_slice %arg6[%add3A_896, %dma_start3A_910, %dma_start3A_917] : memref<128x2x100xi32, #tpu.memory_space<vmem>> -> memref<1x1x100xi32, #tpu.memory_space<vmem>>
        %dma_start3A_919 = tpu.memref_squeeze %dma_start3A_918 : memref<1x1x100xi32, #tpu.memory_space<vmem>> -> memref<100xi32, #tpu.memory_space<vmem>>
        %dma_start3A_920 = arith.constant 0 : i32
        %dma_start3A_921 = arith.constant 0 : i32
        %dma_start3A_922 = tpu.memref_slice %arg2[%dma_start3A_920, %dma_start3A_921] : memref<100000x64xi32, #tpu.memory_space<hbm>> -> memref<100000x64xi32, #tpu.memory_space<hbm>>
        tpu.enqueue_indirect_dma source(%dma_start3A_922 : memref<100000x64xi32, #tpu.memory_space<hbm>>) target(%dma_start3A_916 : memref<100x64xi32, #tpu.memory_space<vmem>>) offsets(%dma_start3A_919 : memref<100xi32, #tpu.memory_space<vmem>>) semaphore(%arg9 : memref<!tpu.dma_semaphore, #tpu.memory_space<semaphore_mem>>)
      } else {
      }
      %add3A_803 = arith.constant 1 : i32
      %add3A_804 = arith.addi %mul3A_676, %add3A_803 : i32
      %dma_wait3A_805 = arith.constant 0 : i32
      %dma_wait3A_806 = arith.constant 1 : i32
      %dma_wait3A_807 = arith.constant 0 : i32
      %dma_wait3A_808 = arith.constant 0 : i32
      %dma_wait3A_809 = arith.constant 0 : i32
      %dma_wait3A_810 = tpu.memref_slice %arg7[%dma_wait3A_806, %dma_wait3A_807, %dma_wait3A_808, %dma_wait3A_809] : memref<2x2x100x64xi32, #tpu.memory_space<vmem>> -> memref<1x1x100x64xi32, #tpu.memory_space<vmem>>
      %dma_wait3A_811 = tpu.memref_squeeze %dma_wait3A_810 : memref<1x1x100x64xi32, #tpu.memory_space<vmem>> -> memref<100x64xi32, #tpu.memory_space<vmem>>
      %dma_wait3A_812 = arith.constant 0 : i32
      %dma_wait3A_813 = tpu.memref_slice %arg6[%add3A_804, %dma_wait3A_805, %dma_wait3A_812] : memref<128x2x100xi32, #tpu.memory_space<vmem>> -> memref<1x1x100xi32, #tpu.memory_space<vmem>>
      %dma_wait3A_814 = tpu.memref_squeeze %dma_wait3A_813 : memref<1x1x100xi32, #tpu.memory_space<vmem>> -> memref<100xi32, #tpu.memory_space<vmem>>
      %dma_wait3A_815 = arith.constant 0 : i32
      %dma_wait3A_816 = arith.constant 0 : i32
      %dma_wait3A_817 = tpu.memref_slice %arg2[%dma_wait3A_815, %dma_wait3A_816] : memref<100000x64xi32, #tpu.memory_space<hbm>> -> memref<100000x64xi32, #tpu.memory_space<hbm>>
      tpu.wait_indirect_dma semaphore(%arg10 : memref<!tpu.dma_semaphore, #tpu.memory_space<semaphore_mem>>) src(%dma_wait3A_817 : memref<100000x64xi32, #tpu.memory_space<hbm>>) dst(%dma_wait3A_811 : memref<100x64xi32, #tpu.memory_space<vmem>>)
      %dma_wait3A_818 = arith.constant 1 : i32
      %dma_wait3A_819 = arith.constant 1 : i32
      %dma_wait3A_820 = arith.constant 1 : i32
      %dma_wait3A_821 = arith.constant 0 : i32
      %dma_wait3A_822 = arith.constant 0 : i32
      %dma_wait3A_823 = tpu.memref_slice %arg7[%dma_wait3A_819, %dma_wait3A_820, %dma_wait3A_821, %dma_wait3A_822] : memref<2x2x100x64xi32, #tpu.memory_space<vmem>> -> memref<1x1x100x64xi32, #tpu.memory_space<vmem>>
      %dma_wait3A_824 = tpu.memref_squeeze %dma_wait3A_823 : memref<1x1x100x64xi32, #tpu.memory_space<vmem>> -> memref<100x64xi32, #tpu.memory_space<vmem>>
      %dma_wait3A_825 = arith.constant 0 : i32
      %dma_wait3A_826 = tpu.memref_slice %arg6[%add3A_804, %dma_wait3A_818, %dma_wait3A_825] : memref<128x2x100xi32, #tpu.memory_space<vmem>> -> memref<1x1x100xi32, #tpu.memory_space<vmem>>
      %dma_wait3A_827 = tpu.memref_squeeze %dma_wait3A_826 : memref<1x1x100xi32, #tpu.memory_space<vmem>> -> memref<100xi32, #tpu.memory_space<vmem>>
      %dma_wait3A_828 = arith.constant 0 : i32
      %dma_wait3A_829 = arith.constant 0 : i32
      %dma_wait3A_830 = tpu.memref_slice %arg2[%dma_wait3A_828, %dma_wait3A_829] : memref<100000x64xi32, #tpu.memory_space<hbm>> -> memref<100000x64xi32, #tpu.memory_space<hbm>>
      tpu.wait_indirect_dma semaphore(%arg10 : memref<!tpu.dma_semaphore, #tpu.memory_space<semaphore_mem>>) src(%dma_wait3A_830 : memref<100000x64xi32, #tpu.memory_space<hbm>>) dst(%dma_wait3A_824 : memref<100x64xi32, #tpu.memory_space<vmem>>)
      %add3A_831 = arith.constant 1 : i32
      %add3A_832 = arith.addi %mul3A_676, %add3A_831 : i32
      %broadcast_in_dim3A_833 = arith.constant 0.000000e+00 : f32
      %broadcast_in_dim3A_834 = vector.broadcast %broadcast_in_dim3A_833 : f32 to vector<16xf32>
      %broadcast_in_dim3A_835 = arith.constant 0.000000e+00 : f32
      %broadcast_in_dim3A_836 = vector.broadcast %broadcast_in_dim3A_835 : f32 to vector<16xf32>
      %broadcast_in_dim3A_837 = arith.constant 0.000000e+00 : f32
      %broadcast_in_dim3A_838 = vector.broadcast %broadcast_in_dim3A_837 : f32 to vector<16xf32>
      %broadcast_in_dim3A_839 = arith.constant 0.000000e+00 : f32
      %broadcast_in_dim3A_840 = vector.broadcast %broadcast_in_dim3A_839 : f32 to vector<16xf32>
      %broadcast_in_dim3A_841 = arith.constant 0.000000e+00 : f32
      %broadcast_in_dim3A_842 = vector.broadcast %broadcast_in_dim3A_841 : f32 to vector<16xf32>
      %broadcast_in_dim3A_843 = arith.constant 0.000000e+00 : f32
      %broadcast_in_dim3A_844 = vector.broadcast %broadcast_in_dim3A_843 : f32 to vector<16xf32>
      %broadcast_in_dim3A_845 = arith.constant 0.000000e+00 : f32
      %broadcast_in_dim3A_846 = vector.broadcast %broadcast_in_dim3A_845 : f32 to vector<16xf32>
      %broadcast_in_dim3A_847 = arith.constant 0.000000e+00 : f32
      %broadcast_in_dim3A_848 = vector.broadcast %broadcast_in_dim3A_847 : f32 to vector<16xf32>
      %scan3A_849 = arith.constant 0 : i32
      %scan3A_850 = arith.constant 100 : i32
      %scan3A_851 = arith.addi %scan3A_849, %scan3A_850 : i32
      %scan3A_852 = arith.constant 1 : i32
      %scan3A_853:8 = scf.for %scan3A_895 = %scan3A_849 to %scan3A_851 step %scan3A_852 iter_args(%scan3A_896 = %broadcast_in_dim3A_834, %scan3A_897 = %broadcast_in_dim3A_836, %scan3A_898 = %broadcast_in_dim3A_838, %scan3A_899 = %broadcast_in_dim3A_840, %scan3A_900 = %broadcast_in_dim3A_842, %scan3A_901 = %broadcast_in_dim3A_844, %scan3A_902 = %broadcast_in_dim3A_846, %scan3A_903 = %broadcast_in_dim3A_848) -> (vector<16xf32>, vector<16xf32>, vector<16xf32>, vector<16xf32>, vector<16xf32>, vector<16xf32>, vector<16xf32>, vector<16xf32>)  : i32 {
        %get3A_904 = arith.constant 1 : i32
        %get3A_905 = arith.constant 0 : i32
        %get3A_906 = arith.index_cast %get3A_904 : i32 to index
        %get3A_907 = arith.index_cast %get3A_905 : i32 to index
        %get3A_908 = arith.index_cast %scan3A_895 : i32 to index
        %get3A_909 = arith.constant 0 : index
        %get3A_910 = tpu.vector_load %arg7[%get3A_906, %get3A_907, %get3A_908, %get3A_909] {strides = array<i32>} : memref<2x2x100x64xi32, #tpu.memory_space<vmem>>, vector<1x1x1x16xi32>,
        %get3A_911 = vector.shape_cast %get3A_910 : vector<1x1x1x16xi32> to vector<16xi32>
        %shift_left3A = arith.constant 16 : i32
        %shift_left3A_912 = vector.broadcast %shift_left3A : i32 to vector<16xi32>
        %shift_left3A_913 = arith.shli %get3A_911, %shift_left3A_912 : vector<16xi32>
        %bitcast_convert_type3A = tpu.bitcast %shift_left3A_913 : vector<16xi32> -> vector<16xf32>
        %and3A = arith.constant -65536 : i32
        %and3A_914 = vector.broadcast %and3A : i32 to vector<16xi32>
        %and3A_915 = arith.andi %get3A_911, %and3A_914 : vector<16xi32>
        %bitcast_convert_type3A_916 = tpu.bitcast %and3A_915 : vector<16xi32> -> vector<16xf32>
        %add3A_917 = arith.addf %scan3A_896, %bitcast_convert_type3A : vector<16xf32>
        %add3A_918 = arith.addf %scan3A_900, %bitcast_convert_type3A_916 : vector<16xf32>
        %get3A_919 = arith.constant 1 : i32
        %get3A_920 = arith.constant 0 : i32
        %get3A_921 = arith.index_cast %get3A_919 : i32 to index
        %get3A_922 = arith.index_cast %get3A_920 : i32 to index
        %get3A_923 = arith.index_cast %scan3A_895 : i32 to index
        %get3A_924 = arith.constant 16 : index
        %get3A_925 = tpu.vector_load %arg7[%get3A_921, %get3A_922, %get3A_923, %get3A_924] {strides = array<i32>} : memref<2x2x100x64xi32, #tpu.memory_space<vmem>>, vector<1x1x1x16xi32>,
        %get3A_926 = vector.shape_cast %get3A_925 : vector<1x1x1x16xi32> to vector<16xi32>
        %shift_left3A_927 = arith.constant 16 : i32
        %shift_left3A_928 = vector.broadcast %shift_left3A_927 : i32 to vector<16xi32>
        %shift_left3A_929 = arith.shli %get3A_926, %shift_left3A_928 : vector<16xi32>
        %bitcast_convert_type3A_930 = tpu.bitcast %shift_left3A_929 : vector<16xi32> -> vector<16xf32>
        %and3A_931 = arith.constant -65536 : i32
        %and3A_932 = vector.broadcast %and3A_931 : i32 to vector<16xi32>
        %and3A_933 = arith.andi %get3A_926, %and3A_932 : vector<16xi32>
        %bitcast_convert_type3A_934 = tpu.bitcast %and3A_933 : vector<16xi32> -> vector<16xf32>
        %add3A_935 = arith.addf %scan3A_897, %bitcast_convert_type3A_930 : vector<16xf32>
        %add3A_936 = arith.addf %scan3A_901, %bitcast_convert_type3A_934 : vector<16xf32>
        %get3A_937 = arith.constant 1 : i32
        %get3A_938 = arith.constant 0 : i32
        %get3A_939 = arith.index_cast %get3A_937 : i32 to index
        %get3A_940 = arith.index_cast %get3A_938 : i32 to index
        %get3A_941 = arith.index_cast %scan3A_895 : i32 to index
        %get3A_942 = arith.constant 32 : index
        %get3A_943 = tpu.vector_load %arg7[%get3A_939, %get3A_940, %get3A_941, %get3A_942] {strides = array<i32>} : memref<2x2x100x64xi32, #tpu.memory_space<vmem>>, vector<1x1x1x16xi32>,
        %get3A_944 = vector.shape_cast %get3A_943 : vector<1x1x1x16xi32> to vector<16xi32>
        %shift_left3A_945 = arith.constant 16 : i32
        %shift_left3A_946 = vector.broadcast %shift_left3A_945 : i32 to vector<16xi32>
        %shift_left3A_947 = arith.shli %get3A_944, %shift_left3A_946 : vector<16xi32>
        %bitcast_convert_type3A_948 = tpu.bitcast %shift_left3A_947 : vector<16xi32> -> vector<16xf32>
        %and3A_949 = arith.constant -65536 : i32
        %and3A_950 = vector.broadcast %and3A_949 : i32 to vector<16xi32>
        %and3A_951 = arith.andi %get3A_944, %and3A_950 : vector<16xi32>
        %bitcast_convert_type3A_952 = tpu.bitcast %and3A_951 : vector<16xi32> -> vector<16xf32>
        %add3A_953 = arith.addf %scan3A_898, %bitcast_convert_type3A_948 : vector<16xf32>
        %add3A_954 = arith.addf %scan3A_902, %bitcast_convert_type3A_952 : vector<16xf32>
        %get3A_955 = arith.constant 1 : i32
        %get3A_956 = arith.constant 0 : i32
        %get3A_957 = arith.index_cast %get3A_955 : i32 to index
        %get3A_958 = arith.index_cast %get3A_956 : i32 to index
        %get3A_959 = arith.index_cast %scan3A_895 : i32 to index
        %get3A_960 = arith.constant 48 : index
        %get3A_961 = tpu.vector_load %arg7[%get3A_957, %get3A_958, %get3A_959, %get3A_960] {strides = array<i32>} : memref<2x2x100x64xi32, #tpu.memory_space<vmem>>, vector<1x1x1x16xi32>,
        %get3A_962 = vector.shape_cast %get3A_961 : vector<1x1x1x16xi32> to vector<16xi32>
        %shift_left3A_963 = arith.constant 16 : i32
        %shift_left3A_964 = vector.broadcast %shift_left3A_963 : i32 to vector<16xi32>
        %shift_left3A_965 = arith.shli %get3A_962, %shift_left3A_964 : vector<16xi32>
        %bitcast_convert_type3A_966 = tpu.bitcast %shift_left3A_965 : vector<16xi32> -> vector<16xf32>
        %and3A_967 = arith.constant -65536 : i32
        %and3A_968 = vector.broadcast %and3A_967 : i32 to vector<16xi32>
        %and3A_969 = arith.andi %get3A_962, %and3A_968 : vector<16xi32>
        %bitcast_convert_type3A_970 = tpu.bitcast %and3A_969 : vector<16xi32> -> vector<16xf32>
        %add3A_971 = arith.addf %scan3A_899, %bitcast_convert_type3A_966 : vector<16xf32>
        %add3A_972 = arith.addf %scan3A_903, %bitcast_convert_type3A_970 : vector<16xf32>
        %get3A_973 = arith.constant 1 : i32
        %get3A_974 = arith.constant 1 : i32
        %get3A_975 = arith.index_cast %get3A_973 : i32 to index
        %get3A_976 = arith.index_cast %get3A_974 : i32 to index
        %get3A_977 = arith.index_cast %scan3A_895 : i32 to index
        %get3A_978 = arith.constant 0 : index
        %get3A_979 = tpu.vector_load %arg7[%get3A_975, %get3A_976, %get3A_977, %get3A_978] {strides = array<i32>} : memref<2x2x100x64xi32, #tpu.memory_space<vmem>>, vector<1x1x1x16xi32>,
        %get3A_980 = vector.shape_cast %get3A_979 : vector<1x1x1x16xi32> to vector<16xi32>
        %shift_left3A_981 = arith.constant 16 : i32
        %shift_left3A_982 = vector.broadcast %shift_left3A_981 : i32 to vector<16xi32>
        %shift_left3A_983 = arith.shli %get3A_980, %shift_left3A_982 : vector<16xi32>
        %bitcast_convert_type3A_984 = tpu.bitcast %shift_left3A_983 : vector<16xi32> -> vector<16xf32>
        %and3A_985 = arith.constant -65536 : i32
        %and3A_986 = vector.broadcast %and3A_985 : i32 to vector<16xi32>
        %and3A_987 = arith.andi %get3A_980, %and3A_986 : vector<16xi32>
        %bitcast_convert_type3A_988 = tpu.bitcast %and3A_987 : vector<16xi32> -> vector<16xf32>
        %add3A_989 = arith.addf %add3A_917, %bitcast_convert_type3A_984 : vector<16xf32>
        %add3A_990 = arith.addf %add3A_918, %bitcast_convert_type3A_988 : vector<16xf32>
        %get3A_991 = arith.constant 1 : i32
        %get3A_992 = arith.constant 1 : i32
        %get3A_993 = arith.index_cast %get3A_991 : i32 to index
        %get3A_994 = arith.index_cast %get3A_992 : i32 to index
        %get3A_995 = arith.index_cast %scan3A_895 : i32 to index
        %get3A_996 = arith.constant 16 : index
        %get3A_997 = tpu.vector_load %arg7[%get3A_993, %get3A_994, %get3A_995, %get3A_996] {strides = array<i32>} : memref<2x2x100x64xi32, #tpu.memory_space<vmem>>, vector<1x1x1x16xi32>,
        %get3A_998 = vector.shape_cast %get3A_997 : vector<1x1x1x16xi32> to vector<16xi32>
        %shift_left3A_999 = arith.constant 16 : i32
        %shift_left3A_1000 = vector.broadcast %shift_left3A_999 : i32 to vector<16xi32>
        %shift_left3A_1001 = arith.shli %get3A_998, %shift_left3A_1000 : vector<16xi32>
        %bitcast_convert_type3A_1002 = tpu.bitcast %shift_left3A_1001 : vector<16xi32> -> vector<16xf32>
        %and3A_1003 = arith.constant -65536 : i32
        %and3A_1004 = vector.broadcast %and3A_1003 : i32 to vector<16xi32>
        %and3A_1005 = arith.andi %get3A_998, %and3A_1004 : vector<16xi32>
        %bitcast_convert_type3A_1006 = tpu.bitcast %and3A_1005 : vector<16xi32> -> vector<16xf32>
        %add3A_1007 = arith.addf %add3A_935, %bitcast_convert_type3A_1002 : vector<16xf32>
        %add3A_1008 = arith.addf %add3A_936, %bitcast_convert_type3A_1006 : vector<16xf32>
        %get3A_1009 = arith.constant 1 : i32
        %get3A_1010 = arith.constant 1 : i32
        %get3A_1011 = arith.index_cast %get3A_1009 : i32 to index
        %get3A_1012 = arith.index_cast %get3A_1010 : i32 to index
        %get3A_1013 = arith.index_cast %scan3A_895 : i32 to index
        %get3A_1014 = arith.constant 32 : index
        %get3A_1015 = tpu.vector_load %arg7[%get3A_1011, %get3A_1012, %get3A_1013, %get3A_1014] {strides = array<i32>} : memref<2x2x100x64xi32, #tpu.memory_space<vmem>>, vector<1x1x1x16xi32>,
        %get3A_1016 = vector.shape_cast %get3A_1015 : vector<1x1x1x16xi32> to vector<16xi32>
        %shift_left3A_1017 = arith.constant 16 : i32
        %shift_left3A_1018 = vector.broadcast %shift_left3A_1017 : i32 to vector<16xi32>
        %shift_left3A_1019 = arith.shli %get3A_1016, %shift_left3A_1018 : vector<16xi32>
        %bitcast_convert_type3A_1020 = tpu.bitcast %shift_left3A_1019 : vector<16xi32> -> vector<16xf32>
        %and3A_1021 = arith.constant -65536 : i32
        %and3A_1022 = vector.broadcast %and3A_1021 : i32 to vector<16xi32>
        %and3A_1023 = arith.andi %get3A_1016, %and3A_1022 : vector<16xi32>
        %bitcast_convert_type3A_1024 = tpu.bitcast %and3A_1023 : vector<16xi32> -> vector<16xf32>
        %add3A_1025 = arith.addf %add3A_953, %bitcast_convert_type3A_1020 : vector<16xf32>
        %add3A_1026 = arith.addf %add3A_954, %bitcast_convert_type3A_1024 : vector<16xf32>
        %get3A_1027 = arith.constant 1 : i32
        %get3A_1028 = arith.constant 1 : i32
        %get3A_1029 = arith.index_cast %get3A_1027 : i32 to index
        %get3A_1030 = arith.index_cast %get3A_1028 : i32 to index
        %get3A_1031 = arith.index_cast %scan3A_895 : i32 to index
        %get3A_1032 = arith.constant 48 : index
        %get3A_1033 = tpu.vector_load %arg7[%get3A_1029, %get3A_1030, %get3A_1031, %get3A_1032] {strides = array<i32>} : memref<2x2x100x64xi32, #tpu.memory_space<vmem>>, vector<1x1x1x16xi32>,
        %get3A_1034 = vector.shape_cast %get3A_1033 : vector<1x1x1x16xi32> to vector<16xi32>
        %shift_left3A_1035 = arith.constant 16 : i32
        %shift_left3A_1036 = vector.broadcast %shift_left3A_1035 : i32 to vector<16xi32>
        %shift_left3A_1037 = arith.shli %get3A_1034, %shift_left3A_1036 : vector<16xi32>
        %bitcast_convert_type3A_1038 = tpu.bitcast %shift_left3A_1037 : vector<16xi32> -> vector<16xf32>
        %and3A_1039 = arith.constant -65536 : i32
        %and3A_1040 = vector.broadcast %and3A_1039 : i32 to vector<16xi32>
        %and3A_1041 = arith.andi %get3A_1034, %and3A_1040 : vector<16xi32>
        %bitcast_convert_type3A_1042 = tpu.bitcast %and3A_1041 : vector<16xi32> -> vector<16xf32>
        %add3A_1043 = arith.addf %add3A_971, %bitcast_convert_type3A_1038 : vector<16xf32>
        %add3A_1044 = arith.addf %add3A_972, %bitcast_convert_type3A_1042 : vector<16xf32>
        scf.yield %add3A_989, %add3A_1007, %add3A_1025, %add3A_1043, %add3A_990, %add3A_1008, %add3A_1026, %add3A_1044 : vector<16xf32>, vector<16xf32>, vector<16xf32>, vector<16xf32>, vector<16xf32>, vector<16xf32>, vector<16xf32>, vector<16xf32>
      }
      %scan3A_854 = arith.constant 100 : i32
      %swap3A_855 = arith.index_cast %add3A_832 : i32 to index
      %swap3A_856 = arith.constant 0 : index
      %swap3A_857 = tpu.vector_load %arg8[%swap3A_855, %swap3A_856] {strides = array<i32>} : memref<128x128xf32, #tpu.memory_space<vmem>>, vector<1x16xf32>,
      %swap3A_858 = vector.shape_cast %swap3A_857 : vector<1x16xf32> to vector<16xf32>
      %swap3A_859 = vector.shape_cast %scan3A_853#0 : vector<16xf32> to vector<1x16xf32>
      tpu.vector_store %arg8[%swap3A_855, %swap3A_856], %swap3A_859 {strides = array<i32>} : memref<128x128xf32, #tpu.memory_space<vmem>>, vector<1x16xf32>,
      %swap3A_860 = arith.index_cast %add3A_832 : i32 to index
      %swap3A_861 = arith.constant 16 : index
      %swap3A_862 = tpu.vector_load %arg8[%swap3A_860, %swap3A_861] {strides = array<i32>} : memref<128x128xf32, #tpu.memory_space<vmem>>, vector<1x16xf32>,
      %swap3A_863 = vector.shape_cast %swap3A_862 : vector<1x16xf32> to vector<16xf32>
      %swap3A_864 = vector.shape_cast %scan3A_853#1 : vector<16xf32> to vector<1x16xf32>
      tpu.vector_store %arg8[%swap3A_860, %swap3A_861], %swap3A_864 {strides = array<i32>} : memref<128x128xf32, #tpu.memory_space<vmem>>, vector<1x16xf32>,
      %swap3A_865 = arith.index_cast %add3A_832 : i32 to index
      %swap3A_866 = arith.constant 32 : index
      %swap3A_867 = tpu.vector_load %arg8[%swap3A_865, %swap3A_866] {strides = array<i32>} : memref<128x128xf32, #tpu.memory_space<vmem>>, vector<1x16xf32>,
      %swap3A_868 = vector.shape_cast %swap3A_867 : vector<1x16xf32> to vector<16xf32>
      %swap3A_869 = vector.shape_cast %scan3A_853#2 : vector<16xf32> to vector<1x16xf32>
      tpu.vector_store %arg8[%swap3A_865, %swap3A_866], %swap3A_869 {strides = array<i32>} : memref<128x128xf32, #tpu.memory_space<vmem>>, vector<1x16xf32>,
      %swap3A_870 = arith.index_cast %add3A_832 : i32 to index
      %swap3A_871 = arith.constant 48 : index
      %swap3A_872 = tpu.vector_load %arg8[%swap3A_870, %swap3A_871] {strides = array<i32>} : memref<128x128xf32, #tpu.memory_space<vmem>>, vector<1x16xf32>,
      %swap3A_873 = vector.shape_cast %swap3A_872 : vector<1x16xf32> to vector<16xf32>
      %swap3A_874 = vector.shape_cast %scan3A_853#3 : vector<16xf32> to vector<1x16xf32>
      tpu.vector_store %arg8[%swap3A_870, %swap3A_871], %swap3A_874 {strides = array<i32>} : memref<128x128xf32, #tpu.memory_space<vmem>>, vector<1x16xf32>,
      %swap3A_875 = arith.index_cast %add3A_832 : i32 to index
      %swap3A_876 = arith.constant 64 : index
      %swap3A_877 = tpu.vector_load %arg8[%swap3A_875, %swap3A_876] {strides = array<i32>} : memref<128x128xf32, #tpu.memory_space<vmem>>, vector<1x16xf32>,
      %swap3A_878 = vector.shape_cast %swap3A_877 : vector<1x16xf32> to vector<16xf32>
      %swap3A_879 = vector.shape_cast %scan3A_853#4 : vector<16xf32> to vector<1x16xf32>
      tpu.vector_store %arg8[%swap3A_875, %swap3A_876], %swap3A_879 {strides = array<i32>} : memref<128x128xf32, #tpu.memory_space<vmem>>, vector<1x16xf32>,
      %swap3A_880 = arith.index_cast %add3A_832 : i32 to index
      %swap3A_881 = arith.constant 80 : index
      %swap3A_882 = tpu.vector_load %arg8[%swap3A_880, %swap3A_881] {strides = array<i32>} : memref<128x128xf32, #tpu.memory_space<vmem>>, vector<1x16xf32>,
      %swap3A_883 = vector.shape_cast %swap3A_882 : vector<1x16xf32> to vector<16xf32>
      %swap3A_884 = vector.shape_cast %scan3A_853#5 : vector<16xf32> to vector<1x16xf32>
      tpu.vector_store %arg8[%swap3A_880, %swap3A_881], %swap3A_884 {strides = array<i32>} : memref<128x128xf32, #tpu.memory_space<vmem>>, vector<1x16xf32>,
      %swap3A_885 = arith.index_cast %add3A_832 : i32 to index
      %swap3A_886 = arith.constant 96 : index
      %swap3A_887 = tpu.vector_load %arg8[%swap3A_885, %swap3A_886] {strides = array<i32>} : memref<128x128xf32, #tpu.memory_space<vmem>>, vector<1x16xf32>,
      %swap3A_888 = vector.shape_cast %swap3A_887 : vector<1x16xf32> to vector<16xf32>
      %swap3A_889 = vector.shape_cast %scan3A_853#6 : vector<16xf32> to vector<1x16xf32>
      tpu.vector_store %arg8[%swap3A_885, %swap3A_886], %swap3A_889 {strides = array<i32>} : memref<128x128xf32, #tpu.memory_space<vmem>>, vector<1x16xf32>,
      %swap3A_890 = arith.index_cast %add3A_832 : i32 to index
      %swap3A_891 = arith.constant 112 : index
      %swap3A_892 = tpu.vector_load %arg8[%swap3A_890, %swap3A_891] {strides = array<i32>} : memref<128x128xf32, #tpu.memory_space<vmem>>, vector<1x16xf32>,
      %swap3A_893 = vector.shape_cast %swap3A_892 : vector<1x16xf32> to vector<16xf32>
      %swap3A_894 = vector.shape_cast %scan3A_853#7 : vector<16xf32> to vector<1x16xf32>
      tpu.vector_store %arg8[%swap3A_890, %swap3A_891], %swap3A_894 {strides = array<i32>} : memref<128x128xf32, #tpu.memory_space<vmem>>, vector<1x16xf32>,
    }
    %scan3A_673 = arith.constant 64 : i32
    "tpu.region"() ({
      %run_scoped3A = tpu.sem_alloc : memref<!tpu.dma_semaphore, #tpu.memory_space<semaphore_mem>>
      %dma_start3A_674 = arith.constant 0 : i32
      %dma_start3A_675 = tpu.memref_slice %arg4[%mul3A_2, %dma_start3A_674] : memref<4096x128xf32, #tpu.memory_space<hbm>> -> memref<128x128xf32, #tpu.memory_space<hbm>>
      %dma_start3A_676 = arith.constant 0 : i32
      %dma_start3A_677 = tpu.memref_slice %arg4[%mul3A_2, %dma_start3A_676] : memref<4096x128xf32, #tpu.memory_space<hbm>> -> memref<128x128xf32, #tpu.memory_space<hbm>>
      tpu.enqueue_dma source(%arg8 : memref<128x128xf32, #tpu.memory_space<vmem>>) target(%dma_start3A_677 : memref<128x128xf32, #tpu.memory_space<hbm>>) target_semaphore(%run_scoped3A : memref<!tpu.dma_semaphore, #tpu.memory_space<semaphore_mem>>)
      %dma_wait3A = arith.constant 0 : i32
      %dma_wait3A_678 = tpu.memref_slice %arg4[%mul3A_2, %dma_wait3A] : memref<4096x128xf32, #tpu.memory_space<hbm>> -> memref<128x128xf32, #tpu.memory_space<hbm>>
      %dma_wait3A_679 = arith.constant 0 : i32
      %dma_wait3A_680 = tpu.memref_slice %arg4[%mul3A_2, %dma_wait3A_679] : memref<4096x128xf32, #tpu.memory_space<hbm>> -> memref<128x128xf32, #tpu.memory_space<hbm>>
      tpu.wait_dma2 semaphore(%run_scoped3A : memref<!tpu.dma_semaphore, #tpu.memory_space<semaphore_mem>>) src(%arg8 : memref<128x128xf32, #tpu.memory_space<vmem>>) dst(%dma_wait3A_680 : memref<128x128xf32, #tpu.memory_space<hbm>>)
      tpu.yield
    }) : () -> ()
    return
  }
}

module attributes {stable_mosaic.version = 14 : i64} {
  func.func @pack_kernel(%arg0: i32, %arg1: memref<5000x128xf32, #tpu.memory_space<vmem>>, %arg2: memref<5000x128xf32, #tpu.memory_space<vmem>>, %arg3: memref<5000x128xi32, #tpu.memory_space<vmem>>) attributes {dimension_semantics = [#tpu.dimension_semantics<arbitrary>], iteration_bounds = array<i64: 10>, scalar_prefetch = 0 : i64, scratch_operands = 0 : i64, tpu.core_type = #tpu.core_type<tc>, window_params = [{transform_indices = @transform_0, window_bounds = array<i64: 5000, 128>}, {transform_indices = @transform_1, window_bounds = array<i64: 5000, 128>}, {transform_indices = @transform_2, window_bounds = array<i64: 5000, 128>}]} {
    %get3A = arith.constant 0 : index
    %get3A_0 = arith.constant 0 : index
    %get3A_1 = vector.load %arg1[%get3A, %get3A_0] : memref<5000x128xf32, #tpu.memory_space<vmem>>, vector<5000x128xf32>
    %bitcast_convert_type3A = tpu.bitcast %get3A_1 : vector<5000x128xf32> -> vector<5000x128xi32>
    %slice3A = vector.extract_strided_slice %bitcast_convert_type3A {offsets = [0, 0], sizes = [5000, 64], strides = [1, 1]} : vector<5000x128xi32> to vector<5000x64xi32>
    %shift_right_logical3A = arith.constant 16 : i32
    %shift_right_logical3A_2 = vector.broadcast %shift_right_logical3A : i32 to vector<5000x64xi32>
    %shift_right_logical3A_3 = arith.shrui %slice3A, %shift_right_logical3A_2 : vector<5000x64xi32>
    %slice3A_4 = vector.extract_strided_slice %bitcast_convert_type3A {offsets = [0, 64], sizes = [5000, 64], strides = [1, 1]} : vector<5000x128xi32> to vector<5000x64xi32>
    %and3A = arith.constant -65536 : i32
    %and3A_5 = vector.broadcast %and3A : i32 to vector<5000x64xi32>
    %and3A_6 = arith.andi %slice3A_4, %and3A_5 : vector<5000x64xi32>
    %or3A = arith.ori %shift_right_logical3A_3, %and3A_6 : vector<5000x64xi32>
    %get3A_7 = arith.constant 0 : index
    %get3A_8 = arith.constant 0 : index
    %get3A_9 = vector.load %arg2[%get3A_7, %get3A_8] : memref<5000x128xf32, #tpu.memory_space<vmem>>, vector<5000x128xf32>
    %bitcast_convert_type3A_10 = tpu.bitcast %get3A_9 : vector<5000x128xf32> -> vector<5000x128xi32>
    %slice3A_11 = vector.extract_strided_slice %bitcast_convert_type3A_10 {offsets = [0, 0], sizes = [5000, 64], strides = [1, 1]} : vector<5000x128xi32> to vector<5000x64xi32>
    %shift_right_logical3A_12 = arith.constant 16 : i32
    %shift_right_logical3A_13 = vector.broadcast %shift_right_logical3A_12 : i32 to vector<5000x64xi32>
    %shift_right_logical3A_14 = arith.shrui %slice3A_11, %shift_right_logical3A_13 : vector<5000x64xi32>
    %slice3A_15 = vector.extract_strided_slice %bitcast_convert_type3A_10 {offsets = [0, 64], sizes = [5000, 64], strides = [1, 1]} : vector<5000x128xi32> to vector<5000x64xi32>
    %and3A_16 = arith.constant -65536 : i32
    %and3A_17 = vector.broadcast %and3A_16 : i32 to vector<5000x64xi32>
    %and3A_18 = arith.andi %slice3A_15, %and3A_17 : vector<5000x64xi32>
    %or3A_19 = arith.ori %shift_right_logical3A_14, %and3A_18 : vector<5000x64xi32>
    %concatenate3A = tpu.concatenate %or3A, %or3A_19 in 1 : vector<5000x64xi32>, vector<5000x64xi32> -> vector<5000x128xi32>
    %bitcast_convert_type3A_20 = tpu.bitcast %concatenate3A : vector<5000x128xi32> -> vector<5000x128xi32>
    %swap3A = arith.constant 0 : index
    %swap3A_21 = arith.constant 0 : index
    %swap3A_22 = vector.load %arg3[%swap3A, %swap3A_21] : memref<5000x128xi32, #tpu.memory_space<vmem>>, vector<5000x128xi32>
    tpu.vector_store %arg3[%swap3A, %swap3A_21], %bitcast_convert_type3A_20 {strides = array<i32>} : memref<5000x128xi32, #tpu.memory_space<vmem>>, vector<5000x128xi32>,
    return
  }
  func.func @transform_0(%arg0: i32) -> (i32, i32) {
    %c0_i32 = arith.constant 0 : i32
    %c0_i32_0 = arith.constant 0 : i32
    return %arg0, %c0_i32 : i32, i32
  }
  func.func @transform_1(%arg0: i32) -> (i32, i32) {
    %add3A = arith.constant 10 : i32
    %add3A_0 = arith.addi %arg0, %add3A : i32
    %c0_i32 = arith.constant 0 : i32
    %c0_i32_1 = arith.constant 0 : i32
    return %add3A_0, %c0_i32 : i32, i32
  }
  func.func @transform_2(%arg0: i32) -> (i32, i32) {
    %c0_i32 = arith.constant 0 : i32
    %c0_i32_0 = arith.constant 0 : i32
    return %arg0, %c0_i32 : i32, i32
  }
}

module attributes {stable_mosaic.version = 14 : i64} {
  func.func @mlp_kernel(%arg0: i32, %arg1: memref<2048x128xf32, #tpu.memory_space<vmem>>, %arg2: memref<2048x200xi32, #tpu.memory_space<vmem>>, %arg3: memref<1x128xf32, #tpu.memory_space<vmem>>, %arg4: memref<128x128xf32, #tpu.memory_space<vmem>>, %arg5: memref<1x128xf32, #tpu.memory_space<vmem>>, %arg6: memref<128x128xf32, #tpu.memory_space<vmem>>, %arg7: memref<1x128xf32, #tpu.memory_space<vmem>>, %arg8: memref<128x100xf32, #tpu.memory_space<vmem>>, %arg9: memref<1x100xf32, #tpu.memory_space<vmem>>, %arg10: memref<2048x100xf32, #tpu.memory_space<vmem>>) attributes {dimension_semantics = [#tpu.dimension_semantics<arbitrary>], iteration_bounds = array<i64: 2>, scalar_prefetch = 0 : i64, scratch_operands = 0 : i64, tpu.core_type = #tpu.core_type<tc>, window_params = [{transform_indices = @transform_0, window_bounds = array<i64: 2048, 128>}, {transform_indices = @transform_1, window_bounds = array<i64: 2048, 200>}, {pipeline_mode = #tpu.pipeline_mode<synchronous>, transform_indices = @transform_2, window_bounds = array<i64: 1, 128>}, {pipeline_mode = #tpu.pipeline_mode<synchronous>, transform_indices = @transform_3, window_bounds = array<i64: 128, 128>}, {pipeline_mode = #tpu.pipeline_mode<synchronous>, transform_indices = @transform_4, window_bounds = array<i64: 1, 128>}, {pipeline_mode = #tpu.pipeline_mode<synchronous>, transform_indices = @transform_5, window_bounds = array<i64: 128, 128>}, {pipeline_mode = #tpu.pipeline_mode<synchronous>, transform_indices = @transform_6, window_bounds = array<i64: 1, 128>}, {pipeline_mode = #tpu.pipeline_mode<synchronous>, transform_indices = @transform_7, window_bounds = array<i64: 128, 100>}, {pipeline_mode = #tpu.pipeline_mode<synchronous>, transform_indices = @transform_8, window_bounds = array<i64: 1, 100>}, {transform_indices = @transform_9, window_bounds = array<i64: 2048, 100>}]} {
    %get3A = arith.constant 0 : index
    %get3A_0 = arith.constant 0 : index
    %get3A_1 = vector.load %arg2[%get3A, %get3A_0] : memref<2048x200xi32, #tpu.memory_space<vmem>>, vector<2048x200xi32>
    %eq3A = arith.constant 0 : i32
    %eq3A_2 = vector.broadcast %eq3A : i32 to vector<2048x200xi32>
    %eq3A_3 = arith.cmpi eq, %get3A_1, %eq3A_2 : vector<2048x200xi32>
    %convert_element_type3A = arith.extui %eq3A_3 : vector<2048x200xi1> to vector<2048x200xi32>
    %convert_element_type3A_4 = arith.sitofp %convert_element_type3A : vector<2048x200xi32> to vector<2048x200xf32>
    %reduce_sum3A = arith.constant dense<0.000000e+00> : vector<2048xf32>
    %reduce_sum3A_5 = vector.multi_reduction <add>, %convert_element_type3A_4, %reduce_sum3A [1] : vector<2048x200xf32> to vector<2048xf32>
    %broadcast_in_dim3A = vector.shape_cast %reduce_sum3A_5 : vector<2048xf32> to vector<2048x1xf32>
    %get3A_6 = arith.constant 0 : index
    %get3A_7 = arith.constant 0 : index
    %get3A_8 = vector.load %arg1[%get3A_6, %get3A_7] : memref<2048x128xf32, #tpu.memory_space<vmem>>, vector<2048x128xf32>
    %get3A_9 = arith.constant 0 : index
    %get3A_10 = arith.constant 0 : index
    %get3A_11 = vector.load %arg3[%get3A_9, %get3A_10] : memref<1x128xf32, #tpu.memory_space<vmem>>, vector<1x128xf32>
    %mul3A = vector.broadcast %broadcast_in_dim3A : vector<2048x1xf32> to vector<2048x128xf32>
    %mul3A_12 = vector.broadcast %get3A_11 : vector<1x128xf32> to vector<2048x128xf32>
    %mul3A_13 = arith.mulf %mul3A, %mul3A_12 : vector<2048x128xf32>
    %sub3A = arith.subf %get3A_8, %mul3A_13 : vector<2048x128xf32>
    %mul3A_14 = arith.constant 5.000000e-03 : f32
    %mul3A_15 = vector.broadcast %mul3A_14 : f32 to vector<2048x128xf32>
    %mul3A_16 = arith.mulf %sub3A, %mul3A_15 : vector<2048x128xf32>
    %get3A_17 = arith.constant 0 : index
    %get3A_18 = arith.constant 0 : index
    %get3A_19 = vector.load %arg4[%get3A_17, %get3A_18] : memref<128x128xf32, #tpu.memory_space<vmem>>, vector<128x128xf32>
    %dot_general3A = arith.constant dense<0.000000e+00> : vector<2048x128xf32>
    %dot_general3A_20 = tpu.matmul %mul3A_16, %get3A_19, %dot_general3A {dimension_numbers = #tpu.dot_dimension_numbers<[1], [0], [0], [1], [0, 0, 1, 1], [], []>, transpose_lhs_hint = false} : vector<2048x128xf32>, vector<128x128xf32>, vector<2048x128xf32> -> vector<2048x128xf32>
    %get3A_21 = arith.constant 0 : index
    %get3A_22 = arith.constant 0 : index
    %get3A_23 = vector.load %arg5[%get3A_21, %get3A_22] : memref<1x128xf32, #tpu.memory_space<vmem>>, vector<1x128xf32>
    %add3A = vector.broadcast %get3A_23 : vector<1x128xf32> to vector<2048x128xf32>
    %add3A_24 = arith.addf %dot_general3A_20, %add3A : vector<2048x128xf32>
    %max3A = arith.constant 0.000000e+00 : f32
    %max3A_25 = vector.broadcast %max3A : f32 to vector<2048x128xf32>
    %max3A_26 = arith.maximumf %add3A_24, %max3A_25 : vector<2048x128xf32>
    %get3A_27 = arith.constant 0 : index
    %get3A_28 = arith.constant 0 : index
    %get3A_29 = vector.load %arg6[%get3A_27, %get3A_28] : memref<128x128xf32, #tpu.memory_space<vmem>>, vector<128x128xf32>
    %dot_general3A_30 = arith.constant dense<0.000000e+00> : vector<2048x128xf32>
    %dot_general3A_31 = tpu.matmul %max3A_26, %get3A_29, %dot_general3A_30 {dimension_numbers = #tpu.dot_dimension_numbers<[1], [0], [0], [1], [0, 0, 1, 1], [], []>, transpose_lhs_hint = false} : vector<2048x128xf32>, vector<128x128xf32>, vector<2048x128xf32> -> vector<2048x128xf32>
    %get3A_32 = arith.constant 0 : index
    %get3A_33 = arith.constant 0 : index
    %get3A_34 = vector.load %arg7[%get3A_32, %get3A_33] : memref<1x128xf32, #tpu.memory_space<vmem>>, vector<1x128xf32>
    %add3A_35 = vector.broadcast %get3A_34 : vector<1x128xf32> to vector<2048x128xf32>
    %add3A_36 = arith.addf %dot_general3A_31, %add3A_35 : vector<2048x128xf32>
    %max3A_37 = arith.constant 0.000000e+00 : f32
    %max3A_38 = vector.broadcast %max3A_37 : f32 to vector<2048x128xf32>
    %max3A_39 = arith.maximumf %add3A_36, %max3A_38 : vector<2048x128xf32>
    %get3A_40 = arith.constant 0 : index
    %get3A_41 = arith.constant 0 : index
    %get3A_42 = vector.load %arg8[%get3A_40, %get3A_41] : memref<128x100xf32, #tpu.memory_space<vmem>>, vector<128x100xf32>
    %dot_general3A_43 = arith.constant dense<0.000000e+00> : vector<2048x100xf32>
    %dot_general3A_44 = tpu.matmul %max3A_39, %get3A_42, %dot_general3A_43 {dimension_numbers = #tpu.dot_dimension_numbers<[1], [0], [0], [1], [0, 0, 1, 1], [], []>, transpose_lhs_hint = false} : vector<2048x128xf32>, vector<128x100xf32>, vector<2048x100xf32> -> vector<2048x100xf32>
    %get3A_45 = arith.constant 0 : index
    %get3A_46 = arith.constant 0 : index
    %get3A_47 = vector.load %arg9[%get3A_45, %get3A_46] : memref<1x100xf32, #tpu.memory_space<vmem>>, vector<1x100xf32>
    %add3A_48 = vector.broadcast %get3A_47 : vector<1x100xf32> to vector<2048x100xf32>
    %add3A_49 = arith.addf %dot_general3A_44, %add3A_48 : vector<2048x100xf32>
    %swap3A = arith.constant 0 : index
    %swap3A_50 = arith.constant 0 : index
    %swap3A_51 = vector.load %arg10[%swap3A, %swap3A_50] : memref<2048x100xf32, #tpu.memory_space<vmem>>, vector<2048x100xf32>
    tpu.vector_store %arg10[%swap3A, %swap3A_50], %add3A_49 {strides = array<i32>} : memref<2048x100xf32, #tpu.memory_space<vmem>>, vector<2048x100xf32>,
    return
  }
  func.func @transform_0(%arg0: i32) -> (i32, i32) {
    %c0_i32 = arith.constant 0 : i32
    %c0_i32_0 = arith.constant 0 : i32
    return %arg0, %c0_i32 : i32, i32
  }
  func.func @transform_1(%arg0: i32) -> (i32, i32) {
    %c0_i32 = arith.constant 0 : i32
    %c0_i32_0 = arith.constant 0 : i32
    return %arg0, %c0_i32 : i32, i32
  }
  func.func @transform_2(%arg0: i32) -> (i32, i32) {
    %c0_i32 = arith.constant 0 : i32
    %c0_i32_0 = arith.constant 0 : i32
    %c0_i32_1 = arith.constant 0 : i32
    return %c0_i32, %c0_i32_0 : i32, i32
  }
  func.func @transform_3(%arg0: i32) -> (i32, i32) {
    %c0_i32 = arith.constant 0 : i32
    %c0_i32_0 = arith.constant 0 : i32
    %c0_i32_1 = arith.constant 0 : i32
    return %c0_i32, %c0_i32_0 : i32, i32
  }
  func.func @transform_4(%arg0: i32) -> (i32, i32) {
    %c0_i32 = arith.constant 0 : i32
    %c0_i32_0 = arith.constant 0 : i32
    %c0_i32_1 = arith.constant 0 : i32
    return %c0_i32, %c0_i32_0 : i32, i32
  }
  func.func @transform_5(%arg0: i32) -> (i32, i32) {
    %c0_i32 = arith.constant 0 : i32
    %c0_i32_0 = arith.constant 0 : i32
    %c0_i32_1 = arith.constant 0 : i32
    return %c0_i32, %c0_i32_0 : i32, i32
  }
  func.func @transform_6(%arg0: i32) -> (i32, i32) {
    %c0_i32 = arith.constant 0 : i32
    %c0_i32_0 = arith.constant 0 : i32
    %c0_i32_1 = arith.constant 0 : i32
    return %c0_i32, %c0_i32_0 : i32, i32
  }
  func.func @transform_7(%arg0: i32) -> (i32, i32) {
    %c0_i32 = arith.constant 0 : i32
    %c0_i32_0 = arith.constant 0 : i32
    %c0_i32_1 = arith.constant 0 : i32
    return %c0_i32, %c0_i32_0 : i32, i32
  }
  func.func @transform_8(%arg0: i32) -> (i32, i32) {
    %c0_i32 = arith.constant 0 : i32
    %c0_i32_0 = arith.constant 0 : i32
    %c0_i32_1 = arith.constant 0 : i32
    return %c0_i32, %c0_i32_0 : i32, i32
  }
  func.func @transform_9(%arg0: i32) -> (i32, i32) {
    %c0_i32 = arith.constant 0 : i32
    %c0_i32_0 = arith.constant 0 : i32
    return %arg0, %c0_i32 : i32, i32
  }
}

</mosaic_0001>

<sc_bundles>
// kernel: kernel.5.cloned.1.call-start
scs
__scs_entry_jumppad:
0x0: {  	(pc) =	sbr.rel $0x88, $3  }
0x1: {  	(tag) =	ssettag $0x0;
	lr =	simm.s32 $0x1  }
0x2: {  	[smem:$0x3F99] =	sst lr;
	_ =	strace $0xD0000000  }
0x3: {  	_ = 	snop  }
0x4: {  	_ = 	snop  }
0x5: {  	_ = 	snop  }
0x6: {  	_ = 	snop  }
0x7: {  	_ = 	snop  }
__scs_overlays_trampoline_lowered:
0x8: {  	[smem:$0x3FA8] =	sst s0  }
0x9: {  	[smem:$0x3FA9] =	sst s1  }
0xa: {  	[smem:$0x3FAA] =	sst s2  }
0xb: {  	[smem:$0x3FAB] =	sst s3  }
0xc: {  	[smem:$0x3FAC] =	sst s4  }
0xd: {  	[smem:$0x3FAD] =	sst s5  }
0xe: {  	[smem:$0x3FAE] =	sst s6  }
0xf: {  	[smem:$0x3FAF] =	sst s7  }
0x10: {  	[smem:$0x3FB0] =	sst s8  }
0x11: {  	[smem:$0x3FB1] =	sst s9;
	s0 =	simm.s32 @!p0 $0x0  }
0x12: {  	s1 =	sld [smem:$0x3F97];
	s0 =	simm.s32 @p0 $0x1  }
0x13: {  	[smem:$0x3FB2] =	sst s0;
	s0 =	simm.s32 @!p1 $0x0  }
0x14: {  	s2 =	sld [smem:$0x3F96];
	s0 =	simm.s32 @p1 $0x1  }
0x15: {  	[smem:$0x3FB3] =	sst s0;
	s0 =	simm.s32 @!p2 $0x0  }
0x16: {  	s3 =	sld [smem:$0x3FDB];
	s0 =	simm.s32 @p2 $0x1  }
0x17: {  	s4 =	simm.s32 $0x1BF5;
	[smem:$0x3FB5] =	sst s0  }
0x18: {  	s0 =	sld [smem:$0x3F98];
	_ =	swait.ge [sflag:s4], $0x0  }
0x19: {  	s7 =	sld [smem:$0x3F99]  }
0x1a: {  	s8 =	sadd.s32 $0xFFFFE003, lr  }
0x1b: {  	s9 =	sadd.s32 $0xFFFFFEF7, lr;
	s5 =	simm.s32 $0xFFFFFFFF;
	p2 =	slt.u32 s8, $0xFFFFF086  }
0x1c: {  	p1 =	slt.u32 s9, $0xF7A;
	s5 =	simm.s32 @!p2 $0x0  }
0x1d: {  	s5 =	simm.s32 @p1 $0x1;
	p0 =	seq.s32 s7, s2  }
0x1e: {  	s7 =	smul.u32 @!p0 $0xF7A, s2;
	p2 =	seq.s32 @!p0 s5, $0x0  }
0x1f: {  	s9 =	smul.u32 $0xF7A, s1;
	s8 =	simm.s32 @!p0 $0x1BF5;
	p2 =	por !p2, p0  }
0x20: {  	[sflag:s8] =	ssyncset.s32 @!p0 $0xFFFFF086;
	s6 =	sadd.s32 @!p0 s3, s7;
	s7 =	simm.s32 @!p0 $0x108  }
0x21: {  	s3 =	sadd.s32 s3, s9;
	s6 =	sadd.s32 @!p0 $0x88, s6;
	s7 =	simm.s32 @p2 $0x1082  }
0x22: {  	[simem:s7], [sflag:s8] =	dma.local @!p0 [hbm:s6], $0xF7A  }
0x23: {  	s9 =	sor.u32 $0xD0000000, s2;
	s6 =	simm.s32 $0x108;
	_ =	swait.ge @!p0 [sflag:s8], $0x0  }
0x24: {  	s3 =	sadd.s32 $0x88, s3;
	s6 =	simm.s32 @!p1 $0x1082;
	[sflag:s4] =	ssyncset.s32 $0xFFFFF086  }
0x25: {  	[simem:s6], [sflag:s4] =	dma.local [hbm:s3], $0xF7A  }
0x26: {  	[smem:$0x3F99] =	sst s1;
	(tag) =	ssettag s2;
	_ =	strace s9  }
0x27: {  	s1 =	sld [smem:$0x3FA9]  }
0x28: {  	s2 =	sld [smem:$0x3FAA]  }
0x29: {  	s4 =	sld [smem:$0x3FAC]  }
0x2a: {  	p0 =	seq.s32 s5, $0x0;
	s5 =	sld [smem:$0x3FAD]  }
0x2b: {  	s6 =	sld [smem:$0x3FAE]  }
0x2c: {  	s7 =	sld [smem:$0x3FAF]  }
0x2d: {  	s3 =	simm.s32 $0x108;
	s8 =	sld [smem:$0x3FB0]  }
0x2e: {  	s3 =	simm.s32 @!p0 $0x1082;
	s9 =	sld [smem:$0x3FB1]  }
0x2f: {  	lr =	sadd.s32 s0, s3;
	s0 =	sld [smem:$0x3FA8]  }
0x30: {  	s3 =	sld [smem:$0x3FAB]  }
0x31: {  	[smem:$0x3FB4] =	sst s10  }
0x32: {  	s10 =	sld [smem:$0x3FB2];
	_ =	sdelay $0x3  }
0x33: {  	p0 =	seq.s32 s10, $0x1;
	s10 =	sld [smem:$0x3FB4];
	_ =	sdelay $0x3  }
0x34: {  	[smem:$0x3FB4] =	sst s10  }
0x35: {  	s10 =	sld [smem:$0x3FB3];
	_ =	sdelay $0x3  }
0x36: {  	p1 =	seq.s32 s10, $0x1;
	s10 =	sld [smem:$0x3FB4];
	_ =	sdelay $0x3  }
0x37: {  	[smem:$0x3FB4] =	sst s10  }
0x38: {  	s10 =	sld [smem:$0x3FB5]  }
0x39: {  	_ = 	snop;
	(pc) =	sbr.ind lr, $3  }
0x3a: {  	_ = 	snop  }
0x3b: {  	_ = 	snop  }
0x3c: {  	p2 =	seq.s32 s10, $0x1;
	s10 =	sld [smem:$0x3FB4]  }
0x3d: {  	_ =	shalt  }
0x3e: {  	_ =	shalt  }
0x3f: {  	_ =	shalt  }
0x40: {  	_ =	shalt  }
0x41: {  	_ =	shalt  }
0x42: {  	_ =	shalt  }
0x43: {  	_ =	shalt  }
0x44: {  	_ =	shalt  }
0x45: {  	_ =	shalt  }
0x46: {  	_ =	shalt  }
0x47: {  	_ =	shalt  }
0x48: {  	_ =	shalt  }
0x49: {  	_ =	shalt  }
0x4a: {  	_ =	shalt  }
0x4b: {  	_ =	shalt  }
0x4c: {  	_ =	shalt  }
0x4d: {  	_ =	shalt  }
0x4e: {  	_ =	shalt  }
0x4f: {  	_ =	shalt  }
0x50: {  	_ =	shalt  }
0x51: {  	_ =	shalt  }
0x52: {  	_ =	shalt  }
0x53: {  	_ =	shalt  }
0x54: {  	_ =	shalt  }
0x55: {  	_ =	shalt  }
0x56: {  	_ =	shalt  }
0x57: {  	_ =	shalt  }
0x58: {  	_ =	shalt  }
0x59: {  	_ =	shalt  }
0x5a: {  	_ =	shalt  }
0x5b: {  	_ =	shalt  }
0x5c: {  	_ =	shalt  }
0x5d: {  	_ =	shalt  }
0x5e: {  	_ =	shalt  }
0x5f: {  	_ =	shalt  }
0x60: {  	_ =	shalt  }
0x61: {  	_ =	shalt  }
0x62: {  	_ =	shalt  }
0x63: {  	_ =	shalt  }
0x64: {  	_ =	shalt  }
0x65: {  	_ =	shalt  }
0x66: {  	_ =	shalt  }
0x67: {  	_ =	shalt  }
0x68: {  	_ =	shalt  }
0x69: {  	_ =	shalt  }
0x6a: {  	_ =	shalt  }
0x6b: {  	_ =	shalt  }
0x6c: {  	_ =	shalt  }
0x6d: {  	_ =	shalt  }
0x6e: {  	_ =	shalt  }
0x6f: {  	_ =	shalt  }
0x70: {  	_ =	shalt  }
0x71: {  	_ =	shalt  }
0x72: {  	_ =	shalt  }
0x73: {  	_ =	shalt  }
0x74: {  	_ =	shalt  }
0x75: {  	_ =	shalt  }
0x76: {  	_ =	shalt  }
0x77: {  	_ =	shalt  }
0x78: {  	_ =	shalt  }
0x79: {  	_ =	shalt  }
0x7a: {  	_ =	shalt  }
0x7b: {  	_ =	shalt  }
0x7c: {  	_ =	shalt  }
0x7d: {  	_ =	shalt  }
0x7e: {  	_ =	shalt  }
0x7f: {  	_ =	shalt  }
0x80: {  	_ =	shalt  }
0x81: {  	_ =	shalt  }
0x82: {  	_ =	shalt  }
0x83: {  	_ =	shalt  }
0x84: {  	_ =	shalt  }
0x85: {  	_ =	shalt  }
0x86: {  	_ =	shalt  }
0x87: {  	_ =	shalt  }
.Lfunc_end0:
.L_simem_size_0:
called_computation_lowered:
.L_overlay_start_0:
0x88: {  	s2 =	sld [smem:$0x3FD9]  }
0x89: {  	s3 =	sld [smem:$0x3FFE];
	_ =	sdelay $0x1  }
0x8a: {  	s1 =	srdreg.scid  }
0x8b: {  	s0 =	sand.u32 $0x1, s1  }
0x8c: {  	s16 =	sshll.u32 s0, $0xA;
	s2 =	sadd.s32 s3, s2  }
0x8d: {  	s2 =	sadd.s32 s2, s16  }
0x8e: {  	[smem:$0x3FC0] =	sst s2  }
0x8f: {  	_ = 	snop  }
0x90: {  	(tm) =	ssettm $0x1  }
0x91: {  	s17 =	sld [smem:$0x3FFB];
	_ =	sdelay $0x3  }
0x92: {  	_ =	strace s17  }
0x93: {  	s2 =	sld [smem:$0x3FFC];
	_ =	sdelay $0x3  }
0x94: {  	_ =	strace s2  }
0x95: {  	s2 =	sld [smem:$0x3FFD];
	_ =	sdelay $0x3  }
0x96: {  	_ =	strace s2  }
0x97: {  	_ =	strace $0x8FFFFFFF  }
0x98: {  	s18 =	sld [smem:$0x3FDB];
	_ =	sdelay $0x1  }
0x99: {  	s19 =	simm.s32 $_scs_section_size  }
0x9a: {  	s4 =	simm.s32 $_size__tile_overlayer_lowered;
	s5 =	simm.s32 $_tile_overlayer_lowered  }
0x9b: {  	s22 =	simm.s32 $0x1BFF;
	s21 =	sshll.u32 s5, $0x1;
	s2 =	sadd.s32 s19, s18  }
0x9c: {  	s6 =	simm.s32 $0x0;
	s20 =	sshll.u32 s4, $0x1;
	s4 =	sadd.s32 s21, s2  }
0x9d: {  	[timem:s6], [sflag:s22] =	dma.local [hbm:s4], s20  }
0x9e: {  	_ =	swait.ge [sflag:s22], s20  }
0x9f: {  	s3 =	ssub.s32 $0x0, s20;
	[sflag:s22] =	ssyncset.done $0x0  }
0xa0: {  	[sflag:s22] =	ssyncadd.s32 s3;
	_ =	sdelay $0x1  }
0xa1: {  	s23 =	simm.s32 $0x1B8B  }
0xa2: {  	_ =	swait.ge [sflag:s23], $0x1  }
0xa3: {  	[sflag:s23] =	ssyncset.done $0x0  }
0xa4: {  	s25 =	simm.s32 $0x1B8E;
	s24 =	sld [smem:$0x3FFE];
	[sflag:s23] =	ssyncadd.s32 $0xFFFFFFFF  }
0xa5: {  	s26 =	simm.s32 $execute0_lowered;
	[smem:$0x3FD2] =	sst s25  }
0xa6: {  	s4 =	sshll.u32 s26, $0x1;
	_ =	strace $0x80000046;
	[dreg:$0x1] =	wrdreg $0xFFFFFFFF  }
0xa7: {  	s28 =	simm.s32 $_size_execute0_lowered;
	s2 =	sadd.s32 s2, s4;
	[dreg:$0x0] =	wrdreg $0x0  }
0xa8: {  	s4 =	sshll.u32 s28, $0x1;
	[dreg:$0x2] =	wrdreg s2  }
0xa9: {  	[dreg:$0x3] =	wrdreg s4  }
0xaa: {  	[dreg:$0x4] =	wrdreg $0xC0  }
0xab: {  	_ =	task [dreg:s6], $0x5FFFF  }
0xac: {  	[dreg:$0x1] =	wrdreg $0xFFFFFFFF  }
0xad: {  	[dreg:$0x0] =	wrdreg $0x60  }
0xae: {  	[dreg:$0x2] =	wrdreg s24  }
0xaf: {  	[dreg:$0x3] =	wrdreg $0x9  }
0xb0: {  	_ =	task.clear_ibuf [dreg:s6], $0x4FFFF;
	_ =	strace $0x90000046  }
0xb1: {  	s29 =	simm.s32 $0x9;
	_ =	strace $0x80000048  }
0xb2: {  	_ =	swait.ge [sflag:s29], $0x1  }
0xb3: {  	[sflag:s29] =	ssyncadd.s32 $0xFFFFFFFF  }
0xb4: {  	_ =	strace $0x90000048  }
0xb5: {  	_ =	sfence  }
0xb6: {  	s30 =	sld [smem:$0x0];
	_ =	sdelay $0x2  }
0xb7: {  	s31 =	sshll.u32 s1, $0xD;
	s1 =	sshrl.u32 s1, $0x2  }
0xb8: {  	s3 =	sand.u32 $0x4000, s31;
	s1 =	sadd.s32 s1, s30  }
0xb9: {  	s0 =	sor.u32 s3, s0;
	s1 =	sshll.u32 s1, $0x11  }
0xba: {  	s0 =	sor.u32 s1, s0  }
0xbb: {  	s0 =	sadd.s32 $0x8F2B, s0  }
0xbc: {  	[sflag:s0] =	ssyncadd.remote.s32 $0x1  }
0xbd: {  	_ =	sfence.sel $0xFFFF  }
0xbe: {  	[dreg:$0x0] =	wrdreg $0xFFFFFFFF;
	(pc) =	sbr.abs _section_cstart, $3  }
0xbf: {  	[dreg:$0x1] =	wrdreg $0xFFFFFFFF  }
0xc0: {  	_ =	task.clear_ibuf [dreg:s6], $0x2FFFF;
	_ =	strace $0x9FFFFFFF  }
0xc1: {  	(tm) =	ssettm $0x7FFFFFFF  }
tec
execute0_lowered:
.L_overlay_start_1:
0x0: {  	(tag) =	ssettag $0x1  }
0x1: {  	s4 =	rddreg [dreg:$0x0]  }
0x2: {  	s0 =	rddreg [dreg:$0x1];
	s3 =	srdreg.scid  }
0x3: {  	s1 =	stileid.u32;
	s2 =	simm.s32 $0x0;
	s9 =	simm.s32 $0x6800  }
0x4: {  	s10 =	simm.s32 $0xD000;
	s11 =	simm.s32 $0x6868;
	s12 =	simm.s32 $0xE900  }
0x5: {  	s13 =	simm.s32 $0x10200;
	s14 =	simm.s32 $0x11B00;
	s15 =	simm.s32 $0x1  }
0x6: {  	s16 =	simm.s32 $0x2;
	s17 =	simm.s32 $0x13400;
	s18 =	simm.s32 $0x0  }
0x7: {  	s3 =	sand.u32 $0x1, s3;
	s5 =	sshll.u32 s1, $0x1;
	[smem:$0x7FF] =	sst s2  }
0x8: {  	s5 =	sor.u32 s3, s5;
	_ =	strace $0x80000047;
	s7 =	ssub.s32 $0x2, s3  }
0x9: {  	s6 =	smul.u32 $0xD00, s5;
	s5 =	sshll.u32 s5, $0xB;
	s8 =	sshrl.u32 s7, $0x1  }
0xa: {  	s3 =	sadd.s32 $0x1600, s4;
	s5 =	sadd.s32 s5, s4;
	s7 =	ssub.s32 s7, s8  }
0xb: {  	s8 =	simm.s32 $0x64;
	s6 =	sadd.s32 s6, s4;
	s5 =	sadd.s32 $0xDEC00, s5  }
0xc: {  	s4 =	sadd.s32 $0xC4C00, s6;
	s6 =	smax.u32 s7, $0x1;
	s7 =	simm.s32 $0x3  }
.LBB2_1:
0xd: {  	[tilespmem:s2], [sflag:$0x3] =	stream.linear.gather [hbm4b:s4+s2], $0x6800, $0x38;
	[tilespmem:$0x17400] =	vst v63  }
0xe: {  	_ =	swait.ge [sflag:s7], $0x6800  }
0xf: {  	[sflag:s7] =	ssyncset.done $0x0  }
0x10: {  	[sflag:s7] =	ssyncadd.s32 $0xFFFF9800  }
0x11: {  	v0 =	vld [tilespmem:$0x0]  }
0x12: {  	v1 =	vld [tilespmem:$0x10]  }
0x13: {  	v2 =	vld [tilespmem:$0x20]  }
0x14: {  	v3 =	vld [tilespmem:$0x30]  }
0x15: {  	v4 =	vld [tilespmem:$0x40]  }
0x16: {  	v6 =	vld [tilespmem:$0x50]  }
0x17: {  	v39 =	vld [tilespmem:$0x54]  }
0x18: {  	v9 =	vld [tilespmem:$0x68]  }
0x19: {  	v10 =	vld [tilespmem:$0x78]  }
0x1a: {  	v12 =	vld [tilespmem:$0x88]  }
0x1b: {  	v45 =	vld [tilespmem:$0x98];
	v5 =	vshll.u32 v0, $0x1;
	vm0 =	vlt.s32 v0, $0xC350;
	v36 =	vshll.u32 v1, $0x1  }
0x1c: {  	v48 =	vld [tilespmem:$0xA8];
	vm1 =	vlt.s32 v1, $0xC350;
	v38 =	vshll.u32 v2, $0x1;
	vm15 =	vlt.s32 v2, $0xC350  }
0x1d: {  	v51 =	vld [tilespmem:$0xB8];
	v8 =	vshll.u32 v3, $0x1;
	vm4 =	vlt.s32 v3, $0xC350;
	v42 =	vshll.u32 v4, $0x1  }
0x1e: {  	v14 =	vld [tilespmem:$0xBC];
	vm5 =	vlt.s32 v4, $0xC350;
	v43 =	vshll.u32 v6, $0x1;
	vm2 =	vlt.s32 v6, $0xC350  }
0x1f: {  	v58 =	vld [tilespmem:$0xD0];
	v46 =	vshll.u32 v39, $0x1;
	vm6 =	vlt.s32 v39, $0xC350;
	v47 =	vshll.u32 v9, $0x1  }
0x20: {  	vm7 =	vlt.s32 v9, $0xC350;
	v50 =	vshll.u32 v10, $0x1;
	vm8 =	vlt.s32 v10, $0xC350  }
0x21: {  	v61 =	vld [tilespmem:$0xE0];
	v53 =	vshll.u32 v12, $0x1;
	vm9 =	vlt.s32 v12, $0xC350;
	v56 =	vshll.u32 v45, $0x1  }
0x22: {  	v15 =	vld [tilespmem:$0xF0];
	vm10 =	vlt.s32 v45, $0xC350;
	v57 =	vshll.u32 v48, $0x1;
	vm11 =	vlt.s32 v48, $0xC350  }
0x23: {  	v18 =	vld [tilespmem:$0x100];
	v16 =	vshll.u32 v51, $0x1;
	vm12 =	vlt.s32 v51, $0xC350;
	v17 =	vshll.u32 v14, $0x1  }
0x24: {  	v22 =	vld [tilespmem:$0x110];
	vm13 =	vlt.s32 v14, $0xC350;
	v21 =	vshll.u32 v58, $0x1;
	v7 =	vadd.s32 $0xFFFE7961, v5  }
0x25: {  	vm14 =	vlt.s32 v58, $0xC350;
	v37 =	vadd.s32 $0xFFFE7961, v36;
	v5 =	vsel vm0, v5, v7  }
0x26: {  	v24 =	vshll.u32 v61, $0x1;
	v40 =	vadd.s32 $0xFFFE7961, v38;
	v0 =	vsel vm1, v36, v37;
	[tilespmem:$0x6800] =	vst v5  }
0x27: {  	v27 =	vshll.u32 v15, $0x1;
	v41 =	vadd.s32 $0xFFFE7961, v8;
	v1 =	vsel vm15, v38, v40;
	[tilespmem:$0x6810] =	vst v0  }
0x28: {  	v28 =	vshll.u32 v18, $0x1;
	v11 =	vadd.s32 $0xFFFE7961, v42;
	v2 =	vsel vm4, v8, v41;
	[tilespmem:$0x6820] =	vst v1  }
0x29: {  	v35 =	vshll.u32 v22, $0x1;
	v44 =	vadd.s32 $0xFFFE7961, v43;
	v3 =	vsel vm5, v42, v11;
	[tilespmem:$0x6830] =	vst v2  }
0x2a: {  	v13 =	vadd.s32 $0xFFFE7961, v46;
	v49 =	vadd.s32 $0xFFFE7961, v47;
	v4 =	vsel vm2, v43, v44;
	[tilespmem:$0x6840] =	vst v3  }
0x2b: {  	v52 =	vadd.s32 $0xFFFE7961, v50;
	v55 =	vadd.s32 $0xFFFE7961, v53;
	v7 =	vsel vm7, v47, v49;
	[tilespmem:$0x6850] =	vst v4  }
0x2c: {  	v59 =	vadd.s32 $0xFFFE7961, v56;
	v60 =	vadd.s32 $0xFFFE7961, v57;
	v54 =	vsel vm8, v50, v52;
	[tilespmem:$0x6868] =	vst v7  }
0x2d: {  	v25 =	vld [tilespmem:$0x120];
	v19 =	vadd.s32 $0xFFFE7961, v16;
	v20 =	vadd.s32 $0xFFFE7961, v17;
	v62 =	vsel vm9, v53, v55;
	[tilespmem:$0x6878] =	vst v54  }
0x2e: {  	v29 =	vld [tilespmem:$0x124];
	v23 =	vadd.s32 $0xFFFE7961, v21;
	v26 =	vadd.s32 $0xFFFE7961, v24;
	v63 =	vsel vm11, v57, v60;
	[tilespmem:$0x6888] =	vst v62  }
0x2f: {  	v32 =	vld [tilespmem:$0x138];
	v30 =	vadd.s32 $0xFFFE7961, v27;
	v31 =	vadd.s32 $0xFFFE7961, v28;
	v8 =	vsel vm6, v46, v13;
	[tilespmem:$0x68A8] =	vst v63  }
0x30: {  	v34 =	vld [tilespmem:$0x148];
	v6 =	vsel vm13, v17, v20;
	vm15 =	vlt.s32 v61, $0xC350;
	v1 =	vsel vm10, v56, v59;
	[tilespmem:$0x6854] =	vst v8  }
0x31: {  	vm4 =	vlt.s32 v15, $0xC350;
	vm5 =	vlt.s32 v18, $0xC350;
	v4 =	vsel vm12, v16, v19;
	[tilespmem:$0x6898] =	vst v1  }
0x32: {  	vm6 =	vlt.s32 v22, $0xC350;
	v36 =	vshll.u32 v25, $0x1;
	v0 =	vsel vm14, v21, v23;
	[tilespmem:$0x68B8] =	vst v4  }
0x33: {  	v38 =	vadd.s32 $0xFFFE7961, v35;
	vm7 =	vlt.s32 v25, $0xC350;
	v3 =	vsel vm15, v24, v26;
	[tilespmem:$0x68D0] =	vst v0  }
0x34: {  	v45 =	vld [tilespmem:$0x178];
	v41 =	vshll.u32 v29, $0x1;
	vm8 =	vlt.s32 v29, $0xC350;
	v33 =	vsel vm5, v28, v31;
	[tilespmem:$0x68E0] =	vst v3  }
0x35: {  	v37 =	vld [tilespmem:$0x158];
	v44 =	vshll.u32 v32, $0x1;
	vm9 =	vlt.s32 v32, $0xC350;
	v47 =	vshll.u32 v34, $0x1;
	[tilespmem:$0x6900] =	vst v33  }
0x36: {  	v42 =	vld [tilespmem:$0x168];
	v39 =	vadd.s32 $0xFFFE7961, v36;
	v43 =	vadd.s32 $0xFFFE7961, v41;
	v1 =	vsel vm4, v27, v30;
	[tilespmem:$0x68BC] =	vst v6  }
0x37: {  	v49 =	vld [tilespmem:$0x188];
	v46 =	vadd.s32 $0xFFFE7961, v44;
	vm10 =	vlt.s32 v34, $0xC350;
	v0 =	vsel vm6, v35, v38;
	[tilespmem:$0x68F0] =	vst v1  }
0x38: {  	v50 =	vadd.s32 $0xFFFE7961, v47;
	v40 =	vsel vm7, v36, v39;
	v2 =	vsel vm9, v44, v46;
	[tilespmem:$0x6910] =	vst v0  }
0x39: {  	v52 =	vld [tilespmem:$0x18C];
	v1 =	vsel vm8, v41, v43;
	[tilespmem:$0x6920] =	vst v40;
	v0 =	vsel vm10, v47, v50;
	v55 =	vshll.u32 v45, $0x1  }
0x3a: {  	[tilespmem:$0x6938] =	vst v2;
	vm13 =	vlt.s32 v45, $0xC350;
	v57 =	vadd.s32 $0xFFFE7961, v55;
	v48 =	vshll.u32 v37, $0x1  }
0x3b: {  	[tilespmem:$0x6924] =	vst v1;
	vm11 =	vlt.s32 v37, $0xC350;
	v54 =	vshll.u32 v42, $0x1;
	vm12 =	vlt.s32 v42, $0xC350  }
0x3c: {  	[tilespmem:$0x6948] =	vst v0;
	v58 =	vsel vm13, v55, v57;
	v59 =	vshll.u32 v49, $0x1;
	v51 =	vadd.s32 $0xFFFE7961, v48  }
0x3d: {  	vm14 =	vlt.s32 v49, $0xC350;
	v56 =	vadd.s32 $0xFFFE7961, v54;
	[tilespmem:$0x6978] =	vst v58;
	v53 =	vsel vm11, v48, v51  }
0x3e: {  	v61 =	vshll.u32 v52, $0x1;
	v60 =	vadd.s32 $0xFFFE7961, v59;
	v0 =	vsel vm12, v54, v56;
	[tilespmem:$0x6958] =	vst v53  }
0x3f: {  	vm15 =	vlt.s32 v52, $0xC350;
	v62 =	vadd.s32 $0xFFFE7961, v61;
	[tilespmem:$0x6968] =	vst v0;
	v0 =	vsel vm14, v59, v60  }
0x40: {  	v63 =	vsel vm15, v61, v62;
	[tilespmem:$0x6988] =	vst v0  }
0x41: {  	[tilespmem:$0x698C] =	vst v63  }
0x42: {  	[tilespmem:s10], [sflag:$0x1] =	stream.indirect.gather [hbm4b:s3+s8], $0x40, s9, s8, $0xb8;
	[tilespmem:$0x17400] =	vst v63  }
0x43: {  	s19 =	simm.s32 $0x0  }
0x44: {  	[tilespmem:s12], [sflag:$0x1] =	stream.indirect.gather [hbm4b:s3+s8], $0x40, s11, s8, $0xb8;
	[tilespmem:$0x17400] =	vst v63  }
.LBB2_2:
0x45: {  	p0 =	seq.s32 s19, $0x3F  }
.Ltmp0:
0x46: {  	_ = 	snop;
	(pc) =	sbr.rel @p0 .LBB2_4-.Ltmp0, $3  }
0x47: {  	_ =	sdelay $0x1  }
0x48: {  	s21 =	sshll.u32 s19, $0x1  }
0x49: {  	s20 =	sadd.s32 $0x2, s21  }
0x4a: {  	s22 =	smul.u32 $0xD0, s20;
	_ =	sdelay $0x1  }
0x4b: {  	v0 =	vld [tilespmem:s22+$0x0]  }
0x4c: {  	v37 =	vld [tilespmem:s22+$0x20]  }
0x4d: {  	v2 =	vld [tilespmem:s22+$0x30]  }
0x4e: {  	v3 =	vld [tilespmem:s22+$0x40]  }
0x4f: {  	v5 =	vld [tilespmem:s22+$0x50]  }
0x50: {  	v7 =	vld [tilespmem:s22+$0x54]  }
0x51: {  	v9 =	vld [tilespmem:s22+$0x68]  }
0x52: {  	v42 =	vld [tilespmem:s22+$0x78];
	v1 =	vshll.u32 v0, $0x1  }
0x53: {  	vm0 =	vlt.s32 v0, $0xC350;
	v6 =	vshll.u32 v37, $0x1;
	vm1 =	vlt.s32 v37, $0xC350  }
0x54: {  	v45 =	vld [tilespmem:s22+$0x88];
	v39 =	vshll.u32 v2, $0x1;
	vm2 =	vlt.s32 v2, $0xC350;
	v43 =	vshll.u32 v3, $0x1  }
0x55: {  	vm4 =	vlt.s32 v3, $0xC350;
	v44 =	vshll.u32 v5, $0x1;
	vm5 =	vlt.s32 v5, $0xC350  }
0x56: {  	v49 =	vld [tilespmem:s22+$0x98];
	v48 =	vshll.u32 v7, $0x1;
	vm6 =	vlt.s32 v7, $0xC350;
	v51 =	vshll.u32 v9, $0x1  }
0x57: {  	vm7 =	vlt.s32 v9, $0xC350;
	v55 =	vshll.u32 v42, $0x1;
	v36 =	vadd.s32 $0xFFFE7961, v1  }
0x58: {  	v52 =	vld [tilespmem:s22+$0xA8];
	vm8 =	vlt.s32 v42, $0xC350;
	v8 =	vadd.s32 $0xFFFE7961, v6;
	v0 =	vsel vm0, v1, v36  }
0x59: {  	s23 =	sor.u32 $0x10, s22;
	v56 =	vshll.u32 v45, $0x1;
	v40 =	vadd.s32 $0xFFFE7961, v39;
	v41 =	vsel vm1, v6, v8;
	[tilespmem:s22+$0x6800] =	vst v0  }
0x5a: {  	vm9 =	vlt.s32 v45, $0xC350;
	v10 =	vadd.s32 $0xFFFE7961, v43;
	v1 =	vsel vm2, v39, v40;
	v0 =	vld [tilespmem:s23+$0x0];
	[tilespmem:s22+$0x6820] =	vst v41  }
0x5b: {  	v62 =	vshll.u32 v49, $0x1;
	v46 =	vadd.s32 $0xFFFE7961, v44;
	v47 =	vsel vm4, v43, v10;
	[tilespmem:s22+$0x6830] =	vst v1  }
0x5c: {  	v57 =	vld [tilespmem:s22+$0xB8];
	vm10 =	vlt.s32 v49, $0xC350;
	v54 =	vadd.s32 $0xFFFE7961, v51;
	v3 =	vsel vm5, v44, v46;
	[tilespmem:s22+$0x6840] =	vst v47  }
0x5d: {  	v63 =	vshll.u32 v52, $0x1;
	v59 =	vadd.s32 $0xFFFE7961, v56;
	v61 =	vsel vm7, v51, v54;
	[tilespmem:s22+$0x6850] =	vst v3  }
0x5e: {  	v60 =	vld [tilespmem:s22+$0xBC];
	vm11 =	vlt.s32 v52, $0xC350;
	v11 =	vadd.s32 $0xFFFE7961, v63;
	v2 =	vsel vm9, v56, v59;
	[tilespmem:s22+$0x6868] =	vst v61  }
0x5f: {  	v50 =	vadd.s32 $0xFFFE7961, v48;
	v12 =	vsel vm11, v63, v11;
	[tilespmem:s22+$0x6888] =	vst v2;
	v4 =	vshll.u32 v0, $0x1  }
0x60: {  	v53 =	vsel vm6, v48, v50;
	[tilespmem:s22+$0x68A8] =	vst v12;
	vm15 =	vlt.s32 v0, $0xC350;
	v38 =	vadd.s32 $0xFFFE7961, v4  }
0x61: {  	v13 =	vshll.u32 v57, $0x1;
	v58 =	vadd.s32 $0xFFFE7961, v55;
	[tilespmem:s22+$0x6854] =	vst v53;
	v0 =	vsel vm15, v4, v38  }
0x62: {  	vm12 =	vlt.s32 v57, $0xC350;
	v8 =	vadd.s32 $0xFFFE7961, v62;
	[tilespmem:s22+$0x6810] =	vst v0;
	v0 =	vsel vm8, v55, v58  }
0x63: {  	v15 =	vshll.u32 v60, $0x1;
	v14 =	vadd.s32 $0xFFFE7961, v13;
	[tilespmem:s22+$0x6878] =	vst v0;
	v0 =	vsel vm10, v62, v8  }
0x64: {  	vm13 =	vlt.s32 v60, $0xC350;
	v16 =	vadd.s32 $0xFFFE7961, v15;
	[tilespmem:s22+$0x6898] =	vst v0;
	v0 =	vsel vm12, v13, v14  }
0x65: {  	s31 =	smul.u32 $0x1A0, s19;
	v17 =	vsel vm13, v15, v16;
	[tilespmem:s22+$0x68B8] =	vst v0  }
0x66: {  	[tilespmem:s22+$0x68BC] =	vst v17  }
0x67: {  	v0 =	vld [tilespmem:s31+$0x270]  }
0x68: {  	v18 =	vld [tilespmem:s31+$0x280]  }
0x69: {  	v19 =	vld [tilespmem:s31+$0x290]  }
0x6a: {  	v20 =	vld [tilespmem:s31+$0x2A0]  }
0x6b: {  	v22 =	vld [tilespmem:s31+$0x2B0]  }
0x6c: {  	v25 =	vld [tilespmem:s31+$0x2C0]  }
0x6d: {  	v29 =	vld [tilespmem:s31+$0x2C4]  }
0x6e: {  	v32 =	vld [tilespmem:s31+$0x2D8];
	v21 =	vshll.u32 v0, $0x1  }
0x6f: {  	vm14 =	vlt.s32 v0, $0xC350;
	v24 =	vshll.u32 v18, $0x1;
	vm15 =	vlt.s32 v18, $0xC350  }
0x70: {  	v33 =	vld [tilespmem:s31+$0x2E8];
	v27 =	vshll.u32 v19, $0x1;
	vm4 =	vlt.s32 v19, $0xC350;
	v28 =	vshll.u32 v20, $0x1  }
0x71: {  	v36 =	vld [tilespmem:s31+$0x2F8];
	vm5 =	vlt.s32 v20, $0xC350;
	v34 =	vshll.u32 v22, $0x1;
	vm6 =	vlt.s32 v22, $0xC350  }
0x72: {  	v35 =	vshll.u32 v25, $0x1;
	vm7 =	vlt.s32 v25, $0xC350;
	v40 =	vshll.u32 v29, $0x1  }
0x73: {  	v44 =	vld [tilespmem:s31+$0x318];
	vm8 =	vlt.s32 v29, $0xC350;
	v43 =	vshll.u32 v32, $0x1;
	v23 =	vadd.s32 $0xFFFE7961, v21  }
0x74: {  	vm9 =	vlt.s32 v32, $0xC350;
	v26 =	vadd.s32 $0xFFFE7961, v24;
	v0 =	vsel vm14, v21, v23  }
0x75: {  	v47 =	vshll.u32 v33, $0x1;
	v30 =	vadd.s32 $0xFFFE7961, v27;
	v1 =	vsel vm15, v24, v26;
	[tilespmem:s31+$0x6A70] =	vst v0  }
0x76: {  	v41 =	vld [tilespmem:s31+$0x308];
	v48 =	vshll.u32 v36, $0x1;
	v31 =	vadd.s32 $0xFFFE7961, v28;
	v4 =	vsel vm4, v27, v30;
	[tilespmem:s31+$0x6A80] =	vst v1  }
0x77: {  	vm11 =	vlt.s32 v36, $0xC350;
	v38 =	vadd.s32 $0xFFFE7961, v35;
	v2 =	vsel vm5, v28, v31;
	[tilespmem:s31+$0x6A90] =	vst v4  }
0x78: {  	v49 =	vld [tilespmem:s31+$0x328];
	v55 =	vshll.u32 v44, $0x1;
	v51 =	vadd.s32 $0xFFFE7961, v48;
	v39 =	vsel vm7, v35, v38;
	[tilespmem:s31+$0x6AA0] =	vst v2  }
0x79: {  	v52 =	vld [tilespmem:s31+$0x32C];
	vm13 =	vlt.s32 v44, $0xC350;
	v57 =	vadd.s32 $0xFFFE7961, v55;
	v53 =	vsel vm11, v48, v51;
	[tilespmem:s31+$0x6AC0] =	vst v39  }
0x7a: {  	vm10 =	vlt.s32 v33, $0xC350;
	v37 =	vadd.s32 $0xFFFE7961, v34;
	v58 =	vsel vm13, v55, v57;
	[tilespmem:s31+$0x6AF8] =	vst v53  }
0x7b: {  	v54 =	vshll.u32 v41, $0x1;
	v42 =	vadd.s32 $0xFFFE7961, v40;
	v0 =	vsel vm6, v34, v37;
	[tilespmem:s31+$0x6B18] =	vst v58  }
0x7c: {  	vm12 =	vlt.s32 v41, $0xC350;
	v46 =	vadd.s32 $0xFFFE7961, v43;
	v45 =	vsel vm8, v40, v42;
	[tilespmem:s31+$0x6AB0] =	vst v0  }
0x7d: {  	v59 =	vshll.u32 v49, $0x1;
	v50 =	vadd.s32 $0xFFFE7961, v47;
	v4 =	vsel vm9, v43, v46;
	[tilespmem:s31+$0x6AC4] =	vst v45  }
0x7e: {  	v61 =	vshll.u32 v52, $0x1;
	v56 =	vadd.s32 $0xFFFE7961, v54;
	v0 =	vsel vm10, v47, v50;
	[tilespmem:s31+$0x6AD8] =	vst v4  }
0x7f: {  	v60 =	vadd.s32 $0xFFFE7961, v59;
	vm14 =	vlt.s32 v49, $0xC350;
	[tilespmem:s31+$0x6AE8] =	vst v0;
	v0 =	vsel vm12, v54, v56  }
0x80: {  	v62 =	vadd.s32 $0xFFFE7961, v61;
	vm15 =	vlt.s32 v52, $0xC350;
	[tilespmem:s31+$0x6B08] =	vst v0;
	v0 =	vsel vm14, v59, v60  }
0x81: {  	v63 =	vsel vm15, v61, v62;
	[tilespmem:s31+$0x6B28] =	vst v0  }
0x82: {  	[tilespmem:s31+$0x6B2C] =	vst v63  }
.LBB2_4:
0x83: {  	s21 =	sor.u32 $0x1, s21  }
0x84: {  	s22 =	smul.u32 $0x340, s21;
	_ =	sdelay $0x1  }
0x85: {  	s22 =	sshra.s32 s22, $0x2  }
0x86: {  	s23 =	sadd.s32 $0x6800, s22  }
0x87: {  	[tilespmem:s13], [sflag:$0x2] =	stream.indirect.gather [hbm4b:s3+s8], $0x40, s23, s8, $0xb8;
	[tilespmem:$0x17400] =	vst v63  }
0x88: {  	s22 =	sadd.s32 $0x6868, s22  }
0x89: {  	[tilespmem:s14], [sflag:$0x2] =	stream.indirect.gather [hbm4b:s3+s8], $0x40, s22, s8, $0xb8;
	[tilespmem:$0x17400] =	vst v63  }
0x8a: {  	_ =	swait.ge [sflag:s15], $0x1900  }
0x8b: {  	[sflag:s15] =	ssyncset.done $0x0  }
0x8c: {  	[sflag:s15] =	ssyncadd.s32 $0xFFFFE700  }
0x8d: {  	_ =	swait.ge [sflag:s15], $0x1900  }
0x8e: {  	[sflag:s15] =	ssyncset.done $0x0  }
0x8f: {  	s22 =	simm.s32 $0x20;
	[sflag:s15] =	ssyncadd.s32 $0xFFFFE700  }
0x90: {  	v0 =	vld [tilespmem:s22+$0xE8E0]  }
0x91: {  	v1 =	vld [tilespmem:s22+$0xE8F0]  }
0x92: {  	v2 =	vld [tilespmem:s22+$0xE900]  }
0x93: {  	v17 =	vld [tilespmem:s22+$0xCFE0]  }
0x94: {  	v8 =	vimm.f32 $0.0e+00;
	v15 =	vimm.f32 $0.0e+00;
	v12 =	vld [tilespmem:s22+$0xCFF0]  }
0x95: {  	v14 =	vimm.f32 $0.0e+00;
	v4 =	vimm.f32 $0.0e+00;
	v9 =	vimm.f32 $0.0e+00  }
0x96: {  	v11 =	vimm.f32 $0.0e+00;
	v10 =	vld [tilespmem:s22+$0xD000];
	v16 =	vshll.u32 v0, $0x10;
	v6 =	vand.u32 $0xFFFF0000, v0  }
0x97: {  	v13 =	vshll.u32 v1, $0x10;
	v3 =	vand.u32 $0xFFFF0000, v1;
	v5 =	vshll.u32 v2, $0x10  }
0x98: {  	s23 =	simm.s32 $0x180;
	v7 =	vld [tilespmem:s22+$0xD010];
	v0 =	vand.u32 $0xFFFF0000, v2;
	v2 =	vimm.f32 $0.0e+00;
	v1 =	vimm.f32 $0.0e+00  }
.LBB2_5:
0x99: {  	p1 =	sne.s32 s23, $0x6380;
	v18 =	vshll.u32 v17, $0x10;
	v17 =	vand.u32 $0xFFFF0000, v17;
	v19 =	vshll.u32 v12, $0x10  }
0x9a: {  	v12 =	vand.u32 $0xFFFF0000, v12;
	v8 =	vadd.f32 v18, v8;
	v15 =	vadd.f32 v17, v15;
	v18 =	vld [tilespmem:s22+$0xE910];
	s22 =	sshra.s32 s23, $0x2  }
0x9b: {  	v14 =	vadd.f32 v19, v14;
	v4 =	vadd.f32 v12, v4;
	v20 =	vld [tilespmem:s22+$0xE8E0];
	v12 =	vshll.u32 v10, $0x10  }
0x9c: {  	v10 =	vand.u32 $0xFFFF0000, v10;
	v19 =	vld [tilespmem:s22+$0xE8F0];
	v8 =	vadd.f32 v16, v8;
	v15 =	vadd.f32 v6, v15  }
0x9d: {  	v14 =	vadd.f32 v13, v14;
	v4 =	vadd.f32 v3, v4;
	v21 =	vld [tilespmem:s22+$0xE900];
	v6 =	vshll.u32 v7, $0x10  }
0x9e: {  	v3 =	vadd.f32 v12, v9;
	v2 =	vadd.f32 v10, v2;
	v7 =	vand.u32 $0xFFFF0000, v7;
	v17 =	vld [tilespmem:s22+$0xCFE0]  }
.Ltmp1:
0x9f: {  	v6 =	vadd.f32 v6, v11;
	v1 =	vadd.f32 v7, v1;
	v12 =	vld [tilespmem:s22+$0xCFF0];
	v7 =	vshll.u32 v18, $0x10;
	(pc) =	sbr.rel @p1 .LBB2_5-.Ltmp1, $4  }
0xa0: {  	v9 =	vadd.f32 v5, v3;
	v2 =	vadd.f32 v0, v2;
	v0 =	vand.u32 $0xFFFF0000, v18  }
0xa1: {  	v11 =	vadd.f32 v7, v6;
	v1 =	vadd.f32 v0, v1;
	v10 =	vld [tilespmem:s22+$0xD000]  }
0xa2: {  	v16 =	vshll.u32 v20, $0x10;
	v6 =	vand.u32 $0xFFFF0000, v20;
	v13 =	vshll.u32 v19, $0x10  }
0xa3: {  	s23 =	sadd.s32 $0x100, s23;
	v3 =	vand.u32 $0xFFFF0000, v19;
	v5 =	vshll.u32 v21, $0x10;
	v0 =	vand.u32 $0xFFFF0000, v21;
	v7 =	vld [tilespmem:s22+$0xD010]  }
0xa4: {  	v18 =	vshll.u32 v17, $0x10  }
0xa5: {  	v17 =	vand.u32 $0xFFFF0000, v17;
	v8 =	vadd.f32 v18, v8;
	v18 =	vshll.u32 v12, $0x10  }
0xa6: {  	v19 =	vld [tilespmem:s22+$0xE910];
	v15 =	vadd.f32 v17, v15;
	v12 =	vand.u32 $0xFFFF0000, v12;
	v14 =	vadd.f32 v18, v14  }
0xa7: {  	s31 =	sshll.u32 s19, $0x8;
	v17 =	vshll.u32 v10, $0x10;
	v4 =	vadd.f32 v12, v4;
	v8 =	vadd.f32 v16, v8  }
0xa8: {  	s22 =	sand.u32 $0x3FFFFF00, s31;
	v9 =	vadd.f32 v17, v9;
	v6 =	vadd.f32 v6, v15  }
0xa9: {  	v16 =	vshll.u32 v7, $0x10;
	v13 =	vadd.f32 v13, v14;
	v7 =	vand.u32 $0xFFFF0000, v7;
	[tilespmem:s22+$0x13400] =	vst v8  }
0xaa: {  	v3 =	vadd.f32 v3, v4;
	v11 =	vadd.f32 v16, v11;
	v8 =	vand.u32 $0xFFFF0000, v10;
	[tilespmem:s22+$0x13440] =	vst v6  }
0xab: {  	v14 =	vshll.u32 v19, $0x10;
	v5 =	vadd.f32 v5, v9;
	[tilespmem:s22+$0x13410] =	vst v13;
	v2 =	vadd.f32 v8, v2  }
0xac: {  	v1 =	vadd.f32 v7, v1;
	[tilespmem:s22+$0x13450] =	vst v3;
	v9 =	vadd.f32 v14, v11  }
0xad: {  	s20 =	smul.u32 @!p0 $0x340, s20;
	[tilespmem:s22+$0x13420] =	vst v5;
	v0 =	vadd.f32 v0, v2;
	v2 =	vand.u32 $0xFFFF0000, v19  }
0xae: {  	[tilespmem:s22+$0x13430] =	vst v9;
	v1 =	vadd.f32 v2, v1  }
0xaf: {  	s20 =	sshra.s32 @!p0 s20, $0x2;
	[tilespmem:s22+$0x13460] =	vst v0  }
0xb0: {  	s23 =	simm.s32 @!p0 $0x64;
	s24 =	simm.s32 @!p0 $0xD000;
	[tilespmem:s22+$0x13470] =	vst v1;
	s22 =	sadd.s32 @!p0 $0x6800, s20  }
0xb1: {  	[tilespmem:s24], [sflag:$0x1] =	stream.indirect.gather @!p0 [hbm4b:s3+s23], $0x40, s22, s23, $0xb8;
	[tilespmem:$0x17400] =	vst v63  }
0xb2: {  	s20 =	sadd.s32 @!p0 $0x6868, s20;
	s22 =	simm.s32 @!p0 $0xE900  }
0xb3: {  	[tilespmem:s22], [sflag:$0x1] =	stream.indirect.gather @!p0 [hbm4b:s3+s23], $0x40, s20, s23, $0xb8;
	[tilespmem:$0x17400] =	vst v63  }
0xb4: {  	_ =	swait.ge [sflag:s16], $0x1900  }
0xb5: {  	[sflag:s16] =	ssyncset.done $0x0  }
0xb6: {  	[sflag:s16] =	ssyncadd.s32 $0xFFFFE700  }
0xb7: {  	_ =	swait.ge [sflag:s16], $0x1900  }
0xb8: {  	[sflag:s16] =	ssyncset.done $0x0  }
0xb9: {  	s20 =	simm.s32 $0x0;
	[sflag:s16] =	ssyncadd.s32 $0xFFFFE700  }
0xba: {  	v0 =	vld [tilespmem:s20+$0x11B00]  }
0xbb: {  	v1 =	vld [tilespmem:s20+$0x11B10]  }
0xbc: {  	v2 =	vld [tilespmem:s20+$0x11B20]  }
0xbd: {  	v17 =	vld [tilespmem:s20+$0x10200]  }
0xbe: {  	v15 =	vimm.f32 $0.0e+00;
	v4 =	vimm.f32 $0.0e+00;
	v12 =	vld [tilespmem:s20+$0x10210]  }
0xbf: {  	v8 =	vimm.f32 $0.0e+00;
	v14 =	vimm.f32 $0.0e+00;
	v11 =	vimm.f32 $0.0e+00  }
0xc0: {  	v9 =	vimm.f32 $0.0e+00;
	v10 =	vld [tilespmem:s20+$0x10220];
	v16 =	vshll.u32 v0, $0x10;
	v6 =	vand.u32 $0xFFFF0000, v0  }
0xc1: {  	v13 =	vshll.u32 v1, $0x10;
	v3 =	vand.u32 $0xFFFF0000, v1;
	v5 =	vshll.u32 v2, $0x10  }
0xc2: {  	s22 =	simm.s32 $0x100;
	v7 =	vld [tilespmem:s20+$0x10230];
	v0 =	vand.u32 $0xFFFF0000, v2;
	v2 =	vimm.f32 $0.0e+00;
	v1 =	vimm.f32 $0.0e+00  }
.LBB2_7:
0xc3: {  	p0 =	sne.s32 s22, $0x6300;
	v18 =	vshll.u32 v17, $0x10;
	v17 =	vand.u32 $0xFFFF0000, v17;
	v19 =	vshll.u32 v12, $0x10  }
0xc4: {  	v12 =	vand.u32 $0xFFFF0000, v12;
	v8 =	vadd.f32 v18, v8;
	v15 =	vadd.f32 v17, v15;
	v18 =	vld [tilespmem:s20+$0x11B30];
	s20 =	sshra.s32 s22, $0x2  }
0xc5: {  	v14 =	vadd.f32 v19, v14;
	v4 =	vadd.f32 v12, v4;
	v20 =	vld [tilespmem:s20+$0x11B00];
	v12 =	vshll.u32 v10, $0x10  }
0xc6: {  	v10 =	vand.u32 $0xFFFF0000, v10;
	v19 =	vld [tilespmem:s20+$0x11B10];
	v8 =	vadd.f32 v16, v8;
	v15 =	vadd.f32 v6, v15  }
0xc7: {  	v14 =	vadd.f32 v13, v14;
	v4 =	vadd.f32 v3, v4;
	v21 =	vld [tilespmem:s20+$0x11B20];
	v6 =	vshll.u32 v7, $0x10  }
0xc8: {  	v3 =	vadd.f32 v12, v9;
	v2 =	vadd.f32 v10, v2;
	v7 =	vand.u32 $0xFFFF0000, v7;
	v17 =	vld [tilespmem:s20+$0x10200]  }
.Ltmp2:
0xc9: {  	v6 =	vadd.f32 v6, v11;
	v1 =	vadd.f32 v7, v1;
	v12 =	vld [tilespmem:s20+$0x10210];
	v7 =	vshll.u32 v18, $0x10;
	(pc) =	sbr.rel @p0 .LBB2_7-.Ltmp2, $4  }
0xca: {  	v9 =	vadd.f32 v5, v3;
	v2 =	vadd.f32 v0, v2;
	v0 =	vand.u32 $0xFFFF0000, v18  }
0xcb: {  	v11 =	vadd.f32 v7, v6;
	v1 =	vadd.f32 v0, v1;
	v10 =	vld [tilespmem:s20+$0x10220]  }
0xcc: {  	v16 =	vshll.u32 v20, $0x10;
	v6 =	vand.u32 $0xFFFF0000, v20;
	v13 =	vshll.u32 v19, $0x10  }
0xcd: {  	s22 =	sadd.s32 $0x100, s22;
	v3 =	vand.u32 $0xFFFF0000, v19;
	v5 =	vshll.u32 v21, $0x10;
	v0 =	vand.u32 $0xFFFF0000, v21;
	v7 =	vld [tilespmem:s20+$0x10230]  }
0xce: {  	v18 =	vshll.u32 v17, $0x10  }
0xcf: {  	v55 =	vshll.u32 v12, $0x10;
	v8 =	vadd.f32 v18, v8  }
0xd0: {  	v54 =	vand.u32 $0xFFFF0000, v17;
	v14 =	vadd.f32 v55, v14  }
0xd1: {  	v19 =	vld [tilespmem:s20+$0x11B30];
	s31 =	sshll.u32 s21, $0x7;
	v58 =	vand.u32 $0xFFFF0000, v12;
	v15 =	vadd.f32 v54, v15;
	v8 =	vadd.f32 v16, v8  }
0xd2: {  	s20 =	sand.u32 $0x3FFFFF80, s31;
	v4 =	vadd.f32 v58, v4;
	v56 =	vshll.u32 v10, $0x10;
	v13 =	vadd.f32 v13, v14  }
0xd3: {  	v60 =	vand.u32 $0xFFFF0000, v10;
	v9 =	vadd.f32 v56, v9;
	v6 =	vadd.f32 v6, v15;
	[tilespmem:s20+$0x13400] =	vst v8  }
0xd4: {  	s19 =	sadd.s32 $0x1, s19;
	v2 =	vadd.f32 v60, v2;
	v3 =	vadd.f32 v3, v4;
	v57 =	vshll.u32 v7, $0x10;
	[tilespmem:s20+$0x13410] =	vst v13  }
0xd5: {  	p0 =	sne.s32 s19, $0x40;
	v62 =	vand.u32 $0xFFFF0000, v7;
	v11 =	vadd.f32 v57, v11;
	v5 =	vadd.f32 v5, v9;
	[tilespmem:s20+$0x13440] =	vst v6  }
.Ltmp3:
0xd6: {  	v59 =	vshll.u32 v19, $0x10;
	v1 =	vadd.f32 v62, v1;
	v0 =	vadd.f32 v0, v2;
	[tilespmem:s20+$0x13450] =	vst v3;
	(pc) =	sbr.rel @p0 .LBB2_2-.Ltmp3, $4  }
0xd7: {  	v63 =	vand.u32 $0xFFFF0000, v19;
	v61 =	vadd.f32 v59, v11;
	[tilespmem:s20+$0x13420] =	vst v5  }
0xd8: {  	v1 =	vadd.f32 v63, v1;
	[tilespmem:s20+$0x13460] =	vst v0  }
0xd9: {  	[tilespmem:s20+$0x13430] =	vst v61  }
0xda: {  	[tilespmem:s20+$0x13470] =	vst v1  }
0xdb: {  	s18 =	sadd.s32 $0x1, s18  }
0xdc: {  	p0 =	sne.s32 s18, s6  }
.Ltmp4:
0xdd: {  	_ = 	snop;
	(pc) =	sbr.rel @p0 .LBB2_1-.Ltmp4, $4  }
0xde: {  	[hbm4b:s5+s2] =	stream.linear.scatter [tilespmem:s17], [sflag:$0x3], $0x4000, $0x38;
	[tilespmem:$0x17400] =	vst v63  }
0xdf: {  	_ =	swait.ge [sflag:s7], $0x4000  }
0xe0: {  	[sflag:s7] =	ssyncset.done $0x0  }
0xe1: {  	[sflag:s7] =	ssyncadd.s32 $0xFFFFC000  }
0xe2: {  	_ =	sfence.sel $0x180000  }
0xe3: {  	[bflag:$0x0] =	sbarrier.arrive $0xFFFF  }
0xe4: {  	p0 =	sne.s32 s1, $0x0;
	_ =	strace $0x90000047  }
0xe5: {  	s0 =	sadd.s32 @!p0 $0x100000, s0;
	[bflag:$0x2] =	sbarrier.arrive $0xFFFF  }
0xe6: {  	[sflag:s0] =	ssyncadd.tile.s32 @!p0 $0x1;
	_ =	shalt  }
.Lfunc_end2:
_tile_overlayer_lowered:
.L_overlay_start_2:
0xe7: {  	(tag) =	ssettag $0x2  }
0xe8: {  	s0 =	rddreg [dreg:$0x0];
	s2 =	stileid.u32  }
0xe9: {  	s1 =	rddreg [dreg:$0x1];
	p0 =	sne.s32 s2, $0x0  }
0xea: {  	s3 =	rddreg [dreg:$0x2];
	[bflag:$0x3] =	sbarrier.arrive $0xFFFF;
	s2 =	simm.s32 @!p0 $0x1C03  }
0xeb: {  	[timem:s3], [sflag:s2] =	dma.local @!p0 [hbm:s0], s1  }
0xec: {  	s0 =	simm.s32 @!p0 $0x3  }
0xed: {  	_ =	swait.ge @!p0 [sflag:s0], s1  }
0xee: {  	s1 =	ssub.s32 @!p0 $0x0, s1;
	[sflag:s0] =	ssyncset.done @!p0 $0x0  }
0xef: {  	[sflag:s0] =	ssyncadd.s32 @!p0 s1  }
0xf0: {  	[bflag:$0x3] =	sbarrier.arrive $0xFFFF  }
0xf1: {  	_ =	shalt  }

</sc_bundles>
